<compile_context>
chip_gen: v7x
topology: tpu7x:2x2x1
jax: 0.10.2.dev20260603
libtpu: 0.0.44.dev20260713+nightly
codegen_flags: <defaults>
</compile_context>

<pallas_src>
import functools

import jax
import jax.numpy as jnp
from jax import lax
from jax.experimental import pallas as pl
from jax.experimental.pallas import tpu as pltpu
from jax.experimental.pallas import tpu_sc as plsc

_B = 512
_NO = 3000
_R0 = 2880
_NOB = 576
_NW = 32
_L = 16
_SMAX = 1


def _tc_body(obj_ref, dist_ref, idx_ref, out_ref, *, scale):
    i = pl.program_id(0)

    @pl.when(i == 0)
    def _():
        out_ref[0, 0] = 0.0

    s = obj_ref[0] + obj_ref[1] + obj_ref[2]
    idxf = idx_ref[...].astype(jnp.float32)
    t = idxf * (3.0 * idxf - s)
    contrib = jnp.where(t > 0.0, dist_ref[...], 0.0)
    out_ref[0, 0] += jnp.sum(contrib) * scale


def _sc_body(obj_hbm, dist_hbm, idx_hbm, out_hbm, bufs, sems, accb,
             *, n_stripes, stripe0, scale):
    wid = lax.axis_index("s") * 2 + lax.axis_index("c")
    lo = stripe0 + (n_stripes * wid) // _NW
    hi = stripe0 + (n_stripes * (wid + 1)) // _NW
    cnt = hi - lo

    def srcs(s):
        r = pl.multiple_of((lo + s) * 8, 8)
        xb, yb, zb, db, ib = bufs[s]
        return (
            (obj_hbm.at[0, pl.ds(r, 8), :], xb),
            (obj_hbm.at[1, pl.ds(r, 8), :], yb),
            (obj_hbm.at[2, pl.ds(r, 8), :], zb),
            (dist_hbm.at[pl.ds(r, 8), :], db),
            (idx_hbm.at[pl.ds(r, 8), :], ib),
        )

    for s in range(_SMAX):
        @pl.when(s < cnt)
        def _(s=s):
            for src, dst in srcs(s):
                pltpu.async_copy(src, dst, sems[s])

    accb[...] = jnp.zeros((_L,), jnp.float32)
    for s in range(_SMAX):
        @pl.when(s < cnt)
        def _(s=s):
            for src, dst in srcs(s):
                pltpu.make_async_copy(src, dst, sems[s]).wait()
            xb, yb, zb, db, ib = bufs[s]
            acc = jnp.zeros((_L,), jnp.float32)
            for rr in range(8):
                def g_body(g, a, rr=rr):
                    res = a
                    for u in range(4):
                        o = (g * 4 + u) * _L
                        x = xb[rr, pl.ds(o, _L)]
                        y = yb[rr, pl.ds(o, _L)]
                        z = zb[rr, pl.ds(o, _L)]
                        idxf = ib[rr, pl.ds(o, _L)].astype(jnp.float32)
                        d = db[rr, pl.ds(o, _L)]
                        t = idxf * (3.0 * idxf - (x + y + z))
                        res = res + jnp.where(t > 0.0, d, 0.0)
                    return res

                acc = lax.fori_loop(0, _B // (_L * 4), g_body, acc)
            accb[...] += acc * scale

    pltpu.sync_copy(accb, out_hbm.at[wid])


def kernel(hand_xyz, hand_face, obj_xyz, nn_dist, nn_idx):
    del hand_face
    bsz = hand_xyz.shape[0]
    scale = 100.0 / bsz

    obj_t = jnp.transpose(obj_xyz, (2, 1, 0))
    dist_t = nn_dist.T
    idx_t = nn_idx.T

    tc_out = pl.pallas_call(
        functools.partial(_tc_body, scale=scale),
        grid=(_R0 // _NOB,),
        in_specs=[
            pl.BlockSpec((3, _NOB, _B), lambda i: (0, i, 0)),
            pl.BlockSpec((_NOB, _B), lambda i: (i, 0)),
            pl.BlockSpec((_NOB, _B), lambda i: (i, 0)),
        ],
        out_specs=pl.BlockSpec(
            (1, 1), lambda i: (0, 0), memory_space=pltpu.SMEM
        ),
        out_shape=jax.ShapeDtypeStruct((1, 1), jnp.float32),
    )(obj_t, dist_t, idx_t)

    n_stripes = (_NO - _R0) // 8
    mesh = plsc.VectorSubcoreMesh(core_axis_name="c", subcore_axis_name="s")
    stripe_bufs = [
        [
            pltpu.VMEM((8, _B), jnp.float32),
            pltpu.VMEM((8, _B), jnp.float32),
            pltpu.VMEM((8, _B), jnp.float32),
            pltpu.VMEM((8, _B), jnp.float32),
            pltpu.VMEM((8, _B), jnp.int32),
        ]
        for _ in range(_SMAX)
    ]
    sc = functools.partial(
        pl.kernel,
        mesh=mesh,
        out_type=jax.ShapeDtypeStruct((_NW, _L), jnp.float32),
        scratch_types=[
            stripe_bufs,
            [pltpu.SemaphoreType.DMA for _ in range(_SMAX)],
            pltpu.VMEM((_L,), jnp.float32),
        ],
        compiler_params=pltpu.CompilerParams(use_tc_tiling_on_sc=True, skip_device_barrier=True),
    )(functools.partial(
        _sc_body, n_stripes=n_stripes, stripe0=_R0 // 8, scale=scale))
    sc_parts = sc(obj_t, dist_t, idx_t)

    return tc_out[0, 0] + jnp.sum(sc_parts)

# --- scband reference (transcript-rebuilt; emitter-appended) ---
"""Pipeline reference for scband-inter-penetr-loss-28114855920183 (READ-ONLY COPY).

The authoritative reference and input builder live on the scoring server;
editing this copy changes nothing except your own understanding.
"""

import jax, jax.numpy as jnp
import numpy as np

B = 512
NV = 778
NF = 1538
NO = 3000


def _vertex_normals(verts, faces):
    # verts: [NV, 3] float, faces: [NF, 3] int
    vf = verts[faces]  # [NF, 3, 3]
    # pytorch3d accumulates the (area-weighted) face normal at each of the 3 vertices;
    # all three adjacent-edge cross products equal the same face normal vector.
    n0 = jnp.cross(vf[:, 1] - vf[:, 0], vf[:, 2] - vf[:, 0])
    n1 = jnp.cross(vf[:, 2] - vf[:, 1], vf[:, 0] - vf[:, 1])
    n2 = jnp.cross(vf[:, 0] - vf[:, 2], vf[:, 1] - vf[:, 2])
    vn = jnp.zeros_like(verts)
    vn = vn.at[faces[:, 0]].add(n0)
    vn = vn.at[faces[:, 1]].add(n1)
    vn = vn.at[faces[:, 2]].add(n2)
    norm = jnp.linalg.norm(vn, axis=1, keepdims=True)
    return vn / jnp.maximum(norm, 1e-6)


def setup_inputs(seed: int = 0) -> dict:
    key = jax.random.key(seed)
    k1, k2, k3, k4, k5 = jax.random.split(key, 5)
    hand_xyz = jax.random.normal(k1, (B, NV, 3), dtype=jnp.float32)
    hand_face = jax.random.randint(k2, (B, NF, 3), 0, NV, dtype=jnp.int64)
    obj_xyz = jax.random.normal(k3, (B, NO, 3), dtype=jnp.float32)
    nn_dist = jax.random.uniform(k4, (B, NO), dtype=jnp.float32)
    nn_idx = jax.random.randint(k5, (B, NO), 0, NV, dtype=jnp.int64)
    return {"hand_xyz": hand_xyz, "hand_face": hand_face, "obj_xyz": obj_xyz, "nn_dist": nn_dist, "nn_idx": nn_idx}


def reference(hand_xyz, hand_face, obj_xyz, nn_dist, nn_idx):
    Bsz = hand_xyz.shape[0]
    # pytorch3d Meshes(verts, faces).verts_normals_packed().view(-1, 778, 3)
    hand_normal = jax.vmap(_vertex_normals)(hand_xyz, hand_face)
    # NOTE: the original batched_index_select returns the EXPANDED INDEX tensor
    # (not a gather), so both 'NN_src_xyz' and 'NN_src_normal' are the index
    # broadcast to [B, N2, 3]; we reproduce this exactly.
    idx_exp = jnp.broadcast_to(nn_idx[:, :, None], (nn_idx.shape[0], nn_idx.shape[1], 3)).astype(jnp.float32)
    NN_vector = idx_exp - obj_xyz
    interior = (NN_vector * idx_exp).sum(axis=-1) > 0
    penetr_dist = jnp.where(interior, nn_dist, 0.0).sum() / Bsz
    # hand_normal is dead w.r.t. the returned scalar (matching the original code's dataflow)
    _ = hand_normal
    return 100.0 * penetr_dist

if __name__ == "__main__":
    import jax
    _d = setup_inputs()
    print(jax.jit(kernel)(*tuple(_d.values())))

</pallas_src>

<mosaic_0001>
#map = affine_map<(d0, d1) -> (0, 0, 0)>
#map1 = affine_map<(d0, d1) -> (0, 0)>
module attributes {stable_mosaic.version = 14 : i64} {
  func.func @_sc_body(%arg0: i32, %arg1: i32, %arg2: memref<3x3000x512xf32, #tpu.memory_space<hbm>>, %arg3: memref<3000x512xf32, #tpu.memory_space<hbm>>, %arg4: memref<3000x512xi32, #tpu.memory_space<hbm>>, %arg5: memref<32x16xf32, #tpu.memory_space<hbm>>, %arg6: memref<8x512xf32, #tpu.memory_space<vmem>>, %arg7: memref<8x512xf32, #tpu.memory_space<vmem>>, %arg8: memref<8x512xf32, #tpu.memory_space<vmem>>, %arg9: memref<8x512xf32, #tpu.memory_space<vmem>>, %arg10: memref<8x512xi32, #tpu.memory_space<vmem>>, %arg11: memref<!tpu.dma_semaphore, #tpu.memory_space<semaphore_mem>>, %arg12: memref<16xf32, #tpu.memory_space<vmem>>) attributes {dimension_semantics = [#tpu.dimension_semantics<core_parallel>, #tpu.dimension_semantics<subcore_parallel>], iteration_bounds = array<i64: 2, 16>, scalar_prefetch = 0 : i64, scratch_operands = 7 : i64, tpu.core_type = #tpu.core_type<sc_vector_subcore>, window_params = [{transform_indices = #map}, {transform_indices = #map1}, {transform_indices = #map1}, {transform_indices = #map1}]} {
    %mul3A = arith.constant 2 : i32
    %mul3A_0 = arith.muli %arg1, %mul3A : i32
    %add3A = arith.addi %mul3A_0, %arg0 : i32
    %mul3A_1 = arith.constant 15 : i32
    %mul3A_2 = arith.muli %mul3A_1, %add3A : i32
    %jit3A = arith.constant 32 : i32
    %div3A = arith.divsi %mul3A_2, %jit3A : i32
    %sign3A = arith.constant 0 : i32
    %sign3A_3 = arith.cmpi sgt, %mul3A_2, %sign3A : i32
    %sign3A_4 = arith.extui %sign3A_3 : i1 to i32
    %sign3A_5 = arith.constant 0 : i32
    %sign3A_6 = arith.cmpi slt, %mul3A_2, %sign3A_5 : i32
    %sign3A_7 = arith.extui %sign3A_6 : i1 to i32
    %sign3A_8 = arith.subi %sign3A_4, %sign3A_7 : i32
    %sign3A_9 = arith.constant 0 : i32
    %sign3A_10 = arith.cmpi sgt, %jit3A, %sign3A_9 : i32
    %sign3A_11 = arith.extui %sign3A_10 : i1 to i32
    %sign3A_12 = arith.constant 0 : i32
    %sign3A_13 = arith.cmpi slt, %jit3A, %sign3A_12 : i32
    %sign3A_14 = arith.extui %sign3A_13 : i1 to i32
    %sign3A_15 = arith.subi %sign3A_11, %sign3A_14 : i32
    %ne3A = arith.cmpi ne, %sign3A_8, %sign3A_15 : i32
    %rem3A = arith.remsi %mul3A_2, %jit3A : i32
    %ne3A_16 = arith.constant 0 : i32
    %ne3A_17 = arith.cmpi ne, %rem3A, %ne3A_16 : i32
    %and3A = arith.andi %ne3A, %ne3A_17 : i1
    %sub3A = arith.constant 1 : i32
    %sub3A_18 = arith.subi %div3A, %sub3A : i32
    %select_n3A = arith.select %and3A, %sub3A_18, %div3A : i32
    %add3A_19 = arith.constant 360 : i32
    %add3A_20 = arith.addi %add3A_19, %select_n3A : i32
    %add3A_21 = arith.constant 1 : i32
    %add3A_22 = arith.addi %add3A, %add3A_21 : i32
    %mul3A_23 = arith.constant 15 : i32
    %mul3A_24 = arith.muli %mul3A_23, %add3A_22 : i32
    %jit3A_25 = arith.constant 32 : i32
    %div3A_26 = arith.divsi %mul3A_24, %jit3A_25 : i32
    %sign3A_27 = arith.constant 0 : i32
    %sign3A_28 = arith.cmpi sgt, %mul3A_24, %sign3A_27 : i32
    %sign3A_29 = arith.extui %sign3A_28 : i1 to i32
    %sign3A_30 = arith.constant 0 : i32
    %sign3A_31 = arith.cmpi slt, %mul3A_24, %sign3A_30 : i32
    %sign3A_32 = arith.extui %sign3A_31 : i1 to i32
    %sign3A_33 = arith.subi %sign3A_29, %sign3A_32 : i32
    %sign3A_34 = arith.constant 0 : i32
    %sign3A_35 = arith.cmpi sgt, %jit3A_25, %sign3A_34 : i32
    %sign3A_36 = arith.extui %sign3A_35 : i1 to i32
    %sign3A_37 = arith.constant 0 : i32
    %sign3A_38 = arith.cmpi slt, %jit3A_25, %sign3A_37 : i32
    %sign3A_39 = arith.extui %sign3A_38 : i1 to i32
    %sign3A_40 = arith.subi %sign3A_36, %sign3A_39 : i32
    %ne3A_41 = arith.cmpi ne, %sign3A_33, %sign3A_40 : i32
    %rem3A_42 = arith.remsi %mul3A_24, %jit3A_25 : i32
    %ne3A_43 = arith.constant 0 : i32
    %ne3A_44 = arith.cmpi ne, %rem3A_42, %ne3A_43 : i32
    %and3A_45 = arith.andi %ne3A_41, %ne3A_44 : i1
    %sub3A_46 = arith.constant 1 : i32
    %sub3A_47 = arith.subi %div3A_26, %sub3A_46 : i32
    %select_n3A_48 = arith.select %and3A_45, %sub3A_47, %div3A_26 : i32
    %add3A_49 = arith.constant 360 : i32
    %add3A_50 = arith.addi %add3A_49, %select_n3A_48 : i32
    %sub3A_51 = arith.subi %add3A_50, %add3A_20 : i32
    %gt3A = arith.constant 0 : i32
    %gt3A_52 = arith.cmpi sgt, %sub3A_51, %gt3A : i32
    %convert_element_type3A = arith.extui %gt3A_52 : i1 to i32
    %cond3A = arith.constant 0 : i32
    %cond3A_53 = arith.cmpi ne, %convert_element_type3A, %cond3A : i32
    scf.if %cond3A_53 {
      %add3A_63 = arith.constant 0 : i32
      %add3A_64 = arith.addi %add3A_20, %add3A_63 : i32
      %mul3A_65 = arith.constant 8 : i32
      %mul3A_66 = arith.muli %add3A_64, %mul3A_65 : i32
      %multiple_of3A = tpu.assume_multiple %mul3A_66, 8 : i32
      %dma_start3A = arith.constant 0 : i32
      %dma_start3A_67 = arith.constant 0 : i32
      %dma_start3A_68 = tpu.memref_slice %arg2[%dma_start3A, %multiple_of3A, %dma_start3A_67] : memref<3x3000x512xf32, #tpu.memory_space<hbm>> -> memref<1x8x512xf32, #tpu.memory_space<hbm>>
      %dma_start3A_69 = tpu.memref_squeeze %dma_start3A_68 : memref<1x8x512xf32, #tpu.memory_space<hbm>> -> memref<8x512xf32, #tpu.memory_space<hbm>>
      %dma_start3A_70 = arith.constant 0 : i32
      %dma_start3A_71 = tpu.memref_slice %arg2[%dma_start3A, %multiple_of3A, %dma_start3A_70] : memref<3x3000x512xf32, #tpu.memory_space<hbm>> -> memref<1x8x512xf32, #tpu.memory_space<hbm>>
      %dma_start3A_72 = tpu.memref_squeeze %dma_start3A_71 : memref<1x8x512xf32, #tpu.memory_space<hbm>> -> memref<8x512xf32, #tpu.memory_space<hbm>>
      tpu.enqueue_dma source(%dma_start3A_72 : memref<8x512xf32, #tpu.memory_space<hbm>>) target(%arg6 : memref<8x512xf32, #tpu.memory_space<vmem>>) target_semaphore(%arg11 : memref<!tpu.dma_semaphore, #tpu.memory_space<semaphore_mem>>)
      %dma_start3A_73 = arith.constant 1 : i32
      %dma_start3A_74 = arith.constant 0 : i32
      %dma_start3A_75 = tpu.memref_slice %arg2[%dma_start3A_73, %multiple_of3A, %dma_start3A_74] : memref<3x3000x512xf32, #tpu.memory_space<hbm>> -> memref<1x8x512xf32, #tpu.memory_space<hbm>>
      %dma_start3A_76 = tpu.memref_squeeze %dma_start3A_75 : memref<1x8x512xf32, #tpu.memory_space<hbm>> -> memref<8x512xf32, #tpu.memory_space<hbm>>
      %dma_start3A_77 = arith.constant 0 : i32
      %dma_start3A_78 = tpu.memref_slice %arg2[%dma_start3A_73, %multiple_of3A, %dma_start3A_77] : memref<3x3000x512xf32, #tpu.memory_space<hbm>> -> memref<1x8x512xf32, #tpu.memory_space<hbm>>
      %dma_start3A_79 = tpu.memref_squeeze %dma_start3A_78 : memref<1x8x512xf32, #tpu.memory_space<hbm>> -> memref<8x512xf32, #tpu.memory_space<hbm>>
      tpu.enqueue_dma source(%dma_start3A_79 : memref<8x512xf32, #tpu.memory_space<hbm>>) target(%arg7 : memref<8x512xf32, #tpu.memory_space<vmem>>) target_semaphore(%arg11 : memref<!tpu.dma_semaphore, #tpu.memory_space<semaphore_mem>>)
      %dma_start3A_80 = arith.constant 2 : i32
      %dma_start3A_81 = arith.constant 0 : i32
      %dma_start3A_82 = tpu.memref_slice %arg2[%dma_start3A_80, %multiple_of3A, %dma_start3A_81] : memref<3x3000x512xf32, #tpu.memory_space<hbm>> -> memref<1x8x512xf32, #tpu.memory_space<hbm>>
      %dma_start3A_83 = tpu.memref_squeeze %dma_start3A_82 : memref<1x8x512xf32, #tpu.memory_space<hbm>> -> memref<8x512xf32, #tpu.memory_space<hbm>>
      %dma_start3A_84 = arith.constant 0 : i32
      %dma_start3A_85 = tpu.memref_slice %arg2[%dma_start3A_80, %multiple_of3A, %dma_start3A_84] : memref<3x3000x512xf32, #tpu.memory_space<hbm>> -> memref<1x8x512xf32, #tpu.memory_space<hbm>>
      %dma_start3A_86 = tpu.memref_squeeze %dma_start3A_85 : memref<1x8x512xf32, #tpu.memory_space<hbm>> -> memref<8x512xf32, #tpu.memory_space<hbm>>
      tpu.enqueue_dma source(%dma_start3A_86 : memref<8x512xf32, #tpu.memory_space<hbm>>) target(%arg8 : memref<8x512xf32, #tpu.memory_space<vmem>>) target_semaphore(%arg11 : memref<!tpu.dma_semaphore, #tpu.memory_space<semaphore_mem>>)
      %dma_start3A_87 = arith.constant 0 : i32
      %dma_start3A_88 = tpu.memref_slice %arg3[%multiple_of3A, %dma_start3A_87] : memref<3000x512xf32, #tpu.memory_space<hbm>> -> memref<8x512xf32, #tpu.memory_space<hbm>>
      %dma_start3A_89 = arith.constant 0 : i32
      %dma_start3A_90 = tpu.memref_slice %arg3[%multiple_of3A, %dma_start3A_89] : memref<3000x512xf32, #tpu.memory_space<hbm>> -> memref<8x512xf32, #tpu.memory_space<hbm>>
      tpu.enqueue_dma source(%dma_start3A_90 : memref<8x512xf32, #tpu.memory_space<hbm>>) target(%arg9 : memref<8x512xf32, #tpu.memory_space<vmem>>) target_semaphore(%arg11 : memref<!tpu.dma_semaphore, #tpu.memory_space<semaphore_mem>>)
      %dma_start3A_91 = arith.constant 0 : i32
      %dma_start3A_92 = tpu.memref_slice %arg4[%multiple_of3A, %dma_start3A_91] : memref<3000x512xi32, #tpu.memory_space<hbm>> -> memref<8x512xi32, #tpu.memory_space<hbm>>
      %dma_start3A_93 = arith.constant 0 : i32
      %dma_start3A_94 = tpu.memref_slice %arg4[%multiple_of3A, %dma_start3A_93] : memref<3000x512xi32, #tpu.memory_space<hbm>> -> memref<8x512xi32, #tpu.memory_space<hbm>>
      tpu.enqueue_dma source(%dma_start3A_94 : memref<8x512xi32, #tpu.memory_space<hbm>>) target(%arg10 : memref<8x512xi32, #tpu.memory_space<vmem>>) target_semaphore(%arg11 : memref<!tpu.dma_semaphore, #tpu.memory_space<semaphore_mem>>)
    } else {
    }
    %broadcast_in_dim3A = arith.constant 0.000000e+00 : f32
    %broadcast_in_dim3A_54 = vector.broadcast %broadcast_in_dim3A : f32 to vector<16xf32>
    %swap3A = arith.constant 0 : index
    %swap3A_55 = tpu.vector_load %arg12[%swap3A] {strides = array<i32>} : memref<16xf32, #tpu.memory_space<vmem>>, vector<16xf32>,
    %swap3A_56 = vector.shape_cast %swap3A_55 : vector<16xf32> to vector<16xf32>
    %swap3A_57 = vector.shape_cast %broadcast_in_dim3A_54 : vector<16xf32> to vector<16xf32>
    tpu.vector_store %arg12[%swap3A], %swap3A_57 {strides = array<i32>} : memref<16xf32, #tpu.memory_space<vmem>>, vector<16xf32>,
    %gt3A_58 = arith.constant 0 : i32
    %gt3A_59 = arith.cmpi sgt, %sub3A_51, %gt3A_58 : i32
    %convert_element_type3A_60 = arith.extui %gt3A_59 : i1 to i32
    %cond3A_61 = arith.constant 0 : i32
    %cond3A_62 = arith.cmpi ne, %convert_element_type3A_60, %cond3A_61 : i32
    scf.if %cond3A_62 {
      %add3A_63 = arith.constant 0 : i32
      %add3A_64 = arith.addi %add3A_20, %add3A_63 : i32
      %mul3A_65 = arith.constant 8 : i32
      %mul3A_66 = arith.muli %add3A_64, %mul3A_65 : i32
      %multiple_of3A = tpu.assume_multiple %mul3A_66, 8 : i32
      %dma_wait3A = arith.constant 0 : i32
      %dma_wait3A_67 = arith.constant 0 : i32
      %dma_wait3A_68 = tpu.memref_slice %arg2[%dma_wait3A, %multiple_of3A, %dma_wait3A_67] : memref<3x3000x512xf32, #tpu.memory_space<hbm>> -> memref<1x8x512xf32, #tpu.memory_space<hbm>>
      %dma_wait3A_69 = tpu.memref_squeeze %dma_wait3A_68 : memref<1x8x512xf32, #tpu.memory_space<hbm>> -> memref<8x512xf32, #tpu.memory_space<hbm>>
      %dma_wait3A_70 = arith.constant 0 : i32
      %dma_wait3A_71 = tpu.memref_slice %arg2[%dma_wait3A, %multiple_of3A, %dma_wait3A_70] : memref<3x3000x512xf32, #tpu.memory_space<hbm>> -> memref<1x8x512xf32, #tpu.memory_space<hbm>>
      %dma_wait3A_72 = tpu.memref_squeeze %dma_wait3A_71 : memref<1x8x512xf32, #tpu.memory_space<hbm>> -> memref<8x512xf32, #tpu.memory_space<hbm>>
      tpu.wait_dma2 semaphore(%arg11 : memref<!tpu.dma_semaphore, #tpu.memory_space<semaphore_mem>>) src(%dma_wait3A_72 : memref<8x512xf32, #tpu.memory_space<hbm>>) dst(%arg6 : memref<8x512xf32, #tpu.memory_space<vmem>>)
      %dma_wait3A_73 = arith.constant 1 : i32
      %dma_wait3A_74 = arith.constant 0 : i32
      %dma_wait3A_75 = tpu.memref_slice %arg2[%dma_wait3A_73, %multiple_of3A, %dma_wait3A_74] : memref<3x3000x512xf32, #tpu.memory_space<hbm>> -> memref<1x8x512xf32, #tpu.memory_space<hbm>>
      %dma_wait3A_76 = tpu.memref_squeeze %dma_wait3A_75 : memref<1x8x512xf32, #tpu.memory_space<hbm>> -> memref<8x512xf32, #tpu.memory_space<hbm>>
      %dma_wait3A_77 = arith.constant 0 : i32
      %dma_wait3A_78 = tpu.memref_slice %arg2[%dma_wait3A_73, %multiple_of3A, %dma_wait3A_77] : memref<3x3000x512xf32, #tpu.memory_space<hbm>> -> memref<1x8x512xf32, #tpu.memory_space<hbm>>
      %dma_wait3A_79 = tpu.memref_squeeze %dma_wait3A_78 : memref<1x8x512xf32, #tpu.memory_space<hbm>> -> memref<8x512xf32, #tpu.memory_space<hbm>>
      tpu.wait_dma2 semaphore(%arg11 : memref<!tpu.dma_semaphore, #tpu.memory_space<semaphore_mem>>) src(%dma_wait3A_79 : memref<8x512xf32, #tpu.memory_space<hbm>>) dst(%arg7 : memref<8x512xf32, #tpu.memory_space<vmem>>)
      %dma_wait3A_80 = arith.constant 2 : i32
      %dma_wait3A_81 = arith.constant 0 : i32
      %dma_wait3A_82 = tpu.memref_slice %arg2[%dma_wait3A_80, %multiple_of3A, %dma_wait3A_81] : memref<3x3000x512xf32, #tpu.memory_space<hbm>> -> memref<1x8x512xf32, #tpu.memory_space<hbm>>
      %dma_wait3A_83 = tpu.memref_squeeze %dma_wait3A_82 : memref<1x8x512xf32, #tpu.memory_space<hbm>> -> memref<8x512xf32, #tpu.memory_space<hbm>>
      %dma_wait3A_84 = arith.constant 0 : i32
      %dma_wait3A_85 = tpu.memref_slice %arg2[%dma_wait3A_80, %multiple_of3A, %dma_wait3A_84] : memref<3x3000x512xf32, #tpu.memory_space<hbm>> -> memref<1x8x512xf32, #tpu.memory_space<hbm>>
      %dma_wait3A_86 = tpu.memref_squeeze %dma_wait3A_85 : memref<1x8x512xf32, #tpu.memory_space<hbm>> -> memref<8x512xf32, #tpu.memory_space<hbm>>
      tpu.wait_dma2 semaphore(%arg11 : memref<!tpu.dma_semaphore, #tpu.memory_space<semaphore_mem>>) src(%dma_wait3A_86 : memref<8x512xf32, #tpu.memory_space<hbm>>) dst(%arg8 : memref<8x512xf32, #tpu.memory_space<vmem>>)
      %dma_wait3A_87 = arith.constant 0 : i32
      %dma_wait3A_88 = tpu.memref_slice %arg3[%multiple_of3A, %dma_wait3A_87] : memref<3000x512xf32, #tpu.memory_space<hbm>> -> memref<8x512xf32, #tpu.memory_space<hbm>>
      %dma_wait3A_89 = arith.constant 0 : i32
      %dma_wait3A_90 = tpu.memref_slice %arg3[%multiple_of3A, %dma_wait3A_89] : memref<3000x512xf32, #tpu.memory_space<hbm>> -> memref<8x512xf32, #tpu.memory_space<hbm>>
      tpu.wait_dma2 semaphore(%arg11 : memref<!tpu.dma_semaphore, #tpu.memory_space<semaphore_mem>>) src(%dma_wait3A_90 : memref<8x512xf32, #tpu.memory_space<hbm>>) dst(%arg9 : memref<8x512xf32, #tpu.memory_space<vmem>>)
      %dma_wait3A_91 = arith.constant 0 : i32
      %dma_wait3A_92 = tpu.memref_slice %arg4[%multiple_of3A, %dma_wait3A_91] : memref<3000x512xi32, #tpu.memory_space<hbm>> -> memref<8x512xi32, #tpu.memory_space<hbm>>
      %dma_wait3A_93 = arith.constant 0 : i32
      %dma_wait3A_94 = tpu.memref_slice %arg4[%multiple_of3A, %dma_wait3A_93] : memref<3000x512xi32, #tpu.memory_space<hbm>> -> memref<8x512xi32, #tpu.memory_space<hbm>>
      tpu.wait_dma2 semaphore(%arg11 : memref<!tpu.dma_semaphore, #tpu.memory_space<semaphore_mem>>) src(%dma_wait3A_94 : memref<8x512xi32, #tpu.memory_space<hbm>>) dst(%arg10 : memref<8x512xi32, #tpu.memory_space<vmem>>)
      %broadcast_in_dim3A_95 = arith.constant 0.000000e+00 : f32
      %broadcast_in_dim3A_96 = vector.broadcast %broadcast_in_dim3A_95 : f32 to vector<16xf32>
      %scan3A = arith.constant 0 : i32
      %scan3A_97 = arith.constant 8 : i32
      %scan3A_98 = arith.addi %scan3A, %scan3A_97 : i32
      %scan3A_99 = arith.constant 1 : i32
      %scan3A_100 = scf.for %scan3A_154 = %scan3A to %scan3A_98 step %scan3A_99 iter_args(%scan3A_155 = %broadcast_in_dim3A_96) -> (vector<16xf32>)  : i32 {
        %mul3A_156 = arith.constant 4 : i32
        %mul3A_157 = arith.muli %scan3A_154, %mul3A_156 : i32
        %add3A_158 = arith.constant 0 : i32
        %add3A_159 = arith.addi %mul3A_157, %add3A_158 : i32
        %mul3A_160 = arith.constant 16 : i32
        %mul3A_161 = arith.muli %add3A_159, %mul3A_160 : i32
        %get3A_162 = arith.constant 0 : i32
        %get3A_163 = arith.index_cast %get3A_162 : i32 to index
        %get3A_164 = arith.index_cast %mul3A_161 : i32 to index
        %get3A_165 = tpu.vector_load %arg6[%get3A_163, %get3A_164] {strides = array<i32>} : memref<8x512xf32, #tpu.memory_space<vmem>>, vector<1x16xf32>,
        %get3A_166 = vector.shape_cast %get3A_165 : vector<1x16xf32> to vector<16xf32>
        %get3A_167 = arith.constant 0 : i32
        %get3A_168 = arith.index_cast %get3A_167 : i32 to index
        %get3A_169 = arith.index_cast %mul3A_161 : i32 to index
        %get3A_170 = tpu.vector_load %arg7[%get3A_168, %get3A_169] {strides = array<i32>} : memref<8x512xf32, #tpu.memory_space<vmem>>, vector<1x16xf32>,
        %get3A_171 = vector.shape_cast %get3A_170 : vector<1x16xf32> to vector<16xf32>
        %get3A_172 = arith.constant 0 : i32
        %get3A_173 = arith.index_cast %get3A_172 : i32 to index
        %get3A_174 = arith.index_cast %mul3A_161 : i32 to index
        %get3A_175 = tpu.vector_load %arg8[%get3A_173, %get3A_174] {strides = array<i32>} : memref<8x512xf32, #tpu.memory_space<vmem>>, vector<1x16xf32>,
        %get3A_176 = vector.shape_cast %get3A_175 : vector<1x16xf32> to vector<16xf32>
        %get3A_177 = arith.constant 0 : i32
        %get3A_178 = arith.index_cast %get3A_177 : i32 to index
        %get3A_179 = arith.index_cast %mul3A_161 : i32 to index
        %get3A_180 = tpu.vector_load %arg10[%get3A_178, %get3A_179] {strides = array<i32>} : memref<8x512xi32, #tpu.memory_space<vmem>>, vector<1x16xi32>,
        %get3A_181 = vector.shape_cast %get3A_180 : vector<1x16xi32> to vector<16xi32>
        %convert_element_type3A_182 = arith.sitofp %get3A_181 : vector<16xi32> to vector<16xf32>
        %get3A_183 = arith.constant 0 : i32
        %get3A_184 = arith.index_cast %get3A_183 : i32 to index
        %get3A_185 = arith.index_cast %mul3A_161 : i32 to index
        %get3A_186 = tpu.vector_load %arg9[%get3A_184, %get3A_185] {strides = array<i32>} : memref<8x512xf32, #tpu.memory_space<vmem>>, vector<1x16xf32>,
        %get3A_187 = vector.shape_cast %get3A_186 : vector<1x16xf32> to vector<16xf32>
        %mul3A_188 = arith.constant 3.000000e+00 : f32
        %mul3A_189 = vector.broadcast %mul3A_188 : f32 to vector<16xf32>
        %mul3A_190 = arith.mulf %mul3A_189, %convert_element_type3A_182 : vector<16xf32>
        %add3A_191 = arith.addf %get3A_166, %get3A_171 : vector<16xf32>
        %add3A_192 = arith.addf %add3A_191, %get3A_176 : vector<16xf32>
        %sub3A_193 = arith.subf %mul3A_190, %add3A_192 : vector<16xf32>
        %mul3A_194 = arith.mulf %convert_element_type3A_182, %sub3A_193 : vector<16xf32>
        %gt3A_195 = arith.constant 0.000000e+00 : f32
        %gt3A_196 = vector.broadcast %gt3A_195 : f32 to vector<16xf32>
        %gt3A_197 = arith.cmpf ogt, %mul3A_194, %gt3A_196 : vector<16xf32>
        %jit3A_198 = arith.constant 0.000000e+00 : f32
        %broadcast_in_dim3A_199 = vector.broadcast %jit3A_198 : f32 to vector<16xf32>
        %select_n3A_200 = arith.select %gt3A_197, %get3A_187, %broadcast_in_dim3A_199 : vector<16xi1>, vector<16xf32>
        %add3A_201 = arith.addf %scan3A_155, %select_n3A_200 : vector<16xf32>
        %mul3A_202 = arith.constant 4 : i32
        %mul3A_203 = arith.muli %scan3A_154, %mul3A_202 : i32
        %add3A_204 = arith.constant 1 : i32
        %add3A_205 = arith.addi %mul3A_203, %add3A_204 : i32
        %mul3A_206 = arith.constant 16 : i32
        %mul3A_207 = arith.muli %add3A_205, %mul3A_206 : i32
        %get3A_208 = arith.constant 0 : i32
        %get3A_209 = arith.index_cast %get3A_208 : i32 to index
        %get3A_210 = arith.index_cast %mul3A_207 : i32 to index
        %get3A_211 = tpu.vector_load %arg6[%get3A_209, %get3A_210] {strides = array<i32>} : memref<8x512xf32, #tpu.memory_space<vmem>>, vector<1x16xf32>,
        %get3A_212 = vector.shape_cast %get3A_211 : vector<1x16xf32> to vector<16xf32>
        %get3A_213 = arith.constant 0 : i32
        %get3A_214 = arith.index_cast %get3A_213 : i32 to index
        %get3A_215 = arith.index_cast %mul3A_207 : i32 to index
        %get3A_216 = tpu.vector_load %arg7[%get3A_214, %get3A_215] {strides = array<i32>} : memref<8x512xf32, #tpu.memory_space<vmem>>, vector<1x16xf32>,
        %get3A_217 = vector.shape_cast %get3A_216 : vector<1x16xf32> to vector<16xf32>
        %get3A_218 = arith.constant 0 : i32
        %get3A_219 = arith.index_cast %get3A_218 : i32 to index
        %get3A_220 = arith.index_cast %mul3A_207 : i32 to index
        %get3A_221 = tpu.vector_load %arg8[%get3A_219, %get3A_220] {strides = array<i32>} : memref<8x512xf32, #tpu.memory_space<vmem>>, vector<1x16xf32>,
        %get3A_222 = vector.shape_cast %get3A_221 : vector<1x16xf32> to vector<16xf32>
        %get3A_223 = arith.constant 0 : i32
        %get3A_224 = arith.index_cast %get3A_223 : i32 to index
        %get3A_225 = arith.index_cast %mul3A_207 : i32 to index
        %get3A_226 = tpu.vector_load %arg10[%get3A_224, %get3A_225] {strides = array<i32>} : memref<8x512xi32, #tpu.memory_space<vmem>>, vector<1x16xi32>,
        %get3A_227 = vector.shape_cast %get3A_226 : vector<1x16xi32> to vector<16xi32>
        %convert_element_type3A_228 = arith.sitofp %get3A_227 : vector<16xi32> to vector<16xf32>
        %get3A_229 = arith.constant 0 : i32
        %get3A_230 = arith.index_cast %get3A_229 : i32 to index
        %get3A_231 = arith.index_cast %mul3A_207 : i32 to index
        %get3A_232 = tpu.vector_load %arg9[%get3A_230, %get3A_231] {strides = array<i32>} : memref<8x512xf32, #tpu.memory_space<vmem>>, vector<1x16xf32>,
        %get3A_233 = vector.shape_cast %get3A_232 : vector<1x16xf32> to vector<16xf32>
        %mul3A_234 = arith.constant 3.000000e+00 : f32
        %mul3A_235 = vector.broadcast %mul3A_234 : f32 to vector<16xf32>
        %mul3A_236 = arith.mulf %mul3A_235, %convert_element_type3A_228 : vector<16xf32>
        %add3A_237 = arith.addf %get3A_212, %get3A_217 : vector<16xf32>
        %add3A_238 = arith.addf %add3A_237, %get3A_222 : vector<16xf32>
        %sub3A_239 = arith.subf %mul3A_236, %add3A_238 : vector<16xf32>
        %mul3A_240 = arith.mulf %convert_element_type3A_228, %sub3A_239 : vector<16xf32>
        %gt3A_241 = arith.constant 0.000000e+00 : f32
        %gt3A_242 = vector.broadcast %gt3A_241 : f32 to vector<16xf32>
        %gt3A_243 = arith.cmpf ogt, %mul3A_240, %gt3A_242 : vector<16xf32>
        %jit3A_244 = arith.constant 0.000000e+00 : f32
        %broadcast_in_dim3A_245 = vector.broadcast %jit3A_244 : f32 to vector<16xf32>
        %select_n3A_246 = arith.select %gt3A_243, %get3A_233, %broadcast_in_dim3A_245 : vector<16xi1>, vector<16xf32>
        %add3A_247 = arith.addf %add3A_201, %select_n3A_246 : vector<16xf32>
        %mul3A_248 = arith.constant 4 : i32
        %mul3A_249 = arith.muli %scan3A_154, %mul3A_248 : i32
        %add3A_250 = arith.constant 2 : i32
        %add3A_251 = arith.addi %mul3A_249, %add3A_250 : i32
        %mul3A_252 = arith.constant 16 : i32
        %mul3A_253 = arith.muli %add3A_251, %mul3A_252 : i32
        %get3A_254 = arith.constant 0 : i32
        %get3A_255 = arith.index_cast %get3A_254 : i32 to index
        %get3A_256 = arith.index_cast %mul3A_253 : i32 to index
        %get3A_257 = tpu.vector_load %arg6[%get3A_255, %get3A_256] {strides = array<i32>} : memref<8x512xf32, #tpu.memory_space<vmem>>, vector<1x16xf32>,
        %get3A_258 = vector.shape_cast %get3A_257 : vector<1x16xf32> to vector<16xf32>
        %get3A_259 = arith.constant 0 : i32
        %get3A_260 = arith.index_cast %get3A_259 : i32 to index
        %get3A_261 = arith.index_cast %mul3A_253 : i32 to index
        %get3A_262 = tpu.vector_load %arg7[%get3A_260, %get3A_261] {strides = array<i32>} : memref<8x512xf32, #tpu.memory_space<vmem>>, vector<1x16xf32>,
        %get3A_263 = vector.shape_cast %get3A_262 : vector<1x16xf32> to vector<16xf32>
        %get3A_264 = arith.constant 0 : i32
        %get3A_265 = arith.index_cast %get3A_264 : i32 to index
        %get3A_266 = arith.index_cast %mul3A_253 : i32 to index
        %get3A_267 = tpu.vector_load %arg8[%get3A_265, %get3A_266] {strides = array<i32>} : memref<8x512xf32, #tpu.memory_space<vmem>>, vector<1x16xf32>,
        %get3A_268 = vector.shape_cast %get3A_267 : vector<1x16xf32> to vector<16xf32>
        %get3A_269 = arith.constant 0 : i32
        %get3A_270 = arith.index_cast %get3A_269 : i32 to index
        %get3A_271 = arith.index_cast %mul3A_253 : i32 to index
        %get3A_272 = tpu.vector_load %arg10[%get3A_270, %get3A_271] {strides = array<i32>} : memref<8x512xi32, #tpu.memory_space<vmem>>, vector<1x16xi32>,
        %get3A_273 = vector.shape_cast %get3A_272 : vector<1x16xi32> to vector<16xi32>
        %convert_element_type3A_274 = arith.sitofp %get3A_273 : vector<16xi32> to vector<16xf32>
        %get3A_275 = arith.constant 0 : i32
        %get3A_276 = arith.index_cast %get3A_275 : i32 to index
        %get3A_277 = arith.index_cast %mul3A_253 : i32 to index
        %get3A_278 = tpu.vector_load %arg9[%get3A_276, %get3A_277] {strides = array<i32>} : memref<8x512xf32, #tpu.memory_space<vmem>>, vector<1x16xf32>,
        %get3A_279 = vector.shape_cast %get3A_278 : vector<1x16xf32> to vector<16xf32>
        %mul3A_280 = arith.constant 3.000000e+00 : f32
        %mul3A_281 = vector.broadcast %mul3A_280 : f32 to vector<16xf32>
        %mul3A_282 = arith.mulf %mul3A_281, %convert_element_type3A_274 : vector<16xf32>
        %add3A_283 = arith.addf %get3A_258, %get3A_263 : vector<16xf32>
        %add3A_284 = arith.addf %add3A_283, %get3A_268 : vector<16xf32>
        %sub3A_285 = arith.subf %mul3A_282, %add3A_284 : vector<16xf32>
        %mul3A_286 = arith.mulf %convert_element_type3A_274, %sub3A_285 : vector<16xf32>
        %gt3A_287 = arith.constant 0.000000e+00 : f32
        %gt3A_288 = vector.broadcast %gt3A_287 : f32 to vector<16xf32>
        %gt3A_289 = arith.cmpf ogt, %mul3A_286, %gt3A_288 : vector<16xf32>
        %jit3A_290 = arith.constant 0.000000e+00 : f32
        %broadcast_in_dim3A_291 = vector.broadcast %jit3A_290 : f32 to vector<16xf32>
        %select_n3A_292 = arith.select %gt3A_289, %get3A_279, %broadcast_in_dim3A_291 : vector<16xi1>, vector<16xf32>
        %add3A_293 = arith.addf %add3A_247, %select_n3A_292 : vector<16xf32>
        %mul3A_294 = arith.constant 4 : i32
        %mul3A_295 = arith.muli %scan3A_154, %mul3A_294 : i32
        %add3A_296 = arith.constant 3 : i32
        %add3A_297 = arith.addi %mul3A_295, %add3A_296 : i32
        %mul3A_298 = arith.constant 16 : i32
        %mul3A_299 = arith.muli %add3A_297, %mul3A_298 : i32
        %get3A_300 = arith.constant 0 : i32
        %get3A_301 = arith.index_cast %get3A_300 : i32 to index
        %get3A_302 = arith.index_cast %mul3A_299 : i32 to index
        %get3A_303 = tpu.vector_load %arg6[%get3A_301, %get3A_302] {strides = array<i32>} : memref<8x512xf32, #tpu.memory_space<vmem>>, vector<1x16xf32>,
        %get3A_304 = vector.shape_cast %get3A_303 : vector<1x16xf32> to vector<16xf32>
        %get3A_305 = arith.constant 0 : i32
        %get3A_306 = arith.index_cast %get3A_305 : i32 to index
        %get3A_307 = arith.index_cast %mul3A_299 : i32 to index
        %get3A_308 = tpu.vector_load %arg7[%get3A_306, %get3A_307] {strides = array<i32>} : memref<8x512xf32, #tpu.memory_space<vmem>>, vector<1x16xf32>,
        %get3A_309 = vector.shape_cast %get3A_308 : vector<1x16xf32> to vector<16xf32>
        %get3A_310 = arith.constant 0 : i32
        %get3A_311 = arith.index_cast %get3A_310 : i32 to index
        %get3A_312 = arith.index_cast %mul3A_299 : i32 to index
        %get3A_313 = tpu.vector_load %arg8[%get3A_311, %get3A_312] {strides = array<i32>} : memref<8x512xf32, #tpu.memory_space<vmem>>, vector<1x16xf32>,
        %get3A_314 = vector.shape_cast %get3A_313 : vector<1x16xf32> to vector<16xf32>
        %get3A_315 = arith.constant 0 : i32
        %get3A_316 = arith.index_cast %get3A_315 : i32 to index
        %get3A_317 = arith.index_cast %mul3A_299 : i32 to index
        %get3A_318 = tpu.vector_load %arg10[%get3A_316, %get3A_317] {strides = array<i32>} : memref<8x512xi32, #tpu.memory_space<vmem>>, vector<1x16xi32>,
        %get3A_319 = vector.shape_cast %get3A_318 : vector<1x16xi32> to vector<16xi32>
        %convert_element_type3A_320 = arith.sitofp %get3A_319 : vector<16xi32> to vector<16xf32>
        %get3A_321 = arith.constant 0 : i32
        %get3A_322 = arith.index_cast %get3A_321 : i32 to index
        %get3A_323 = arith.index_cast %mul3A_299 : i32 to index
        %get3A_324 = tpu.vector_load %arg9[%get3A_322, %get3A_323] {strides = array<i32>} : memref<8x512xf32, #tpu.memory_space<vmem>>, vector<1x16xf32>,
        %get3A_325 = vector.shape_cast %get3A_324 : vector<1x16xf32> to vector<16xf32>
        %mul3A_326 = arith.constant 3.000000e+00 : f32
        %mul3A_327 = vector.broadcast %mul3A_326 : f32 to vector<16xf32>
        %mul3A_328 = arith.mulf %mul3A_327, %convert_element_type3A_320 : vector<16xf32>
        %add3A_329 = arith.addf %get3A_304, %get3A_309 : vector<16xf32>
        %add3A_330 = arith.addf %add3A_329, %get3A_314 : vector<16xf32>
        %sub3A_331 = arith.subf %mul3A_328, %add3A_330 : vector<16xf32>
        %mul3A_332 = arith.mulf %convert_element_type3A_320, %sub3A_331 : vector<16xf32>
        %gt3A_333 = arith.constant 0.000000e+00 : f32
        %gt3A_334 = vector.broadcast %gt3A_333 : f32 to vector<16xf32>
        %gt3A_335 = arith.cmpf ogt, %mul3A_332, %gt3A_334 : vector<16xf32>
        %jit3A_336 = arith.constant 0.000000e+00 : f32
        %broadcast_in_dim3A_337 = vector.broadcast %jit3A_336 : f32 to vector<16xf32>
        %select_n3A_338 = arith.select %gt3A_335, %get3A_325, %broadcast_in_dim3A_337 : vector<16xi1>, vector<16xf32>
        %add3A_339 = arith.addf %add3A_293, %select_n3A_338 : vector<16xf32>
        scf.yield %add3A_339 : vector<16xf32>
      }
      %scan3A_101 = arith.constant 8 : i32
      %scan3A_102 = arith.constant 0 : i32
      %scan3A_103 = arith.constant 8 : i32
      %scan3A_104 = arith.addi %scan3A_102, %scan3A_103 : i32
      %scan3A_105 = arith.constant 1 : i32
      %scan3A_106 = scf.for %scan3A_154 = %scan3A_102 to %scan3A_104 step %scan3A_105 iter_args(%scan3A_155 = %scan3A_100) -> (vector<16xf32>)  : i32 {
        %mul3A_156 = arith.constant 4 : i32
        %mul3A_157 = arith.muli %scan3A_154, %mul3A_156 : i32
        %add3A_158 = arith.constant 0 : i32
        %add3A_159 = arith.addi %mul3A_157, %add3A_158 : i32
        %mul3A_160 = arith.constant 16 : i32
        %mul3A_161 = arith.muli %add3A_159, %mul3A_160 : i32
        %get3A_162 = arith.constant 1 : i32
        %get3A_163 = arith.index_cast %get3A_162 : i32 to index
        %get3A_164 = arith.index_cast %mul3A_161 : i32 to index
        %get3A_165 = tpu.vector_load %arg6[%get3A_163, %get3A_164] {strides = array<i32>} : memref<8x512xf32, #tpu.memory_space<vmem>>, vector<1x16xf32>,
        %get3A_166 = vector.shape_cast %get3A_165 : vector<1x16xf32> to vector<16xf32>
        %get3A_167 = arith.constant 1 : i32
        %get3A_168 = arith.index_cast %get3A_167 : i32 to index
        %get3A_169 = arith.index_cast %mul3A_161 : i32 to index
        %get3A_170 = tpu.vector_load %arg7[%get3A_168, %get3A_169] {strides = array<i32>} : memref<8x512xf32, #tpu.memory_space<vmem>>, vector<1x16xf32>,
        %get3A_171 = vector.shape_cast %get3A_170 : vector<1x16xf32> to vector<16xf32>
        %get3A_172 = arith.constant 1 : i32
        %get3A_173 = arith.index_cast %get3A_172 : i32 to index
        %get3A_174 = arith.index_cast %mul3A_161 : i32 to index
        %get3A_175 = tpu.vector_load %arg8[%get3A_173, %get3A_174] {strides = array<i32>} : memref<8x512xf32, #tpu.memory_space<vmem>>, vector<1x16xf32>,
        %get3A_176 = vector.shape_cast %get3A_175 : vector<1x16xf32> to vector<16xf32>
        %get3A_177 = arith.constant 1 : i32
        %get3A_178 = arith.index_cast %get3A_177 : i32 to index
        %get3A_179 = arith.index_cast %mul3A_161 : i32 to index
        %get3A_180 = tpu.vector_load %arg10[%get3A_178, %get3A_179] {strides = array<i32>} : memref<8x512xi32, #tpu.memory_space<vmem>>, vector<1x16xi32>,
        %get3A_181 = vector.shape_cast %get3A_180 : vector<1x16xi32> to vector<16xi32>
        %convert_element_type3A_182 = arith.sitofp %get3A_181 : vector<16xi32> to vector<16xf32>
        %get3A_183 = arith.constant 1 : i32
        %get3A_184 = arith.index_cast %get3A_183 : i32 to index
        %get3A_185 = arith.index_cast %mul3A_161 : i32 to index
        %get3A_186 = tpu.vector_load %arg9[%get3A_184, %get3A_185] {strides = array<i32>} : memref<8x512xf32, #tpu.memory_space<vmem>>, vector<1x16xf32>,
        %get3A_187 = vector.shape_cast %get3A_186 : vector<1x16xf32> to vector<16xf32>
        %mul3A_188 = arith.constant 3.000000e+00 : f32
        %mul3A_189 = vector.broadcast %mul3A_188 : f32 to vector<16xf32>
        %mul3A_190 = arith.mulf %mul3A_189, %convert_element_type3A_182 : vector<16xf32>
        %add3A_191 = arith.addf %get3A_166, %get3A_171 : vector<16xf32>
        %add3A_192 = arith.addf %add3A_191, %get3A_176 : vector<16xf32>
        %sub3A_193 = arith.subf %mul3A_190, %add3A_192 : vector<16xf32>
        %mul3A_194 = arith.mulf %convert_element_type3A_182, %sub3A_193 : vector<16xf32>
        %gt3A_195 = arith.constant 0.000000e+00 : f32
        %gt3A_196 = vector.broadcast %gt3A_195 : f32 to vector<16xf32>
        %gt3A_197 = arith.cmpf ogt, %mul3A_194, %gt3A_196 : vector<16xf32>
        %jit3A_198 = arith.constant 0.000000e+00 : f32
        %broadcast_in_dim3A_199 = vector.broadcast %jit3A_198 : f32 to vector<16xf32>
        %select_n3A_200 = arith.select %gt3A_197, %get3A_187, %broadcast_in_dim3A_199 : vector<16xi1>, vector<16xf32>
        %add3A_201 = arith.addf %scan3A_155, %select_n3A_200 : vector<16xf32>
        %mul3A_202 = arith.constant 4 : i32
        %mul3A_203 = arith.muli %scan3A_154, %mul3A_202 : i32
        %add3A_204 = arith.constant 1 : i32
        %add3A_205 = arith.addi %mul3A_203, %add3A_204 : i32
        %mul3A_206 = arith.constant 16 : i32
        %mul3A_207 = arith.muli %add3A_205, %mul3A_206 : i32
        %get3A_208 = arith.constant 1 : i32
        %get3A_209 = arith.index_cast %get3A_208 : i32 to index
        %get3A_210 = arith.index_cast %mul3A_207 : i32 to index
        %get3A_211 = tpu.vector_load %arg6[%get3A_209, %get3A_210] {strides = array<i32>} : memref<8x512xf32, #tpu.memory_space<vmem>>, vector<1x16xf32>,
        %get3A_212 = vector.shape_cast %get3A_211 : vector<1x16xf32> to vector<16xf32>
        %get3A_213 = arith.constant 1 : i32
        %get3A_214 = arith.index_cast %get3A_213 : i32 to index
        %get3A_215 = arith.index_cast %mul3A_207 : i32 to index
        %get3A_216 = tpu.vector_load %arg7[%get3A_214, %get3A_215] {strides = array<i32>} : memref<8x512xf32, #tpu.memory_space<vmem>>, vector<1x16xf32>,
        %get3A_217 = vector.shape_cast %get3A_216 : vector<1x16xf32> to vector<16xf32>
        %get3A_218 = arith.constant 1 : i32
        %get3A_219 = arith.index_cast %get3A_218 : i32 to index
        %get3A_220 = arith.index_cast %mul3A_207 : i32 to index
        %get3A_221 = tpu.vector_load %arg8[%get3A_219, %get3A_220] {strides = array<i32>} : memref<8x512xf32, #tpu.memory_space<vmem>>, vector<1x16xf32>,
        %get3A_222 = vector.shape_cast %get3A_221 : vector<1x16xf32> to vector<16xf32>
        %get3A_223 = arith.constant 1 : i32
        %get3A_224 = arith.index_cast %get3A_223 : i32 to index
        %get3A_225 = arith.index_cast %mul3A_207 : i32 to index
        %get3A_226 = tpu.vector_load %arg10[%get3A_224, %get3A_225] {strides = array<i32>} : memref<8x512xi32, #tpu.memory_space<vmem>>, vector<1x16xi32>,
        %get3A_227 = vector.shape_cast %get3A_226 : vector<1x16xi32> to vector<16xi32>
        %convert_element_type3A_228 = arith.sitofp %get3A_227 : vector<16xi32> to vector<16xf32>
        %get3A_229 = arith.constant 1 : i32
        %get3A_230 = arith.index_cast %get3A_229 : i32 to index
        %get3A_231 = arith.index_cast %mul3A_207 : i32 to index
        %get3A_232 = tpu.vector_load %arg9[%get3A_230, %get3A_231] {strides = array<i32>} : memref<8x512xf32, #tpu.memory_space<vmem>>, vector<1x16xf32>,
        %get3A_233 = vector.shape_cast %get3A_232 : vector<1x16xf32> to vector<16xf32>
        %mul3A_234 = arith.constant 3.000000e+00 : f32
        %mul3A_235 = vector.broadcast %mul3A_234 : f32 to vector<16xf32>
        %mul3A_236 = arith.mulf %mul3A_235, %convert_element_type3A_228 : vector<16xf32>
        %add3A_237 = arith.addf %get3A_212, %get3A_217 : vector<16xf32>
        %add3A_238 = arith.addf %add3A_237, %get3A_222 : vector<16xf32>
        %sub3A_239 = arith.subf %mul3A_236, %add3A_238 : vector<16xf32>
        %mul3A_240 = arith.mulf %convert_element_type3A_228, %sub3A_239 : vector<16xf32>
        %gt3A_241 = arith.constant 0.000000e+00 : f32
        %gt3A_242 = vector.broadcast %gt3A_241 : f32 to vector<16xf32>
        %gt3A_243 = arith.cmpf ogt, %mul3A_240, %gt3A_242 : vector<16xf32>
        %jit3A_244 = arith.constant 0.000000e+00 : f32
        %broadcast_in_dim3A_245 = vector.broadcast %jit3A_244 : f32 to vector<16xf32>
        %select_n3A_246 = arith.select %gt3A_243, %get3A_233, %broadcast_in_dim3A_245 : vector<16xi1>, vector<16xf32>
        %add3A_247 = arith.addf %add3A_201, %select_n3A_246 : vector<16xf32>
        %mul3A_248 = arith.constant 4 : i32
        %mul3A_249 = arith.muli %scan3A_154, %mul3A_248 : i32
        %add3A_250 = arith.constant 2 : i32
        %add3A_251 = arith.addi %mul3A_249, %add3A_250 : i32
        %mul3A_252 = arith.constant 16 : i32
        %mul3A_253 = arith.muli %add3A_251, %mul3A_252 : i32
        %get3A_254 = arith.constant 1 : i32
        %get3A_255 = arith.index_cast %get3A_254 : i32 to index
        %get3A_256 = arith.index_cast %mul3A_253 : i32 to index
        %get3A_257 = tpu.vector_load %arg6[%get3A_255, %get3A_256] {strides = array<i32>} : memref<8x512xf32, #tpu.memory_space<vmem>>, vector<1x16xf32>,
        %get3A_258 = vector.shape_cast %get3A_257 : vector<1x16xf32> to vector<16xf32>
        %get3A_259 = arith.constant 1 : i32
        %get3A_260 = arith.index_cast %get3A_259 : i32 to index
        %get3A_261 = arith.index_cast %mul3A_253 : i32 to index
        %get3A_262 = tpu.vector_load %arg7[%get3A_260, %get3A_261] {strides = array<i32>} : memref<8x512xf32, #tpu.memory_space<vmem>>, vector<1x16xf32>,
        %get3A_263 = vector.shape_cast %get3A_262 : vector<1x16xf32> to vector<16xf32>
        %get3A_264 = arith.constant 1 : i32
        %get3A_265 = arith.index_cast %get3A_264 : i32 to index
        %get3A_266 = arith.index_cast %mul3A_253 : i32 to index
        %get3A_267 = tpu.vector_load %arg8[%get3A_265, %get3A_266] {strides = array<i32>} : memref<8x512xf32, #tpu.memory_space<vmem>>, vector<1x16xf32>,
        %get3A_268 = vector.shape_cast %get3A_267 : vector<1x16xf32> to vector<16xf32>
        %get3A_269 = arith.constant 1 : i32
        %get3A_270 = arith.index_cast %get3A_269 : i32 to index
        %get3A_271 = arith.index_cast %mul3A_253 : i32 to index
        %get3A_272 = tpu.vector_load %arg10[%get3A_270, %get3A_271] {strides = array<i32>} : memref<8x512xi32, #tpu.memory_space<vmem>>, vector<1x16xi32>,
        %get3A_273 = vector.shape_cast %get3A_272 : vector<1x16xi32> to vector<16xi32>
        %convert_element_type3A_274 = arith.sitofp %get3A_273 : vector<16xi32> to vector<16xf32>
        %get3A_275 = arith.constant 1 : i32
        %get3A_276 = arith.index_cast %get3A_275 : i32 to index
        %get3A_277 = arith.index_cast %mul3A_253 : i32 to index
        %get3A_278 = tpu.vector_load %arg9[%get3A_276, %get3A_277] {strides = array<i32>} : memref<8x512xf32, #tpu.memory_space<vmem>>, vector<1x16xf32>,
        %get3A_279 = vector.shape_cast %get3A_278 : vector<1x16xf32> to vector<16xf32>
        %mul3A_280 = arith.constant 3.000000e+00 : f32
        %mul3A_281 = vector.broadcast %mul3A_280 : f32 to vector<16xf32>
        %mul3A_282 = arith.mulf %mul3A_281, %convert_element_type3A_274 : vector<16xf32>
        %add3A_283 = arith.addf %get3A_258, %get3A_263 : vector<16xf32>
        %add3A_284 = arith.addf %add3A_283, %get3A_268 : vector<16xf32>
        %sub3A_285 = arith.subf %mul3A_282, %add3A_284 : vector<16xf32>
        %mul3A_286 = arith.mulf %convert_element_type3A_274, %sub3A_285 : vector<16xf32>
        %gt3A_287 = arith.constant 0.000000e+00 : f32
        %gt3A_288 = vector.broadcast %gt3A_287 : f32 to vector<16xf32>
        %gt3A_289 = arith.cmpf ogt, %mul3A_286, %gt3A_288 : vector<16xf32>
        %jit3A_290 = arith.constant 0.000000e+00 : f32
        %broadcast_in_dim3A_291 = vector.broadcast %jit3A_290 : f32 to vector<16xf32>
        %select_n3A_292 = arith.select %gt3A_289, %get3A_279, %broadcast_in_dim3A_291 : vector<16xi1>, vector<16xf32>
        %add3A_293 = arith.addf %add3A_247, %select_n3A_292 : vector<16xf32>
        %mul3A_294 = arith.constant 4 : i32
        %mul3A_295 = arith.muli %scan3A_154, %mul3A_294 : i32
        %add3A_296 = arith.constant 3 : i32
        %add3A_297 = arith.addi %mul3A_295, %add3A_296 : i32
        %mul3A_298 = arith.constant 16 : i32
        %mul3A_299 = arith.muli %add3A_297, %mul3A_298 : i32
        %get3A_300 = arith.constant 1 : i32
        %get3A_301 = arith.index_cast %get3A_300 : i32 to index
        %get3A_302 = arith.index_cast %mul3A_299 : i32 to index
        %get3A_303 = tpu.vector_load %arg6[%get3A_301, %get3A_302] {strides = array<i32>} : memref<8x512xf32, #tpu.memory_space<vmem>>, vector<1x16xf32>,
        %get3A_304 = vector.shape_cast %get3A_303 : vector<1x16xf32> to vector<16xf32>
        %get3A_305 = arith.constant 1 : i32
        %get3A_306 = arith.index_cast %get3A_305 : i32 to index
        %get3A_307 = arith.index_cast %mul3A_299 : i32 to index
        %get3A_308 = tpu.vector_load %arg7[%get3A_306, %get3A_307] {strides = array<i32>} : memref<8x512xf32, #tpu.memory_space<vmem>>, vector<1x16xf32>,
        %get3A_309 = vector.shape_cast %get3A_308 : vector<1x16xf32> to vector<16xf32>
        %get3A_310 = arith.constant 1 : i32
        %get3A_311 = arith.index_cast %get3A_310 : i32 to index
        %get3A_312 = arith.index_cast %mul3A_299 : i32 to index
        %get3A_313 = tpu.vector_load %arg8[%get3A_311, %get3A_312] {strides = array<i32>} : memref<8x512xf32, #tpu.memory_space<vmem>>, vector<1x16xf32>,
        %get3A_314 = vector.shape_cast %get3A_313 : vector<1x16xf32> to vector<16xf32>
        %get3A_315 = arith.constant 1 : i32
        %get3A_316 = arith.index_cast %get3A_315 : i32 to index
        %get3A_317 = arith.index_cast %mul3A_299 : i32 to index
        %get3A_318 = tpu.vector_load %arg10[%get3A_316, %get3A_317] {strides = array<i32>} : memref<8x512xi32, #tpu.memory_space<vmem>>, vector<1x16xi32>,
        %get3A_319 = vector.shape_cast %get3A_318 : vector<1x16xi32> to vector<16xi32>
        %convert_element_type3A_320 = arith.sitofp %get3A_319 : vector<16xi32> to vector<16xf32>
        %get3A_321 = arith.constant 1 : i32
        %get3A_322 = arith.index_cast %get3A_321 : i32 to index
        %get3A_323 = arith.index_cast %mul3A_299 : i32 to index
        %get3A_324 = tpu.vector_load %arg9[%get3A_322, %get3A_323] {strides = array<i32>} : memref<8x512xf32, #tpu.memory_space<vmem>>, vector<1x16xf32>,
        %get3A_325 = vector.shape_cast %get3A_324 : vector<1x16xf32> to vector<16xf32>
        %mul3A_326 = arith.constant 3.000000e+00 : f32
        %mul3A_327 = vector.broadcast %mul3A_326 : f32 to vector<16xf32>
        %mul3A_328 = arith.mulf %mul3A_327, %convert_element_type3A_320 : vector<16xf32>
        %add3A_329 = arith.addf %get3A_304, %get3A_309 : vector<16xf32>
        %add3A_330 = arith.addf %add3A_329, %get3A_314 : vector<16xf32>
        %sub3A_331 = arith.subf %mul3A_328, %add3A_330 : vector<16xf32>
        %mul3A_332 = arith.mulf %convert_element_type3A_320, %sub3A_331 : vector<16xf32>
        %gt3A_333 = arith.constant 0.000000e+00 : f32
        %gt3A_334 = vector.broadcast %gt3A_333 : f32 to vector<16xf32>
        %gt3A_335 = arith.cmpf ogt, %mul3A_332, %gt3A_334 : vector<16xf32>
        %jit3A_336 = arith.constant 0.000000e+00 : f32
        %broadcast_in_dim3A_337 = vector.broadcast %jit3A_336 : f32 to vector<16xf32>
        %select_n3A_338 = arith.select %gt3A_335, %get3A_325, %broadcast_in_dim3A_337 : vector<16xi1>, vector<16xf32>
        %add3A_339 = arith.addf %add3A_293, %select_n3A_338 : vector<16xf32>
        scf.yield %add3A_339 : vector<16xf32>
      }
      %scan3A_107 = arith.constant 8 : i32
      %scan3A_108 = arith.constant 0 : i32
      %scan3A_109 = arith.constant 8 : i32
      %scan3A_110 = arith.addi %scan3A_108, %scan3A_109 : i32
      %scan3A_111 = arith.constant 1 : i32
      %scan3A_112 = scf.for %scan3A_154 = %scan3A_108 to %scan3A_110 step %scan3A_111 iter_args(%scan3A_155 = %scan3A_106) -> (vector<16xf32>)  : i32 {
        %mul3A_156 = arith.constant 4 : i32
        %mul3A_157 = arith.muli %scan3A_154, %mul3A_156 : i32
        %add3A_158 = arith.constant 0 : i32
        %add3A_159 = arith.addi %mul3A_157, %add3A_158 : i32
        %mul3A_160 = arith.constant 16 : i32
        %mul3A_161 = arith.muli %add3A_159, %mul3A_160 : i32
        %get3A_162 = arith.constant 2 : i32
        %get3A_163 = arith.index_cast %get3A_162 : i32 to index
        %get3A_164 = arith.index_cast %mul3A_161 : i32 to index
        %get3A_165 = tpu.vector_load %arg6[%get3A_163, %get3A_164] {strides = array<i32>} : memref<8x512xf32, #tpu.memory_space<vmem>>, vector<1x16xf32>,
        %get3A_166 = vector.shape_cast %get3A_165 : vector<1x16xf32> to vector<16xf32>
        %get3A_167 = arith.constant 2 : i32
        %get3A_168 = arith.index_cast %get3A_167 : i32 to index
        %get3A_169 = arith.index_cast %mul3A_161 : i32 to index
        %get3A_170 = tpu.vector_load %arg7[%get3A_168, %get3A_169] {strides = array<i32>} : memref<8x512xf32, #tpu.memory_space<vmem>>, vector<1x16xf32>,
        %get3A_171 = vector.shape_cast %get3A_170 : vector<1x16xf32> to vector<16xf32>
        %get3A_172 = arith.constant 2 : i32
        %get3A_173 = arith.index_cast %get3A_172 : i32 to index
        %get3A_174 = arith.index_cast %mul3A_161 : i32 to index
        %get3A_175 = tpu.vector_load %arg8[%get3A_173, %get3A_174] {strides = array<i32>} : memref<8x512xf32, #tpu.memory_space<vmem>>, vector<1x16xf32>,
        %get3A_176 = vector.shape_cast %get3A_175 : vector<1x16xf32> to vector<16xf32>
        %get3A_177 = arith.constant 2 : i32
        %get3A_178 = arith.index_cast %get3A_177 : i32 to index
        %get3A_179 = arith.index_cast %mul3A_161 : i32 to index
        %get3A_180 = tpu.vector_load %arg10[%get3A_178, %get3A_179] {strides = array<i32>} : memref<8x512xi32, #tpu.memory_space<vmem>>, vector<1x16xi32>,
        %get3A_181 = vector.shape_cast %get3A_180 : vector<1x16xi32> to vector<16xi32>
        %convert_element_type3A_182 = arith.sitofp %get3A_181 : vector<16xi32> to vector<16xf32>
        %get3A_183 = arith.constant 2 : i32
        %get3A_184 = arith.index_cast %get3A_183 : i32 to index
        %get3A_185 = arith.index_cast %mul3A_161 : i32 to index
        %get3A_186 = tpu.vector_load %arg9[%get3A_184, %get3A_185] {strides = array<i32>} : memref<8x512xf32, #tpu.memory_space<vmem>>, vector<1x16xf32>,
        %get3A_187 = vector.shape_cast %get3A_186 : vector<1x16xf32> to vector<16xf32>
        %mul3A_188 = arith.constant 3.000000e+00 : f32
        %mul3A_189 = vector.broadcast %mul3A_188 : f32 to vector<16xf32>
        %mul3A_190 = arith.mulf %mul3A_189, %convert_element_type3A_182 : vector<16xf32>
        %add3A_191 = arith.addf %get3A_166, %get3A_171 : vector<16xf32>
        %add3A_192 = arith.addf %add3A_191, %get3A_176 : vector<16xf32>
        %sub3A_193 = arith.subf %mul3A_190, %add3A_192 : vector<16xf32>
        %mul3A_194 = arith.mulf %convert_element_type3A_182, %sub3A_193 : vector<16xf32>
        %gt3A_195 = arith.constant 0.000000e+00 : f32
        %gt3A_196 = vector.broadcast %gt3A_195 : f32 to vector<16xf32>
        %gt3A_197 = arith.cmpf ogt, %mul3A_194, %gt3A_196 : vector<16xf32>
        %jit3A_198 = arith.constant 0.000000e+00 : f32
        %broadcast_in_dim3A_199 = vector.broadcast %jit3A_198 : f32 to vector<16xf32>
        %select_n3A_200 = arith.select %gt3A_197, %get3A_187, %broadcast_in_dim3A_199 : vector<16xi1>, vector<16xf32>
        %add3A_201 = arith.addf %scan3A_155, %select_n3A_200 : vector<16xf32>
        %mul3A_202 = arith.constant 4 : i32
        %mul3A_203 = arith.muli %scan3A_154, %mul3A_202 : i32
        %add3A_204 = arith.constant 1 : i32
        %add3A_205 = arith.addi %mul3A_203, %add3A_204 : i32
        %mul3A_206 = arith.constant 16 : i32
        %mul3A_207 = arith.muli %add3A_205, %mul3A_206 : i32
        %get3A_208 = arith.constant 2 : i32
        %get3A_209 = arith.index_cast %get3A_208 : i32 to index
        %get3A_210 = arith.index_cast %mul3A_207 : i32 to index
        %get3A_211 = tpu.vector_load %arg6[%get3A_209, %get3A_210] {strides = array<i32>} : memref<8x512xf32, #tpu.memory_space<vmem>>, vector<1x16xf32>,
        %get3A_212 = vector.shape_cast %get3A_211 : vector<1x16xf32> to vector<16xf32>
        %get3A_213 = arith.constant 2 : i32
        %get3A_214 = arith.index_cast %get3A_213 : i32 to index
        %get3A_215 = arith.index_cast %mul3A_207 : i32 to index
        %get3A_216 = tpu.vector_load %arg7[%get3A_214, %get3A_215] {strides = array<i32>} : memref<8x512xf32, #tpu.memory_space<vmem>>, vector<1x16xf32>,
        %get3A_217 = vector.shape_cast %get3A_216 : vector<1x16xf32> to vector<16xf32>
        %get3A_218 = arith.constant 2 : i32
        %get3A_219 = arith.index_cast %get3A_218 : i32 to index
        %get3A_220 = arith.index_cast %mul3A_207 : i32 to index
        %get3A_221 = tpu.vector_load %arg8[%get3A_219, %get3A_220] {strides = array<i32>} : memref<8x512xf32, #tpu.memory_space<vmem>>, vector<1x16xf32>,
        %get3A_222 = vector.shape_cast %get3A_221 : vector<1x16xf32> to vector<16xf32>
        %get3A_223 = arith.constant 2 : i32
        %get3A_224 = arith.index_cast %get3A_223 : i32 to index
        %get3A_225 = arith.index_cast %mul3A_207 : i32 to index
        %get3A_226 = tpu.vector_load %arg10[%get3A_224, %get3A_225] {strides = array<i32>} : memref<8x512xi32, #tpu.memory_space<vmem>>, vector<1x16xi32>,
        %get3A_227 = vector.shape_cast %get3A_226 : vector<1x16xi32> to vector<16xi32>
        %convert_element_type3A_228 = arith.sitofp %get3A_227 : vector<16xi32> to vector<16xf32>
        %get3A_229 = arith.constant 2 : i32
        %get3A_230 = arith.index_cast %get3A_229 : i32 to index
        %get3A_231 = arith.index_cast %mul3A_207 : i32 to index
        %get3A_232 = tpu.vector_load %arg9[%get3A_230, %get3A_231] {strides = array<i32>} : memref<8x512xf32, #tpu.memory_space<vmem>>, vector<1x16xf32>,
        %get3A_233 = vector.shape_cast %get3A_232 : vector<1x16xf32> to vector<16xf32>
        %mul3A_234 = arith.constant 3.000000e+00 : f32
        %mul3A_235 = vector.broadcast %mul3A_234 : f32 to vector<16xf32>
        %mul3A_236 = arith.mulf %mul3A_235, %convert_element_type3A_228 : vector<16xf32>
        %add3A_237 = arith.addf %get3A_212, %get3A_217 : vector<16xf32>
        %add3A_238 = arith.addf %add3A_237, %get3A_222 : vector<16xf32>
        %sub3A_239 = arith.subf %mul3A_236, %add3A_238 : vector<16xf32>
        %mul3A_240 = arith.mulf %convert_element_type3A_228, %sub3A_239 : vector<16xf32>
        %gt3A_241 = arith.constant 0.000000e+00 : f32
        %gt3A_242 = vector.broadcast %gt3A_241 : f32 to vector<16xf32>
        %gt3A_243 = arith.cmpf ogt, %mul3A_240, %gt3A_242 : vector<16xf32>
        %jit3A_244 = arith.constant 0.000000e+00 : f32
        %broadcast_in_dim3A_245 = vector.broadcast %jit3A_244 : f32 to vector<16xf32>
        %select_n3A_246 = arith.select %gt3A_243, %get3A_233, %broadcast_in_dim3A_245 : vector<16xi1>, vector<16xf32>
        %add3A_247 = arith.addf %add3A_201, %select_n3A_246 : vector<16xf32>
        %mul3A_248 = arith.constant 4 : i32
        %mul3A_249 = arith.muli %scan3A_154, %mul3A_248 : i32
        %add3A_250 = arith.constant 2 : i32
        %add3A_251 = arith.addi %mul3A_249, %add3A_250 : i32
        %mul3A_252 = arith.constant 16 : i32
        %mul3A_253 = arith.muli %add3A_251, %mul3A_252 : i32
        %get3A_254 = arith.constant 2 : i32
        %get3A_255 = arith.index_cast %get3A_254 : i32 to index
        %get3A_256 = arith.index_cast %mul3A_253 : i32 to index
        %get3A_257 = tpu.vector_load %arg6[%get3A_255, %get3A_256] {strides = array<i32>} : memref<8x512xf32, #tpu.memory_space<vmem>>, vector<1x16xf32>,
        %get3A_258 = vector.shape_cast %get3A_257 : vector<1x16xf32> to vector<16xf32>
        %get3A_259 = arith.constant 2 : i32
        %get3A_260 = arith.index_cast %get3A_259 : i32 to index
        %get3A_261 = arith.index_cast %mul3A_253 : i32 to index
        %get3A_262 = tpu.vector_load %arg7[%get3A_260, %get3A_261] {strides = array<i32>} : memref<8x512xf32, #tpu.memory_space<vmem>>, vector<1x16xf32>,
        %get3A_263 = vector.shape_cast %get3A_262 : vector<1x16xf32> to vector<16xf32>
        %get3A_264 = arith.constant 2 : i32
        %get3A_265 = arith.index_cast %get3A_264 : i32 to index
        %get3A_266 = arith.index_cast %mul3A_253 : i32 to index
        %get3A_267 = tpu.vector_load %arg8[%get3A_265, %get3A_266] {strides = array<i32>} : memref<8x512xf32, #tpu.memory_space<vmem>>, vector<1x16xf32>,
        %get3A_268 = vector.shape_cast %get3A_267 : vector<1x16xf32> to vector<16xf32>
        %get3A_269 = arith.constant 2 : i32
        %get3A_270 = arith.index_cast %get3A_269 : i32 to index
        %get3A_271 = arith.index_cast %mul3A_253 : i32 to index
        %get3A_272 = tpu.vector_load %arg10[%get3A_270, %get3A_271] {strides = array<i32>} : memref<8x512xi32, #tpu.memory_space<vmem>>, vector<1x16xi32>,
        %get3A_273 = vector.shape_cast %get3A_272 : vector<1x16xi32> to vector<16xi32>
        %convert_element_type3A_274 = arith.sitofp %get3A_273 : vector<16xi32> to vector<16xf32>
        %get3A_275 = arith.constant 2 : i32
        %get3A_276 = arith.index_cast %get3A_275 : i32 to index
        %get3A_277 = arith.index_cast %mul3A_253 : i32 to index
        %get3A_278 = tpu.vector_load %arg9[%get3A_276, %get3A_277] {strides = array<i32>} : memref<8x512xf32, #tpu.memory_space<vmem>>, vector<1x16xf32>,
        %get3A_279 = vector.shape_cast %get3A_278 : vector<1x16xf32> to vector<16xf32>
        %mul3A_280 = arith.constant 3.000000e+00 : f32
        %mul3A_281 = vector.broadcast %mul3A_280 : f32 to vector<16xf32>
        %mul3A_282 = arith.mulf %mul3A_281, %convert_element_type3A_274 : vector<16xf32>
        %add3A_283 = arith.addf %get3A_258, %get3A_263 : vector<16xf32>
        %add3A_284 = arith.addf %add3A_283, %get3A_268 : vector<16xf32>
        %sub3A_285 = arith.subf %mul3A_282, %add3A_284 : vector<16xf32>
        %mul3A_286 = arith.mulf %convert_element_type3A_274, %sub3A_285 : vector<16xf32>
        %gt3A_287 = arith.constant 0.000000e+00 : f32
        %gt3A_288 = vector.broadcast %gt3A_287 : f32 to vector<16xf32>
        %gt3A_289 = arith.cmpf ogt, %mul3A_286, %gt3A_288 : vector<16xf32>
        %jit3A_290 = arith.constant 0.000000e+00 : f32
        %broadcast_in_dim3A_291 = vector.broadcast %jit3A_290 : f32 to vector<16xf32>
        %select_n3A_292 = arith.select %gt3A_289, %get3A_279, %broadcast_in_dim3A_291 : vector<16xi1>, vector<16xf32>
        %add3A_293 = arith.addf %add3A_247, %select_n3A_292 : vector<16xf32>
        %mul3A_294 = arith.constant 4 : i32
        %mul3A_295 = arith.muli %scan3A_154, %mul3A_294 : i32
        %add3A_296 = arith.constant 3 : i32
        %add3A_297 = arith.addi %mul3A_295, %add3A_296 : i32
        %mul3A_298 = arith.constant 16 : i32
        %mul3A_299 = arith.muli %add3A_297, %mul3A_298 : i32
        %get3A_300 = arith.constant 2 : i32
        %get3A_301 = arith.index_cast %get3A_300 : i32 to index
        %get3A_302 = arith.index_cast %mul3A_299 : i32 to index
        %get3A_303 = tpu.vector_load %arg6[%get3A_301, %get3A_302] {strides = array<i32>} : memref<8x512xf32, #tpu.memory_space<vmem>>, vector<1x16xf32>,
        %get3A_304 = vector.shape_cast %get3A_303 : vector<1x16xf32> to vector<16xf32>
        %get3A_305 = arith.constant 2 : i32
        %get3A_306 = arith.index_cast %get3A_305 : i32 to index
        %get3A_307 = arith.index_cast %mul3A_299 : i32 to index
        %get3A_308 = tpu.vector_load %arg7[%get3A_306, %get3A_307] {strides = array<i32>} : memref<8x512xf32, #tpu.memory_space<vmem>>, vector<1x16xf32>,
        %get3A_309 = vector.shape_cast %get3A_308 : vector<1x16xf32> to vector<16xf32>
        %get3A_310 = arith.constant 2 : i32
        %get3A_311 = arith.index_cast %get3A_310 : i32 to index
        %get3A_312 = arith.index_cast %mul3A_299 : i32 to index
        %get3A_313 = tpu.vector_load %arg8[%get3A_311, %get3A_312] {strides = array<i32>} : memref<8x512xf32, #tpu.memory_space<vmem>>, vector<1x16xf32>,
        %get3A_314 = vector.shape_cast %get3A_313 : vector<1x16xf32> to vector<16xf32>
        %get3A_315 = arith.constant 2 : i32
        %get3A_316 = arith.index_cast %get3A_315 : i32 to index
        %get3A_317 = arith.index_cast %mul3A_299 : i32 to index
        %get3A_318 = tpu.vector_load %arg10[%get3A_316, %get3A_317] {strides = array<i32>} : memref<8x512xi32, #tpu.memory_space<vmem>>, vector<1x16xi32>,
        %get3A_319 = vector.shape_cast %get3A_318 : vector<1x16xi32> to vector<16xi32>
        %convert_element_type3A_320 = arith.sitofp %get3A_319 : vector<16xi32> to vector<16xf32>
        %get3A_321 = arith.constant 2 : i32
        %get3A_322 = arith.index_cast %get3A_321 : i32 to index
        %get3A_323 = arith.index_cast %mul3A_299 : i32 to index
        %get3A_324 = tpu.vector_load %arg9[%get3A_322, %get3A_323] {strides = array<i32>} : memref<8x512xf32, #tpu.memory_space<vmem>>, vector<1x16xf32>,
        %get3A_325 = vector.shape_cast %get3A_324 : vector<1x16xf32> to vector<16xf32>
        %mul3A_326 = arith.constant 3.000000e+00 : f32
        %mul3A_327 = vector.broadcast %mul3A_326 : f32 to vector<16xf32>
        %mul3A_328 = arith.mulf %mul3A_327, %convert_element_type3A_320 : vector<16xf32>
        %add3A_329 = arith.addf %get3A_304, %get3A_309 : vector<16xf32>
        %add3A_330 = arith.addf %add3A_329, %get3A_314 : vector<16xf32>
        %sub3A_331 = arith.subf %mul3A_328, %add3A_330 : vector<16xf32>
        %mul3A_332 = arith.mulf %convert_element_type3A_320, %sub3A_331 : vector<16xf32>
        %gt3A_333 = arith.constant 0.000000e+00 : f32
        %gt3A_334 = vector.broadcast %gt3A_333 : f32 to vector<16xf32>
        %gt3A_335 = arith.cmpf ogt, %mul3A_332, %gt3A_334 : vector<16xf32>
        %jit3A_336 = arith.constant 0.000000e+00 : f32
        %broadcast_in_dim3A_337 = vector.broadcast %jit3A_336 : f32 to vector<16xf32>
        %select_n3A_338 = arith.select %gt3A_335, %get3A_325, %broadcast_in_dim3A_337 : vector<16xi1>, vector<16xf32>
        %add3A_339 = arith.addf %add3A_293, %select_n3A_338 : vector<16xf32>
        scf.yield %add3A_339 : vector<16xf32>
      }
      %scan3A_113 = arith.constant 8 : i32
      %scan3A_114 = arith.constant 0 : i32
      %scan3A_115 = arith.constant 8 : i32
      %scan3A_116 = arith.addi %scan3A_114, %scan3A_115 : i32
      %scan3A_117 = arith.constant 1 : i32
      %scan3A_118 = scf.for %scan3A_154 = %scan3A_114 to %scan3A_116 step %scan3A_117 iter_args(%scan3A_155 = %scan3A_112) -> (vector<16xf32>)  : i32 {
        %mul3A_156 = arith.constant 4 : i32
        %mul3A_157 = arith.muli %scan3A_154, %mul3A_156 : i32
        %add3A_158 = arith.constant 0 : i32
        %add3A_159 = arith.addi %mul3A_157, %add3A_158 : i32
        %mul3A_160 = arith.constant 16 : i32
        %mul3A_161 = arith.muli %add3A_159, %mul3A_160 : i32
        %get3A_162 = arith.constant 3 : i32
        %get3A_163 = arith.index_cast %get3A_162 : i32 to index
        %get3A_164 = arith.index_cast %mul3A_161 : i32 to index
        %get3A_165 = tpu.vector_load %arg6[%get3A_163, %get3A_164] {strides = array<i32>} : memref<8x512xf32, #tpu.memory_space<vmem>>, vector<1x16xf32>,
        %get3A_166 = vector.shape_cast %get3A_165 : vector<1x16xf32> to vector<16xf32>
        %get3A_167 = arith.constant 3 : i32
        %get3A_168 = arith.index_cast %get3A_167 : i32 to index
        %get3A_169 = arith.index_cast %mul3A_161 : i32 to index
        %get3A_170 = tpu.vector_load %arg7[%get3A_168, %get3A_169] {strides = array<i32>} : memref<8x512xf32, #tpu.memory_space<vmem>>, vector<1x16xf32>,
        %get3A_171 = vector.shape_cast %get3A_170 : vector<1x16xf32> to vector<16xf32>
        %get3A_172 = arith.constant 3 : i32
        %get3A_173 = arith.index_cast %get3A_172 : i32 to index
        %get3A_174 = arith.index_cast %mul3A_161 : i32 to index
        %get3A_175 = tpu.vector_load %arg8[%get3A_173, %get3A_174] {strides = array<i32>} : memref<8x512xf32, #tpu.memory_space<vmem>>, vector<1x16xf32>,
        %get3A_176 = vector.shape_cast %get3A_175 : vector<1x16xf32> to vector<16xf32>
        %get3A_177 = arith.constant 3 : i32
        %get3A_178 = arith.index_cast %get3A_177 : i32 to index
        %get3A_179 = arith.index_cast %mul3A_161 : i32 to index
        %get3A_180 = tpu.vector_load %arg10[%get3A_178, %get3A_179] {strides = array<i32>} : memref<8x512xi32, #tpu.memory_space<vmem>>, vector<1x16xi32>,
        %get3A_181 = vector.shape_cast %get3A_180 : vector<1x16xi32> to vector<16xi32>
        %convert_element_type3A_182 = arith.sitofp %get3A_181 : vector<16xi32> to vector<16xf32>
        %get3A_183 = arith.constant 3 : i32
        %get3A_184 = arith.index_cast %get3A_183 : i32 to index
        %get3A_185 = arith.index_cast %mul3A_161 : i32 to index
        %get3A_186 = tpu.vector_load %arg9[%get3A_184, %get3A_185] {strides = array<i32>} : memref<8x512xf32, #tpu.memory_space<vmem>>, vector<1x16xf32>,
        %get3A_187 = vector.shape_cast %get3A_186 : vector<1x16xf32> to vector<16xf32>
        %mul3A_188 = arith.constant 3.000000e+00 : f32
        %mul3A_189 = vector.broadcast %mul3A_188 : f32 to vector<16xf32>
        %mul3A_190 = arith.mulf %mul3A_189, %convert_element_type3A_182 : vector<16xf32>
        %add3A_191 = arith.addf %get3A_166, %get3A_171 : vector<16xf32>
        %add3A_192 = arith.addf %add3A_191, %get3A_176 : vector<16xf32>
        %sub3A_193 = arith.subf %mul3A_190, %add3A_192 : vector<16xf32>
        %mul3A_194 = arith.mulf %convert_element_type3A_182, %sub3A_193 : vector<16xf32>
        %gt3A_195 = arith.constant 0.000000e+00 : f32
        %gt3A_196 = vector.broadcast %gt3A_195 : f32 to vector<16xf32>
        %gt3A_197 = arith.cmpf ogt, %mul3A_194, %gt3A_196 : vector<16xf32>
        %jit3A_198 = arith.constant 0.000000e+00 : f32
        %broadcast_in_dim3A_199 = vector.broadcast %jit3A_198 : f32 to vector<16xf32>
        %select_n3A_200 = arith.select %gt3A_197, %get3A_187, %broadcast_in_dim3A_199 : vector<16xi1>, vector<16xf32>
        %add3A_201 = arith.addf %scan3A_155, %select_n3A_200 : vector<16xf32>
        %mul3A_202 = arith.constant 4 : i32
        %mul3A_203 = arith.muli %scan3A_154, %mul3A_202 : i32
        %add3A_204 = arith.constant 1 : i32
        %add3A_205 = arith.addi %mul3A_203, %add3A_204 : i32
        %mul3A_206 = arith.constant 16 : i32
        %mul3A_207 = arith.muli %add3A_205, %mul3A_206 : i32
        %get3A_208 = arith.constant 3 : i32
        %get3A_209 = arith.index_cast %get3A_208 : i32 to index
        %get3A_210 = arith.index_cast %mul3A_207 : i32 to index
        %get3A_211 = tpu.vector_load %arg6[%get3A_209, %get3A_210] {strides = array<i32>} : memref<8x512xf32, #tpu.memory_space<vmem>>, vector<1x16xf32>,
        %get3A_212 = vector.shape_cast %get3A_211 : vector<1x16xf32> to vector<16xf32>
        %get3A_213 = arith.constant 3 : i32
        %get3A_214 = arith.index_cast %get3A_213 : i32 to index
        %get3A_215 = arith.index_cast %mul3A_207 : i32 to index
        %get3A_216 = tpu.vector_load %arg7[%get3A_214, %get3A_215] {strides = array<i32>} : memref<8x512xf32, #tpu.memory_space<vmem>>, vector<1x16xf32>,
        %get3A_217 = vector.shape_cast %get3A_216 : vector<1x16xf32> to vector<16xf32>
        %get3A_218 = arith.constant 3 : i32
        %get3A_219 = arith.index_cast %get3A_218 : i32 to index
        %get3A_220 = arith.index_cast %mul3A_207 : i32 to index
        %get3A_221 = tpu.vector_load %arg8[%get3A_219, %get3A_220] {strides = array<i32>} : memref<8x512xf32, #tpu.memory_space<vmem>>, vector<1x16xf32>,
        %get3A_222 = vector.shape_cast %get3A_221 : vector<1x16xf32> to vector<16xf32>
        %get3A_223 = arith.constant 3 : i32
        %get3A_224 = arith.index_cast %get3A_223 : i32 to index
        %get3A_225 = arith.index_cast %mul3A_207 : i32 to index
        %get3A_226 = tpu.vector_load %arg10[%get3A_224, %get3A_225] {strides = array<i32>} : memref<8x512xi32, #tpu.memory_space<vmem>>, vector<1x16xi32>,
        %get3A_227 = vector.shape_cast %get3A_226 : vector<1x16xi32> to vector<16xi32>
        %convert_element_type3A_228 = arith.sitofp %get3A_227 : vector<16xi32> to vector<16xf32>
        %get3A_229 = arith.constant 3 : i32
        %get3A_230 = arith.index_cast %get3A_229 : i32 to index
        %get3A_231 = arith.index_cast %mul3A_207 : i32 to index
        %get3A_232 = tpu.vector_load %arg9[%get3A_230, %get3A_231] {strides = array<i32>} : memref<8x512xf32, #tpu.memory_space<vmem>>, vector<1x16xf32>,
        %get3A_233 = vector.shape_cast %get3A_232 : vector<1x16xf32> to vector<16xf32>
        %mul3A_234 = arith.constant 3.000000e+00 : f32
        %mul3A_235 = vector.broadcast %mul3A_234 : f32 to vector<16xf32>
        %mul3A_236 = arith.mulf %mul3A_235, %convert_element_type3A_228 : vector<16xf32>
        %add3A_237 = arith.addf %get3A_212, %get3A_217 : vector<16xf32>
        %add3A_238 = arith.addf %add3A_237, %get3A_222 : vector<16xf32>
        %sub3A_239 = arith.subf %mul3A_236, %add3A_238 : vector<16xf32>
        %mul3A_240 = arith.mulf %convert_element_type3A_228, %sub3A_239 : vector<16xf32>
        %gt3A_241 = arith.constant 0.000000e+00 : f32
        %gt3A_242 = vector.broadcast %gt3A_241 : f32 to vector<16xf32>
        %gt3A_243 = arith.cmpf ogt, %mul3A_240, %gt3A_242 : vector<16xf32>
        %jit3A_244 = arith.constant 0.000000e+00 : f32
        %broadcast_in_dim3A_245 = vector.broadcast %jit3A_244 : f32 to vector<16xf32>
        %select_n3A_246 = arith.select %gt3A_243, %get3A_233, %broadcast_in_dim3A_245 : vector<16xi1>, vector<16xf32>
        %add3A_247 = arith.addf %add3A_201, %select_n3A_246 : vector<16xf32>
        %mul3A_248 = arith.constant 4 : i32
        %mul3A_249 = arith.muli %scan3A_154, %mul3A_248 : i32
        %add3A_250 = arith.constant 2 : i32
        %add3A_251 = arith.addi %mul3A_249, %add3A_250 : i32
        %mul3A_252 = arith.constant 16 : i32
        %mul3A_253 = arith.muli %add3A_251, %mul3A_252 : i32
        %get3A_254 = arith.constant 3 : i32
        %get3A_255 = arith.index_cast %get3A_254 : i32 to index
        %get3A_256 = arith.index_cast %mul3A_253 : i32 to index
        %get3A_257 = tpu.vector_load %arg6[%get3A_255, %get3A_256] {strides = array<i32>} : memref<8x512xf32, #tpu.memory_space<vmem>>, vector<1x16xf32>,
        %get3A_258 = vector.shape_cast %get3A_257 : vector<1x16xf32> to vector<16xf32>
        %get3A_259 = arith.constant 3 : i32
        %get3A_260 = arith.index_cast %get3A_259 : i32 to index
        %get3A_261 = arith.index_cast %mul3A_253 : i32 to index
        %get3A_262 = tpu.vector_load %arg7[%get3A_260, %get3A_261] {strides = array<i32>} : memref<8x512xf32, #tpu.memory_space<vmem>>, vector<1x16xf32>,
        %get3A_263 = vector.shape_cast %get3A_262 : vector<1x16xf32> to vector<16xf32>
        %get3A_264 = arith.constant 3 : i32
        %get3A_265 = arith.index_cast %get3A_264 : i32 to index
        %get3A_266 = arith.index_cast %mul3A_253 : i32 to index
        %get3A_267 = tpu.vector_load %arg8[%get3A_265, %get3A_266] {strides = array<i32>} : memref<8x512xf32, #tpu.memory_space<vmem>>, vector<1x16xf32>,
        %get3A_268 = vector.shape_cast %get3A_267 : vector<1x16xf32> to vector<16xf32>
        %get3A_269 = arith.constant 3 : i32
        %get3A_270 = arith.index_cast %get3A_269 : i32 to index
        %get3A_271 = arith.index_cast %mul3A_253 : i32 to index
        %get3A_272 = tpu.vector_load %arg10[%get3A_270, %get3A_271] {strides = array<i32>} : memref<8x512xi32, #tpu.memory_space<vmem>>, vector<1x16xi32>,
        %get3A_273 = vector.shape_cast %get3A_272 : vector<1x16xi32> to vector<16xi32>
        %convert_element_type3A_274 = arith.sitofp %get3A_273 : vector<16xi32> to vector<16xf32>
        %get3A_275 = arith.constant 3 : i32
        %get3A_276 = arith.index_cast %get3A_275 : i32 to index
        %get3A_277 = arith.index_cast %mul3A_253 : i32 to index
        %get3A_278 = tpu.vector_load %arg9[%get3A_276, %get3A_277] {strides = array<i32>} : memref<8x512xf32, #tpu.memory_space<vmem>>, vector<1x16xf32>,
        %get3A_279 = vector.shape_cast %get3A_278 : vector<1x16xf32> to vector<16xf32>
        %mul3A_280 = arith.constant 3.000000e+00 : f32
        %mul3A_281 = vector.broadcast %mul3A_280 : f32 to vector<16xf32>
        %mul3A_282 = arith.mulf %mul3A_281, %convert_element_type3A_274 : vector<16xf32>
        %add3A_283 = arith.addf %get3A_258, %get3A_263 : vector<16xf32>
        %add3A_284 = arith.addf %add3A_283, %get3A_268 : vector<16xf32>
        %sub3A_285 = arith.subf %mul3A_282, %add3A_284 : vector<16xf32>
        %mul3A_286 = arith.mulf %convert_element_type3A_274, %sub3A_285 : vector<16xf32>
        %gt3A_287 = arith.constant 0.000000e+00 : f32
        %gt3A_288 = vector.broadcast %gt3A_287 : f32 to vector<16xf32>
        %gt3A_289 = arith.cmpf ogt, %mul3A_286, %gt3A_288 : vector<16xf32>
        %jit3A_290 = arith.constant 0.000000e+00 : f32
        %broadcast_in_dim3A_291 = vector.broadcast %jit3A_290 : f32 to vector<16xf32>
        %select_n3A_292 = arith.select %gt3A_289, %get3A_279, %broadcast_in_dim3A_291 : vector<16xi1>, vector<16xf32>
        %add3A_293 = arith.addf %add3A_247, %select_n3A_292 : vector<16xf32>
        %mul3A_294 = arith.constant 4 : i32
        %mul3A_295 = arith.muli %scan3A_154, %mul3A_294 : i32
        %add3A_296 = arith.constant 3 : i32
        %add3A_297 = arith.addi %mul3A_295, %add3A_296 : i32
        %mul3A_298 = arith.constant 16 : i32
        %mul3A_299 = arith.muli %add3A_297, %mul3A_298 : i32
        %get3A_300 = arith.constant 3 : i32
        %get3A_301 = arith.index_cast %get3A_300 : i32 to index
        %get3A_302 = arith.index_cast %mul3A_299 : i32 to index
        %get3A_303 = tpu.vector_load %arg6[%get3A_301, %get3A_302] {strides = array<i32>} : memref<8x512xf32, #tpu.memory_space<vmem>>, vector<1x16xf32>,
        %get3A_304 = vector.shape_cast %get3A_303 : vector<1x16xf32> to vector<16xf32>
        %get3A_305 = arith.constant 3 : i32
        %get3A_306 = arith.index_cast %get3A_305 : i32 to index
        %get3A_307 = arith.index_cast %mul3A_299 : i32 to index
        %get3A_308 = tpu.vector_load %arg7[%get3A_306, %get3A_307] {strides = array<i32>} : memref<8x512xf32, #tpu.memory_space<vmem>>, vector<1x16xf32>,
        %get3A_309 = vector.shape_cast %get3A_308 : vector<1x16xf32> to vector<16xf32>
        %get3A_310 = arith.constant 3 : i32
        %get3A_311 = arith.index_cast %get3A_310 : i32 to index
        %get3A_312 = arith.index_cast %mul3A_299 : i32 to index
        %get3A_313 = tpu.vector_load %arg8[%get3A_311, %get3A_312] {strides = array<i32>} : memref<8x512xf32, #tpu.memory_space<vmem>>, vector<1x16xf32>,
        %get3A_314 = vector.shape_cast %get3A_313 : vector<1x16xf32> to vector<16xf32>
        %get3A_315 = arith.constant 3 : i32
        %get3A_316 = arith.index_cast %get3A_315 : i32 to index
        %get3A_317 = arith.index_cast %mul3A_299 : i32 to index
        %get3A_318 = tpu.vector_load %arg10[%get3A_316, %get3A_317] {strides = array<i32>} : memref<8x512xi32, #tpu.memory_space<vmem>>, vector<1x16xi32>,
        %get3A_319 = vector.shape_cast %get3A_318 : vector<1x16xi32> to vector<16xi32>
        %convert_element_type3A_320 = arith.sitofp %get3A_319 : vector<16xi32> to vector<16xf32>
        %get3A_321 = arith.constant 3 : i32
        %get3A_322 = arith.index_cast %get3A_321 : i32 to index
        %get3A_323 = arith.index_cast %mul3A_299 : i32 to index
        %get3A_324 = tpu.vector_load %arg9[%get3A_322, %get3A_323] {strides = array<i32>} : memref<8x512xf32, #tpu.memory_space<vmem>>, vector<1x16xf32>,
        %get3A_325 = vector.shape_cast %get3A_324 : vector<1x16xf32> to vector<16xf32>
        %mul3A_326 = arith.constant 3.000000e+00 : f32
        %mul3A_327 = vector.broadcast %mul3A_326 : f32 to vector<16xf32>
        %mul3A_328 = arith.mulf %mul3A_327, %convert_element_type3A_320 : vector<16xf32>
        %add3A_329 = arith.addf %get3A_304, %get3A_309 : vector<16xf32>
        %add3A_330 = arith.addf %add3A_329, %get3A_314 : vector<16xf32>
        %sub3A_331 = arith.subf %mul3A_328, %add3A_330 : vector<16xf32>
        %mul3A_332 = arith.mulf %convert_element_type3A_320, %sub3A_331 : vector<16xf32>
        %gt3A_333 = arith.constant 0.000000e+00 : f32
        %gt3A_334 = vector.broadcast %gt3A_333 : f32 to vector<16xf32>
        %gt3A_335 = arith.cmpf ogt, %mul3A_332, %gt3A_334 : vector<16xf32>
        %jit3A_336 = arith.constant 0.000000e+00 : f32
        %broadcast_in_dim3A_337 = vector.broadcast %jit3A_336 : f32 to vector<16xf32>
        %select_n3A_338 = arith.select %gt3A_335, %get3A_325, %broadcast_in_dim3A_337 : vector<16xi1>, vector<16xf32>
        %add3A_339 = arith.addf %add3A_293, %select_n3A_338 : vector<16xf32>
        scf.yield %add3A_339 : vector<16xf32>
      }
      %scan3A_119 = arith.constant 8 : i32
      %scan3A_120 = arith.constant 0 : i32
      %scan3A_121 = arith.constant 8 : i32
      %scan3A_122 = arith.addi %scan3A_120, %scan3A_121 : i32
      %scan3A_123 = arith.constant 1 : i32
      %scan3A_124 = scf.for %scan3A_154 = %scan3A_120 to %scan3A_122 step %scan3A_123 iter_args(%scan3A_155 = %scan3A_118) -> (vector<16xf32>)  : i32 {
        %mul3A_156 = arith.constant 4 : i32
        %mul3A_157 = arith.muli %scan3A_154, %mul3A_156 : i32
        %add3A_158 = arith.constant 0 : i32
        %add3A_159 = arith.addi %mul3A_157, %add3A_158 : i32
        %mul3A_160 = arith.constant 16 : i32
        %mul3A_161 = arith.muli %add3A_159, %mul3A_160 : i32
        %get3A_162 = arith.constant 4 : i32
        %get3A_163 = arith.index_cast %get3A_162 : i32 to index
        %get3A_164 = arith.index_cast %mul3A_161 : i32 to index
        %get3A_165 = tpu.vector_load %arg6[%get3A_163, %get3A_164] {strides = array<i32>} : memref<8x512xf32, #tpu.memory_space<vmem>>, vector<1x16xf32>,
        %get3A_166 = vector.shape_cast %get3A_165 : vector<1x16xf32> to vector<16xf32>
        %get3A_167 = arith.constant 4 : i32
        %get3A_168 = arith.index_cast %get3A_167 : i32 to index
        %get3A_169 = arith.index_cast %mul3A_161 : i32 to index
        %get3A_170 = tpu.vector_load %arg7[%get3A_168, %get3A_169] {strides = array<i32>} : memref<8x512xf32, #tpu.memory_space<vmem>>, vector<1x16xf32>,
        %get3A_171 = vector.shape_cast %get3A_170 : vector<1x16xf32> to vector<16xf32>
        %get3A_172 = arith.constant 4 : i32
        %get3A_173 = arith.index_cast %get3A_172 : i32 to index
        %get3A_174 = arith.index_cast %mul3A_161 : i32 to index
        %get3A_175 = tpu.vector_load %arg8[%get3A_173, %get3A_174] {strides = array<i32>} : memref<8x512xf32, #tpu.memory_space<vmem>>, vector<1x16xf32>,
        %get3A_176 = vector.shape_cast %get3A_175 : vector<1x16xf32> to vector<16xf32>
        %get3A_177 = arith.constant 4 : i32
        %get3A_178 = arith.index_cast %get3A_177 : i32 to index
        %get3A_179 = arith.index_cast %mul3A_161 : i32 to index
        %get3A_180 = tpu.vector_load %arg10[%get3A_178, %get3A_179] {strides = array<i32>} : memref<8x512xi32, #tpu.memory_space<vmem>>, vector<1x16xi32>,
        %get3A_181 = vector.shape_cast %get3A_180 : vector<1x16xi32> to vector<16xi32>
        %convert_element_type3A_182 = arith.sitofp %get3A_181 : vector<16xi32> to vector<16xf32>
        %get3A_183 = arith.constant 4 : i32
        %get3A_184 = arith.index_cast %get3A_183 : i32 to index
        %get3A_185 = arith.index_cast %mul3A_161 : i32 to index
        %get3A_186 = tpu.vector_load %arg9[%get3A_184, %get3A_185] {strides = array<i32>} : memref<8x512xf32, #tpu.memory_space<vmem>>, vector<1x16xf32>,
        %get3A_187 = vector.shape_cast %get3A_186 : vector<1x16xf32> to vector<16xf32>
        %mul3A_188 = arith.constant 3.000000e+00 : f32
        %mul3A_189 = vector.broadcast %mul3A_188 : f32 to vector<16xf32>
        %mul3A_190 = arith.mulf %mul3A_189, %convert_element_type3A_182 : vector<16xf32>
        %add3A_191 = arith.addf %get3A_166, %get3A_171 : vector<16xf32>
        %add3A_192 = arith.addf %add3A_191, %get3A_176 : vector<16xf32>
        %sub3A_193 = arith.subf %mul3A_190, %add3A_192 : vector<16xf32>
        %mul3A_194 = arith.mulf %convert_element_type3A_182, %sub3A_193 : vector<16xf32>
        %gt3A_195 = arith.constant 0.000000e+00 : f32
        %gt3A_196 = vector.broadcast %gt3A_195 : f32 to vector<16xf32>
        %gt3A_197 = arith.cmpf ogt, %mul3A_194, %gt3A_196 : vector<16xf32>
        %jit3A_198 = arith.constant 0.000000e+00 : f32
        %broadcast_in_dim3A_199 = vector.broadcast %jit3A_198 : f32 to vector<16xf32>
        %select_n3A_200 = arith.select %gt3A_197, %get3A_187, %broadcast_in_dim3A_199 : vector<16xi1>, vector<16xf32>
        %add3A_201 = arith.addf %scan3A_155, %select_n3A_200 : vector<16xf32>
        %mul3A_202 = arith.constant 4 : i32
        %mul3A_203 = arith.muli %scan3A_154, %mul3A_202 : i32
        %add3A_204 = arith.constant 1 : i32
        %add3A_205 = arith.addi %mul3A_203, %add3A_204 : i32
        %mul3A_206 = arith.constant 16 : i32
        %mul3A_207 = arith.muli %add3A_205, %mul3A_206 : i32
        %get3A_208 = arith.constant 4 : i32
        %get3A_209 = arith.index_cast %get3A_208 : i32 to index
        %get3A_210 = arith.index_cast %mul3A_207 : i32 to index
        %get3A_211 = tpu.vector_load %arg6[%get3A_209, %get3A_210] {strides = array<i32>} : memref<8x512xf32, #tpu.memory_space<vmem>>, vector<1x16xf32>,
        %get3A_212 = vector.shape_cast %get3A_211 : vector<1x16xf32> to vector<16xf32>
        %get3A_213 = arith.constant 4 : i32
        %get3A_214 = arith.index_cast %get3A_213 : i32 to index
        %get3A_215 = arith.index_cast %mul3A_207 : i32 to index
        %get3A_216 = tpu.vector_load %arg7[%get3A_214, %get3A_215] {strides = array<i32>} : memref<8x512xf32, #tpu.memory_space<vmem>>, vector<1x16xf32>,
        %get3A_217 = vector.shape_cast %get3A_216 : vector<1x16xf32> to vector<16xf32>
        %get3A_218 = arith.constant 4 : i32
        %get3A_219 = arith.index_cast %get3A_218 : i32 to index
        %get3A_220 = arith.index_cast %mul3A_207 : i32 to index
        %get3A_221 = tpu.vector_load %arg8[%get3A_219, %get3A_220] {strides = array<i32>} : memref<8x512xf32, #tpu.memory_space<vmem>>, vector<1x16xf32>,
        %get3A_222 = vector.shape_cast %get3A_221 : vector<1x16xf32> to vector<16xf32>
        %get3A_223 = arith.constant 4 : i32
        %get3A_224 = arith.index_cast %get3A_223 : i32 to index
        %get3A_225 = arith.index_cast %mul3A_207 : i32 to index
        %get3A_226 = tpu.vector_load %arg10[%get3A_224, %get3A_225] {strides = array<i32>} : memref<8x512xi32, #tpu.memory_space<vmem>>, vector<1x16xi32>,
        %get3A_227 = vector.shape_cast %get3A_226 : vector<1x16xi32> to vector<16xi32>
        %convert_element_type3A_228 = arith.sitofp %get3A_227 : vector<16xi32> to vector<16xf32>
        %get3A_229 = arith.constant 4 : i32
        %get3A_230 = arith.index_cast %get3A_229 : i32 to index
        %get3A_231 = arith.index_cast %mul3A_207 : i32 to index
        %get3A_232 = tpu.vector_load %arg9[%get3A_230, %get3A_231] {strides = array<i32>} : memref<8x512xf32, #tpu.memory_space<vmem>>, vector<1x16xf32>,
        %get3A_233 = vector.shape_cast %get3A_232 : vector<1x16xf32> to vector<16xf32>
        %mul3A_234 = arith.constant 3.000000e+00 : f32
        %mul3A_235 = vector.broadcast %mul3A_234 : f32 to vector<16xf32>
        %mul3A_236 = arith.mulf %mul3A_235, %convert_element_type3A_228 : vector<16xf32>
        %add3A_237 = arith.addf %get3A_212, %get3A_217 : vector<16xf32>
        %add3A_238 = arith.addf %add3A_237, %get3A_222 : vector<16xf32>
        %sub3A_239 = arith.subf %mul3A_236, %add3A_238 : vector<16xf32>
        %mul3A_240 = arith.mulf %convert_element_type3A_228, %sub3A_239 : vector<16xf32>
        %gt3A_241 = arith.constant 0.000000e+00 : f32
        %gt3A_242 = vector.broadcast %gt3A_241 : f32 to vector<16xf32>
        %gt3A_243 = arith.cmpf ogt, %mul3A_240, %gt3A_242 : vector<16xf32>
        %jit3A_244 = arith.constant 0.000000e+00 : f32
        %broadcast_in_dim3A_245 = vector.broadcast %jit3A_244 : f32 to vector<16xf32>
        %select_n3A_246 = arith.select %gt3A_243, %get3A_233, %broadcast_in_dim3A_245 : vector<16xi1>, vector<16xf32>
        %add3A_247 = arith.addf %add3A_201, %select_n3A_246 : vector<16xf32>
        %mul3A_248 = arith.constant 4 : i32
        %mul3A_249 = arith.muli %scan3A_154, %mul3A_248 : i32
        %add3A_250 = arith.constant 2 : i32
        %add3A_251 = arith.addi %mul3A_249, %add3A_250 : i32
        %mul3A_252 = arith.constant 16 : i32
        %mul3A_253 = arith.muli %add3A_251, %mul3A_252 : i32
        %get3A_254 = arith.constant 4 : i32
        %get3A_255 = arith.index_cast %get3A_254 : i32 to index
        %get3A_256 = arith.index_cast %mul3A_253 : i32 to index
        %get3A_257 = tpu.vector_load %arg6[%get3A_255, %get3A_256] {strides = array<i32>} : memref<8x512xf32, #tpu.memory_space<vmem>>, vector<1x16xf32>,
        %get3A_258 = vector.shape_cast %get3A_257 : vector<1x16xf32> to vector<16xf32>
        %get3A_259 = arith.constant 4 : i32
        %get3A_260 = arith.index_cast %get3A_259 : i32 to index
        %get3A_261 = arith.index_cast %mul3A_253 : i32 to index
        %get3A_262 = tpu.vector_load %arg7[%get3A_260, %get3A_261] {strides = array<i32>} : memref<8x512xf32, #tpu.memory_space<vmem>>, vector<1x16xf32>,
        %get3A_263 = vector.shape_cast %get3A_262 : vector<1x16xf32> to vector<16xf32>
        %get3A_264 = arith.constant 4 : i32
        %get3A_265 = arith.index_cast %get3A_264 : i32 to index
        %get3A_266 = arith.index_cast %mul3A_253 : i32 to index
        %get3A_267 = tpu.vector_load %arg8[%get3A_265, %get3A_266] {strides = array<i32>} : memref<8x512xf32, #tpu.memory_space<vmem>>, vector<1x16xf32>,
        %get3A_268 = vector.shape_cast %get3A_267 : vector<1x16xf32> to vector<16xf32>
        %get3A_269 = arith.constant 4 : i32
        %get3A_270 = arith.index_cast %get3A_269 : i32 to index
        %get3A_271 = arith.index_cast %mul3A_253 : i32 to index
        %get3A_272 = tpu.vector_load %arg10[%get3A_270, %get3A_271] {strides = array<i32>} : memref<8x512xi32, #tpu.memory_space<vmem>>, vector<1x16xi32>,
        %get3A_273 = vector.shape_cast %get3A_272 : vector<1x16xi32> to vector<16xi32>
        %convert_element_type3A_274 = arith.sitofp %get3A_273 : vector<16xi32> to vector<16xf32>
        %get3A_275 = arith.constant 4 : i32
        %get3A_276 = arith.index_cast %get3A_275 : i32 to index
        %get3A_277 = arith.index_cast %mul3A_253 : i32 to index
        %get3A_278 = tpu.vector_load %arg9[%get3A_276, %get3A_277] {strides = array<i32>} : memref<8x512xf32, #tpu.memory_space<vmem>>, vector<1x16xf32>,
        %get3A_279 = vector.shape_cast %get3A_278 : vector<1x16xf32> to vector<16xf32>
        %mul3A_280 = arith.constant 3.000000e+00 : f32
        %mul3A_281 = vector.broadcast %mul3A_280 : f32 to vector<16xf32>
        %mul3A_282 = arith.mulf %mul3A_281, %convert_element_type3A_274 : vector<16xf32>
        %add3A_283 = arith.addf %get3A_258, %get3A_263 : vector<16xf32>
        %add3A_284 = arith.addf %add3A_283, %get3A_268 : vector<16xf32>
        %sub3A_285 = arith.subf %mul3A_282, %add3A_284 : vector<16xf32>
        %mul3A_286 = arith.mulf %convert_element_type3A_274, %sub3A_285 : vector<16xf32>
        %gt3A_287 = arith.constant 0.000000e+00 : f32
        %gt3A_288 = vector.broadcast %gt3A_287 : f32 to vector<16xf32>
        %gt3A_289 = arith.cmpf ogt, %mul3A_286, %gt3A_288 : vector<16xf32>
        %jit3A_290 = arith.constant 0.000000e+00 : f32
        %broadcast_in_dim3A_291 = vector.broadcast %jit3A_290 : f32 to vector<16xf32>
        %select_n3A_292 = arith.select %gt3A_289, %get3A_279, %broadcast_in_dim3A_291 : vector<16xi1>, vector<16xf32>
        %add3A_293 = arith.addf %add3A_247, %select_n3A_292 : vector<16xf32>
        %mul3A_294 = arith.constant 4 : i32
        %mul3A_295 = arith.muli %scan3A_154, %mul3A_294 : i32
        %add3A_296 = arith.constant 3 : i32
        %add3A_297 = arith.addi %mul3A_295, %add3A_296 : i32
        %mul3A_298 = arith.constant 16 : i32
        %mul3A_299 = arith.muli %add3A_297, %mul3A_298 : i32
        %get3A_300 = arith.constant 4 : i32
        %get3A_301 = arith.index_cast %get3A_300 : i32 to index
        %get3A_302 = arith.index_cast %mul3A_299 : i32 to index
        %get3A_303 = tpu.vector_load %arg6[%get3A_301, %get3A_302] {strides = array<i32>} : memref<8x512xf32, #tpu.memory_space<vmem>>, vector<1x16xf32>,
        %get3A_304 = vector.shape_cast %get3A_303 : vector<1x16xf32> to vector<16xf32>
        %get3A_305 = arith.constant 4 : i32
        %get3A_306 = arith.index_cast %get3A_305 : i32 to index
        %get3A_307 = arith.index_cast %mul3A_299 : i32 to index
        %get3A_308 = tpu.vector_load %arg7[%get3A_306, %get3A_307] {strides = array<i32>} : memref<8x512xf32, #tpu.memory_space<vmem>>, vector<1x16xf32>,
        %get3A_309 = vector.shape_cast %get3A_308 : vector<1x16xf32> to vector<16xf32>
        %get3A_310 = arith.constant 4 : i32
        %get3A_311 = arith.index_cast %get3A_310 : i32 to index
        %get3A_312 = arith.index_cast %mul3A_299 : i32 to index
        %get3A_313 = tpu.vector_load %arg8[%get3A_311, %get3A_312] {strides = array<i32>} : memref<8x512xf32, #tpu.memory_space<vmem>>, vector<1x16xf32>,
        %get3A_314 = vector.shape_cast %get3A_313 : vector<1x16xf32> to vector<16xf32>
        %get3A_315 = arith.constant 4 : i32
        %get3A_316 = arith.index_cast %get3A_315 : i32 to index
        %get3A_317 = arith.index_cast %mul3A_299 : i32 to index
        %get3A_318 = tpu.vector_load %arg10[%get3A_316, %get3A_317] {strides = array<i32>} : memref<8x512xi32, #tpu.memory_space<vmem>>, vector<1x16xi32>,
        %get3A_319 = vector.shape_cast %get3A_318 : vector<1x16xi32> to vector<16xi32>
        %convert_element_type3A_320 = arith.sitofp %get3A_319 : vector<16xi32> to vector<16xf32>
        %get3A_321 = arith.constant 4 : i32
        %get3A_322 = arith.index_cast %get3A_321 : i32 to index
        %get3A_323 = arith.index_cast %mul3A_299 : i32 to index
        %get3A_324 = tpu.vector_load %arg9[%get3A_322, %get3A_323] {strides = array<i32>} : memref<8x512xf32, #tpu.memory_space<vmem>>, vector<1x16xf32>,
        %get3A_325 = vector.shape_cast %get3A_324 : vector<1x16xf32> to vector<16xf32>
        %mul3A_326 = arith.constant 3.000000e+00 : f32
        %mul3A_327 = vector.broadcast %mul3A_326 : f32 to vector<16xf32>
        %mul3A_328 = arith.mulf %mul3A_327, %convert_element_type3A_320 : vector<16xf32>
        %add3A_329 = arith.addf %get3A_304, %get3A_309 : vector<16xf32>
        %add3A_330 = arith.addf %add3A_329, %get3A_314 : vector<16xf32>
        %sub3A_331 = arith.subf %mul3A_328, %add3A_330 : vector<16xf32>
        %mul3A_332 = arith.mulf %convert_element_type3A_320, %sub3A_331 : vector<16xf32>
        %gt3A_333 = arith.constant 0.000000e+00 : f32
        %gt3A_334 = vector.broadcast %gt3A_333 : f32 to vector<16xf32>
        %gt3A_335 = arith.cmpf ogt, %mul3A_332, %gt3A_334 : vector<16xf32>
        %jit3A_336 = arith.constant 0.000000e+00 : f32
        %broadcast_in_dim3A_337 = vector.broadcast %jit3A_336 : f32 to vector<16xf32>
        %select_n3A_338 = arith.select %gt3A_335, %get3A_325, %broadcast_in_dim3A_337 : vector<16xi1>, vector<16xf32>
        %add3A_339 = arith.addf %add3A_293, %select_n3A_338 : vector<16xf32>
        scf.yield %add3A_339 : vector<16xf32>
      }
      %scan3A_125 = arith.constant 8 : i32
      %scan3A_126 = arith.constant 0 : i32
      %scan3A_127 = arith.constant 8 : i32
      %scan3A_128 = arith.addi %scan3A_126, %scan3A_127 : i32
      %scan3A_129 = arith.constant 1 : i32
      %scan3A_130 = scf.for %scan3A_154 = %scan3A_126 to %scan3A_128 step %scan3A_129 iter_args(%scan3A_155 = %scan3A_124) -> (vector<16xf32>)  : i32 {
        %mul3A_156 = arith.constant 4 : i32
        %mul3A_157 = arith.muli %scan3A_154, %mul3A_156 : i32
        %add3A_158 = arith.constant 0 : i32
        %add3A_159 = arith.addi %mul3A_157, %add3A_158 : i32
        %mul3A_160 = arith.constant 16 : i32
        %mul3A_161 = arith.muli %add3A_159, %mul3A_160 : i32
        %get3A_162 = arith.constant 5 : i32
        %get3A_163 = arith.index_cast %get3A_162 : i32 to index
        %get3A_164 = arith.index_cast %mul3A_161 : i32 to index
        %get3A_165 = tpu.vector_load %arg6[%get3A_163, %get3A_164] {strides = array<i32>} : memref<8x512xf32, #tpu.memory_space<vmem>>, vector<1x16xf32>,
        %get3A_166 = vector.shape_cast %get3A_165 : vector<1x16xf32> to vector<16xf32>
        %get3A_167 = arith.constant 5 : i32
        %get3A_168 = arith.index_cast %get3A_167 : i32 to index
        %get3A_169 = arith.index_cast %mul3A_161 : i32 to index
        %get3A_170 = tpu.vector_load %arg7[%get3A_168, %get3A_169] {strides = array<i32>} : memref<8x512xf32, #tpu.memory_space<vmem>>, vector<1x16xf32>,
        %get3A_171 = vector.shape_cast %get3A_170 : vector<1x16xf32> to vector<16xf32>
        %get3A_172 = arith.constant 5 : i32
        %get3A_173 = arith.index_cast %get3A_172 : i32 to index
        %get3A_174 = arith.index_cast %mul3A_161 : i32 to index
        %get3A_175 = tpu.vector_load %arg8[%get3A_173, %get3A_174] {strides = array<i32>} : memref<8x512xf32, #tpu.memory_space<vmem>>, vector<1x16xf32>,
        %get3A_176 = vector.shape_cast %get3A_175 : vector<1x16xf32> to vector<16xf32>
        %get3A_177 = arith.constant 5 : i32
        %get3A_178 = arith.index_cast %get3A_177 : i32 to index
        %get3A_179 = arith.index_cast %mul3A_161 : i32 to index
        %get3A_180 = tpu.vector_load %arg10[%get3A_178, %get3A_179] {strides = array<i32>} : memref<8x512xi32, #tpu.memory_space<vmem>>, vector<1x16xi32>,
        %get3A_181 = vector.shape_cast %get3A_180 : vector<1x16xi32> to vector<16xi32>
        %convert_element_type3A_182 = arith.sitofp %get3A_181 : vector<16xi32> to vector<16xf32>
        %get3A_183 = arith.constant 5 : i32
        %get3A_184 = arith.index_cast %get3A_183 : i32 to index
        %get3A_185 = arith.index_cast %mul3A_161 : i32 to index
        %get3A_186 = tpu.vector_load %arg9[%get3A_184, %get3A_185] {strides = array<i32>} : memref<8x512xf32, #tpu.memory_space<vmem>>, vector<1x16xf32>,
        %get3A_187 = vector.shape_cast %get3A_186 : vector<1x16xf32> to vector<16xf32>
        %mul3A_188 = arith.constant 3.000000e+00 : f32
        %mul3A_189 = vector.broadcast %mul3A_188 : f32 to vector<16xf32>
        %mul3A_190 = arith.mulf %mul3A_189, %convert_element_type3A_182 : vector<16xf32>
        %add3A_191 = arith.addf %get3A_166, %get3A_171 : vector<16xf32>
        %add3A_192 = arith.addf %add3A_191, %get3A_176 : vector<16xf32>
        %sub3A_193 = arith.subf %mul3A_190, %add3A_192 : vector<16xf32>
        %mul3A_194 = arith.mulf %convert_element_type3A_182, %sub3A_193 : vector<16xf32>
        %gt3A_195 = arith.constant 0.000000e+00 : f32
        %gt3A_196 = vector.broadcast %gt3A_195 : f32 to vector<16xf32>
        %gt3A_197 = arith.cmpf ogt, %mul3A_194, %gt3A_196 : vector<16xf32>
        %jit3A_198 = arith.constant 0.000000e+00 : f32
        %broadcast_in_dim3A_199 = vector.broadcast %jit3A_198 : f32 to vector<16xf32>
        %select_n3A_200 = arith.select %gt3A_197, %get3A_187, %broadcast_in_dim3A_199 : vector<16xi1>, vector<16xf32>
        %add3A_201 = arith.addf %scan3A_155, %select_n3A_200 : vector<16xf32>
        %mul3A_202 = arith.constant 4 : i32
        %mul3A_203 = arith.muli %scan3A_154, %mul3A_202 : i32
        %add3A_204 = arith.constant 1 : i32
        %add3A_205 = arith.addi %mul3A_203, %add3A_204 : i32
        %mul3A_206 = arith.constant 16 : i32
        %mul3A_207 = arith.muli %add3A_205, %mul3A_206 : i32
        %get3A_208 = arith.constant 5 : i32
        %get3A_209 = arith.index_cast %get3A_208 : i32 to index
        %get3A_210 = arith.index_cast %mul3A_207 : i32 to index
        %get3A_211 = tpu.vector_load %arg6[%get3A_209, %get3A_210] {strides = array<i32>} : memref<8x512xf32, #tpu.memory_space<vmem>>, vector<1x16xf32>,
        %get3A_212 = vector.shape_cast %get3A_211 : vector<1x16xf32> to vector<16xf32>
        %get3A_213 = arith.constant 5 : i32
        %get3A_214 = arith.index_cast %get3A_213 : i32 to index
        %get3A_215 = arith.index_cast %mul3A_207 : i32 to index
        %get3A_216 = tpu.vector_load %arg7[%get3A_214, %get3A_215] {strides = array<i32>} : memref<8x512xf32, #tpu.memory_space<vmem>>, vector<1x16xf32>,
        %get3A_217 = vector.shape_cast %get3A_216 : vector<1x16xf32> to vector<16xf32>
        %get3A_218 = arith.constant 5 : i32
        %get3A_219 = arith.index_cast %get3A_218 : i32 to index
        %get3A_220 = arith.index_cast %mul3A_207 : i32 to index
        %get3A_221 = tpu.vector_load %arg8[%get3A_219, %get3A_220] {strides = array<i32>} : memref<8x512xf32, #tpu.memory_space<vmem>>, vector<1x16xf32>,
        %get3A_222 = vector.shape_cast %get3A_221 : vector<1x16xf32> to vector<16xf32>
        %get3A_223 = arith.constant 5 : i32
        %get3A_224 = arith.index_cast %get3A_223 : i32 to index
        %get3A_225 = arith.index_cast %mul3A_207 : i32 to index
        %get3A_226 = tpu.vector_load %arg10[%get3A_224, %get3A_225] {strides = array<i32>} : memref<8x512xi32, #tpu.memory_space<vmem>>, vector<1x16xi32>,
        %get3A_227 = vector.shape_cast %get3A_226 : vector<1x16xi32> to vector<16xi32>
        %convert_element_type3A_228 = arith.sitofp %get3A_227 : vector<16xi32> to vector<16xf32>
        %get3A_229 = arith.constant 5 : i32
        %get3A_230 = arith.index_cast %get3A_229 : i32 to index
        %get3A_231 = arith.index_cast %mul3A_207 : i32 to index
        %get3A_232 = tpu.vector_load %arg9[%get3A_230, %get3A_231] {strides = array<i32>} : memref<8x512xf32, #tpu.memory_space<vmem>>, vector<1x16xf32>,
        %get3A_233 = vector.shape_cast %get3A_232 : vector<1x16xf32> to vector<16xf32>
        %mul3A_234 = arith.constant 3.000000e+00 : f32
        %mul3A_235 = vector.broadcast %mul3A_234 : f32 to vector<16xf32>
        %mul3A_236 = arith.mulf %mul3A_235, %convert_element_type3A_228 : vector<16xf32>
        %add3A_237 = arith.addf %get3A_212, %get3A_217 : vector<16xf32>
        %add3A_238 = arith.addf %add3A_237, %get3A_222 : vector<16xf32>
        %sub3A_239 = arith.subf %mul3A_236, %add3A_238 : vector<16xf32>
        %mul3A_240 = arith.mulf %convert_element_type3A_228, %sub3A_239 : vector<16xf32>
        %gt3A_241 = arith.constant 0.000000e+00 : f32
        %gt3A_242 = vector.broadcast %gt3A_241 : f32 to vector<16xf32>
        %gt3A_243 = arith.cmpf ogt, %mul3A_240, %gt3A_242 : vector<16xf32>
        %jit3A_244 = arith.constant 0.000000e+00 : f32
        %broadcast_in_dim3A_245 = vector.broadcast %jit3A_244 : f32 to vector<16xf32>
        %select_n3A_246 = arith.select %gt3A_243, %get3A_233, %broadcast_in_dim3A_245 : vector<16xi1>, vector<16xf32>
        %add3A_247 = arith.addf %add3A_201, %select_n3A_246 : vector<16xf32>
        %mul3A_248 = arith.constant 4 : i32
        %mul3A_249 = arith.muli %scan3A_154, %mul3A_248 : i32
        %add3A_250 = arith.constant 2 : i32
        %add3A_251 = arith.addi %mul3A_249, %add3A_250 : i32
        %mul3A_252 = arith.constant 16 : i32
        %mul3A_253 = arith.muli %add3A_251, %mul3A_252 : i32
        %get3A_254 = arith.constant 5 : i32
        %get3A_255 = arith.index_cast %get3A_254 : i32 to index
        %get3A_256 = arith.index_cast %mul3A_253 : i32 to index
        %get3A_257 = tpu.vector_load %arg6[%get3A_255, %get3A_256] {strides = array<i32>} : memref<8x512xf32, #tpu.memory_space<vmem>>, vector<1x16xf32>,
        %get3A_258 = vector.shape_cast %get3A_257 : vector<1x16xf32> to vector<16xf32>
        %get3A_259 = arith.constant 5 : i32
        %get3A_260 = arith.index_cast %get3A_259 : i32 to index
        %get3A_261 = arith.index_cast %mul3A_253 : i32 to index
        %get3A_262 = tpu.vector_load %arg7[%get3A_260, %get3A_261] {strides = array<i32>} : memref<8x512xf32, #tpu.memory_space<vmem>>, vector<1x16xf32>,
        %get3A_263 = vector.shape_cast %get3A_262 : vector<1x16xf32> to vector<16xf32>
        %get3A_264 = arith.constant 5 : i32
        %get3A_265 = arith.index_cast %get3A_264 : i32 to index
        %get3A_266 = arith.index_cast %mul3A_253 : i32 to index
        %get3A_267 = tpu.vector_load %arg8[%get3A_265, %get3A_266] {strides = array<i32>} : memref<8x512xf32, #tpu.memory_space<vmem>>, vector<1x16xf32>,
        %get3A_268 = vector.shape_cast %get3A_267 : vector<1x16xf32> to vector<16xf32>
        %get3A_269 = arith.constant 5 : i32
        %get3A_270 = arith.index_cast %get3A_269 : i32 to index
        %get3A_271 = arith.index_cast %mul3A_253 : i32 to index
        %get3A_272 = tpu.vector_load %arg10[%get3A_270, %get3A_271] {strides = array<i32>} : memref<8x512xi32, #tpu.memory_space<vmem>>, vector<1x16xi32>,
        %get3A_273 = vector.shape_cast %get3A_272 : vector<1x16xi32> to vector<16xi32>
        %convert_element_type3A_274 = arith.sitofp %get3A_273 : vector<16xi32> to vector<16xf32>
        %get3A_275 = arith.constant 5 : i32
        %get3A_276 = arith.index_cast %get3A_275 : i32 to index
        %get3A_277 = arith.index_cast %mul3A_253 : i32 to index
        %get3A_278 = tpu.vector_load %arg9[%get3A_276, %get3A_277] {strides = array<i32>} : memref<8x512xf32, #tpu.memory_space<vmem>>, vector<1x16xf32>,
        %get3A_279 = vector.shape_cast %get3A_278 : vector<1x16xf32> to vector<16xf32>
        %mul3A_280 = arith.constant 3.000000e+00 : f32
        %mul3A_281 = vector.broadcast %mul3A_280 : f32 to vector<16xf32>
        %mul3A_282 = arith.mulf %mul3A_281, %convert_element_type3A_274 : vector<16xf32>
        %add3A_283 = arith.addf %get3A_258, %get3A_263 : vector<16xf32>
        %add3A_284 = arith.addf %add3A_283, %get3A_268 : vector<16xf32>
        %sub3A_285 = arith.subf %mul3A_282, %add3A_284 : vector<16xf32>
        %mul3A_286 = arith.mulf %convert_element_type3A_274, %sub3A_285 : vector<16xf32>
        %gt3A_287 = arith.constant 0.000000e+00 : f32
        %gt3A_288 = vector.broadcast %gt3A_287 : f32 to vector<16xf32>
        %gt3A_289 = arith.cmpf ogt, %mul3A_286, %gt3A_288 : vector<16xf32>
        %jit3A_290 = arith.constant 0.000000e+00 : f32
        %broadcast_in_dim3A_291 = vector.broadcast %jit3A_290 : f32 to vector<16xf32>
        %select_n3A_292 = arith.select %gt3A_289, %get3A_279, %broadcast_in_dim3A_291 : vector<16xi1>, vector<16xf32>
        %add3A_293 = arith.addf %add3A_247, %select_n3A_292 : vector<16xf32>
        %mul3A_294 = arith.constant 4 : i32
        %mul3A_295 = arith.muli %scan3A_154, %mul3A_294 : i32
        %add3A_296 = arith.constant 3 : i32
        %add3A_297 = arith.addi %mul3A_295, %add3A_296 : i32
        %mul3A_298 = arith.constant 16 : i32
        %mul3A_299 = arith.muli %add3A_297, %mul3A_298 : i32
        %get3A_300 = arith.constant 5 : i32
        %get3A_301 = arith.index_cast %get3A_300 : i32 to index
        %get3A_302 = arith.index_cast %mul3A_299 : i32 to index
        %get3A_303 = tpu.vector_load %arg6[%get3A_301, %get3A_302] {strides = array<i32>} : memref<8x512xf32, #tpu.memory_space<vmem>>, vector<1x16xf32>,
        %get3A_304 = vector.shape_cast %get3A_303 : vector<1x16xf32> to vector<16xf32>
        %get3A_305 = arith.constant 5 : i32
        %get3A_306 = arith.index_cast %get3A_305 : i32 to index
        %get3A_307 = arith.index_cast %mul3A_299 : i32 to index
        %get3A_308 = tpu.vector_load %arg7[%get3A_306, %get3A_307] {strides = array<i32>} : memref<8x512xf32, #tpu.memory_space<vmem>>, vector<1x16xf32>,
        %get3A_309 = vector.shape_cast %get3A_308 : vector<1x16xf32> to vector<16xf32>
        %get3A_310 = arith.constant 5 : i32
        %get3A_311 = arith.index_cast %get3A_310 : i32 to index
        %get3A_312 = arith.index_cast %mul3A_299 : i32 to index
        %get3A_313 = tpu.vector_load %arg8[%get3A_311, %get3A_312] {strides = array<i32>} : memref<8x512xf32, #tpu.memory_space<vmem>>, vector<1x16xf32>,
        %get3A_314 = vector.shape_cast %get3A_313 : vector<1x16xf32> to vector<16xf32>
        %get3A_315 = arith.constant 5 : i32
        %get3A_316 = arith.index_cast %get3A_315 : i32 to index
        %get3A_317 = arith.index_cast %mul3A_299 : i32 to index
        %get3A_318 = tpu.vector_load %arg10[%get3A_316, %get3A_317] {strides = array<i32>} : memref<8x512xi32, #tpu.memory_space<vmem>>, vector<1x16xi32>,
        %get3A_319 = vector.shape_cast %get3A_318 : vector<1x16xi32> to vector<16xi32>
        %convert_element_type3A_320 = arith.sitofp %get3A_319 : vector<16xi32> to vector<16xf32>
        %get3A_321 = arith.constant 5 : i32
        %get3A_322 = arith.index_cast %get3A_321 : i32 to index
        %get3A_323 = arith.index_cast %mul3A_299 : i32 to index
        %get3A_324 = tpu.vector_load %arg9[%get3A_322, %get3A_323] {strides = array<i32>} : memref<8x512xf32, #tpu.memory_space<vmem>>, vector<1x16xf32>,
        %get3A_325 = vector.shape_cast %get3A_324 : vector<1x16xf32> to vector<16xf32>
        %mul3A_326 = arith.constant 3.000000e+00 : f32
        %mul3A_327 = vector.broadcast %mul3A_326 : f32 to vector<16xf32>
        %mul3A_328 = arith.mulf %mul3A_327, %convert_element_type3A_320 : vector<16xf32>
        %add3A_329 = arith.addf %get3A_304, %get3A_309 : vector<16xf32>
        %add3A_330 = arith.addf %add3A_329, %get3A_314 : vector<16xf32>
        %sub3A_331 = arith.subf %mul3A_328, %add3A_330 : vector<16xf32>
        %mul3A_332 = arith.mulf %convert_element_type3A_320, %sub3A_331 : vector<16xf32>
        %gt3A_333 = arith.constant 0.000000e+00 : f32
        %gt3A_334 = vector.broadcast %gt3A_333 : f32 to vector<16xf32>
        %gt3A_335 = arith.cmpf ogt, %mul3A_332, %gt3A_334 : vector<16xf32>
        %jit3A_336 = arith.constant 0.000000e+00 : f32
        %broadcast_in_dim3A_337 = vector.broadcast %jit3A_336 : f32 to vector<16xf32>
        %select_n3A_338 = arith.select %gt3A_335, %get3A_325, %broadcast_in_dim3A_337 : vector<16xi1>, vector<16xf32>
        %add3A_339 = arith.addf %add3A_293, %select_n3A_338 : vector<16xf32>
        scf.yield %add3A_339 : vector<16xf32>
      }
      %scan3A_131 = arith.constant 8 : i32
      %scan3A_132 = arith.constant 0 : i32
      %scan3A_133 = arith.constant 8 : i32
      %scan3A_134 = arith.addi %scan3A_132, %scan3A_133 : i32
      %scan3A_135 = arith.constant 1 : i32
      %scan3A_136 = scf.for %scan3A_154 = %scan3A_132 to %scan3A_134 step %scan3A_135 iter_args(%scan3A_155 = %scan3A_130) -> (vector<16xf32>)  : i32 {
        %mul3A_156 = arith.constant 4 : i32
        %mul3A_157 = arith.muli %scan3A_154, %mul3A_156 : i32
        %add3A_158 = arith.constant 0 : i32
        %add3A_159 = arith.addi %mul3A_157, %add3A_158 : i32
        %mul3A_160 = arith.constant 16 : i32
        %mul3A_161 = arith.muli %add3A_159, %mul3A_160 : i32
        %get3A_162 = arith.constant 6 : i32
        %get3A_163 = arith.index_cast %get3A_162 : i32 to index
        %get3A_164 = arith.index_cast %mul3A_161 : i32 to index
        %get3A_165 = tpu.vector_load %arg6[%get3A_163, %get3A_164] {strides = array<i32>} : memref<8x512xf32, #tpu.memory_space<vmem>>, vector<1x16xf32>,
        %get3A_166 = vector.shape_cast %get3A_165 : vector<1x16xf32> to vector<16xf32>
        %get3A_167 = arith.constant 6 : i32
        %get3A_168 = arith.index_cast %get3A_167 : i32 to index
        %get3A_169 = arith.index_cast %mul3A_161 : i32 to index
        %get3A_170 = tpu.vector_load %arg7[%get3A_168, %get3A_169] {strides = array<i32>} : memref<8x512xf32, #tpu.memory_space<vmem>>, vector<1x16xf32>,
        %get3A_171 = vector.shape_cast %get3A_170 : vector<1x16xf32> to vector<16xf32>
        %get3A_172 = arith.constant 6 : i32
        %get3A_173 = arith.index_cast %get3A_172 : i32 to index
        %get3A_174 = arith.index_cast %mul3A_161 : i32 to index
        %get3A_175 = tpu.vector_load %arg8[%get3A_173, %get3A_174] {strides = array<i32>} : memref<8x512xf32, #tpu.memory_space<vmem>>, vector<1x16xf32>,
        %get3A_176 = vector.shape_cast %get3A_175 : vector<1x16xf32> to vector<16xf32>
        %get3A_177 = arith.constant 6 : i32
        %get3A_178 = arith.index_cast %get3A_177 : i32 to index
        %get3A_179 = arith.index_cast %mul3A_161 : i32 to index
        %get3A_180 = tpu.vector_load %arg10[%get3A_178, %get3A_179] {strides = array<i32>} : memref<8x512xi32, #tpu.memory_space<vmem>>, vector<1x16xi32>,
        %get3A_181 = vector.shape_cast %get3A_180 : vector<1x16xi32> to vector<16xi32>
        %convert_element_type3A_182 = arith.sitofp %get3A_181 : vector<16xi32> to vector<16xf32>
        %get3A_183 = arith.constant 6 : i32
        %get3A_184 = arith.index_cast %get3A_183 : i32 to index
        %get3A_185 = arith.index_cast %mul3A_161 : i32 to index
        %get3A_186 = tpu.vector_load %arg9[%get3A_184, %get3A_185] {strides = array<i32>} : memref<8x512xf32, #tpu.memory_space<vmem>>, vector<1x16xf32>,
        %get3A_187 = vector.shape_cast %get3A_186 : vector<1x16xf32> to vector<16xf32>
        %mul3A_188 = arith.constant 3.000000e+00 : f32
        %mul3A_189 = vector.broadcast %mul3A_188 : f32 to vector<16xf32>
        %mul3A_190 = arith.mulf %mul3A_189, %convert_element_type3A_182 : vector<16xf32>
        %add3A_191 = arith.addf %get3A_166, %get3A_171 : vector<16xf32>
        %add3A_192 = arith.addf %add3A_191, %get3A_176 : vector<16xf32>
        %sub3A_193 = arith.subf %mul3A_190, %add3A_192 : vector<16xf32>
        %mul3A_194 = arith.mulf %convert_element_type3A_182, %sub3A_193 : vector<16xf32>
        %gt3A_195 = arith.constant 0.000000e+00 : f32
        %gt3A_196 = vector.broadcast %gt3A_195 : f32 to vector<16xf32>
        %gt3A_197 = arith.cmpf ogt, %mul3A_194, %gt3A_196 : vector<16xf32>
        %jit3A_198 = arith.constant 0.000000e+00 : f32
        %broadcast_in_dim3A_199 = vector.broadcast %jit3A_198 : f32 to vector<16xf32>
        %select_n3A_200 = arith.select %gt3A_197, %get3A_187, %broadcast_in_dim3A_199 : vector<16xi1>, vector<16xf32>
        %add3A_201 = arith.addf %scan3A_155, %select_n3A_200 : vector<16xf32>
        %mul3A_202 = arith.constant 4 : i32
        %mul3A_203 = arith.muli %scan3A_154, %mul3A_202 : i32
        %add3A_204 = arith.constant 1 : i32
        %add3A_205 = arith.addi %mul3A_203, %add3A_204 : i32
        %mul3A_206 = arith.constant 16 : i32
        %mul3A_207 = arith.muli %add3A_205, %mul3A_206 : i32
        %get3A_208 = arith.constant 6 : i32
        %get3A_209 = arith.index_cast %get3A_208 : i32 to index
        %get3A_210 = arith.index_cast %mul3A_207 : i32 to index
        %get3A_211 = tpu.vector_load %arg6[%get3A_209, %get3A_210] {strides = array<i32>} : memref<8x512xf32, #tpu.memory_space<vmem>>, vector<1x16xf32>,
        %get3A_212 = vector.shape_cast %get3A_211 : vector<1x16xf32> to vector<16xf32>
        %get3A_213 = arith.constant 6 : i32
        %get3A_214 = arith.index_cast %get3A_213 : i32 to index
        %get3A_215 = arith.index_cast %mul3A_207 : i32 to index
        %get3A_216 = tpu.vector_load %arg7[%get3A_214, %get3A_215] {strides = array<i32>} : memref<8x512xf32, #tpu.memory_space<vmem>>, vector<1x16xf32>,
        %get3A_217 = vector.shape_cast %get3A_216 : vector<1x16xf32> to vector<16xf32>
        %get3A_218 = arith.constant 6 : i32
        %get3A_219 = arith.index_cast %get3A_218 : i32 to index
        %get3A_220 = arith.index_cast %mul3A_207 : i32 to index
        %get3A_221 = tpu.vector_load %arg8[%get3A_219, %get3A_220] {strides = array<i32>} : memref<8x512xf32, #tpu.memory_space<vmem>>, vector<1x16xf32>,
        %get3A_222 = vector.shape_cast %get3A_221 : vector<1x16xf32> to vector<16xf32>
        %get3A_223 = arith.constant 6 : i32
        %get3A_224 = arith.index_cast %get3A_223 : i32 to index
        %get3A_225 = arith.index_cast %mul3A_207 : i32 to index
        %get3A_226 = tpu.vector_load %arg10[%get3A_224, %get3A_225] {strides = array<i32>} : memref<8x512xi32, #tpu.memory_space<vmem>>, vector<1x16xi32>,
        %get3A_227 = vector.shape_cast %get3A_226 : vector<1x16xi32> to vector<16xi32>
        %convert_element_type3A_228 = arith.sitofp %get3A_227 : vector<16xi32> to vector<16xf32>
        %get3A_229 = arith.constant 6 : i32
        %get3A_230 = arith.index_cast %get3A_229 : i32 to index
        %get3A_231 = arith.index_cast %mul3A_207 : i32 to index
        %get3A_232 = tpu.vector_load %arg9[%get3A_230, %get3A_231] {strides = array<i32>} : memref<8x512xf32, #tpu.memory_space<vmem>>, vector<1x16xf32>,
        %get3A_233 = vector.shape_cast %get3A_232 : vector<1x16xf32> to vector<16xf32>
        %mul3A_234 = arith.constant 3.000000e+00 : f32
        %mul3A_235 = vector.broadcast %mul3A_234 : f32 to vector<16xf32>
        %mul3A_236 = arith.mulf %mul3A_235, %convert_element_type3A_228 : vector<16xf32>
        %add3A_237 = arith.addf %get3A_212, %get3A_217 : vector<16xf32>
        %add3A_238 = arith.addf %add3A_237, %get3A_222 : vector<16xf32>
        %sub3A_239 = arith.subf %mul3A_236, %add3A_238 : vector<16xf32>
        %mul3A_240 = arith.mulf %convert_element_type3A_228, %sub3A_239 : vector<16xf32>
        %gt3A_241 = arith.constant 0.000000e+00 : f32
        %gt3A_242 = vector.broadcast %gt3A_241 : f32 to vector<16xf32>
        %gt3A_243 = arith.cmpf ogt, %mul3A_240, %gt3A_242 : vector<16xf32>
        %jit3A_244 = arith.constant 0.000000e+00 : f32
        %broadcast_in_dim3A_245 = vector.broadcast %jit3A_244 : f32 to vector<16xf32>
        %select_n3A_246 = arith.select %gt3A_243, %get3A_233, %broadcast_in_dim3A_245 : vector<16xi1>, vector<16xf32>
        %add3A_247 = arith.addf %add3A_201, %select_n3A_246 : vector<16xf32>
        %mul3A_248 = arith.constant 4 : i32
        %mul3A_249 = arith.muli %scan3A_154, %mul3A_248 : i32
        %add3A_250 = arith.constant 2 : i32
        %add3A_251 = arith.addi %mul3A_249, %add3A_250 : i32
        %mul3A_252 = arith.constant 16 : i32
        %mul3A_253 = arith.muli %add3A_251, %mul3A_252 : i32
        %get3A_254 = arith.constant 6 : i32
        %get3A_255 = arith.index_cast %get3A_254 : i32 to index
        %get3A_256 = arith.index_cast %mul3A_253 : i32 to index
        %get3A_257 = tpu.vector_load %arg6[%get3A_255, %get3A_256] {strides = array<i32>} : memref<8x512xf32, #tpu.memory_space<vmem>>, vector<1x16xf32>,
        %get3A_258 = vector.shape_cast %get3A_257 : vector<1x16xf32> to vector<16xf32>
        %get3A_259 = arith.constant 6 : i32
        %get3A_260 = arith.index_cast %get3A_259 : i32 to index
        %get3A_261 = arith.index_cast %mul3A_253 : i32 to index
        %get3A_262 = tpu.vector_load %arg7[%get3A_260, %get3A_261] {strides = array<i32>} : memref<8x512xf32, #tpu.memory_space<vmem>>, vector<1x16xf32>,
        %get3A_263 = vector.shape_cast %get3A_262 : vector<1x16xf32> to vector<16xf32>
        %get3A_264 = arith.constant 6 : i32
        %get3A_265 = arith.index_cast %get3A_264 : i32 to index
        %get3A_266 = arith.index_cast %mul3A_253 : i32 to index
        %get3A_267 = tpu.vector_load %arg8[%get3A_265, %get3A_266] {strides = array<i32>} : memref<8x512xf32, #tpu.memory_space<vmem>>, vector<1x16xf32>,
        %get3A_268 = vector.shape_cast %get3A_267 : vector<1x16xf32> to vector<16xf32>
        %get3A_269 = arith.constant 6 : i32
        %get3A_270 = arith.index_cast %get3A_269 : i32 to index
        %get3A_271 = arith.index_cast %mul3A_253 : i32 to index
        %get3A_272 = tpu.vector_load %arg10[%get3A_270, %get3A_271] {strides = array<i32>} : memref<8x512xi32, #tpu.memory_space<vmem>>, vector<1x16xi32>,
        %get3A_273 = vector.shape_cast %get3A_272 : vector<1x16xi32> to vector<16xi32>
        %convert_element_type3A_274 = arith.sitofp %get3A_273 : vector<16xi32> to vector<16xf32>
        %get3A_275 = arith.constant 6 : i32
        %get3A_276 = arith.index_cast %get3A_275 : i32 to index
        %get3A_277 = arith.index_cast %mul3A_253 : i32 to index
        %get3A_278 = tpu.vector_load %arg9[%get3A_276, %get3A_277] {strides = array<i32>} : memref<8x512xf32, #tpu.memory_space<vmem>>, vector<1x16xf32>,
        %get3A_279 = vector.shape_cast %get3A_278 : vector<1x16xf32> to vector<16xf32>
        %mul3A_280 = arith.constant 3.000000e+00 : f32
        %mul3A_281 = vector.broadcast %mul3A_280 : f32 to vector<16xf32>
        %mul3A_282 = arith.mulf %mul3A_281, %convert_element_type3A_274 : vector<16xf32>
        %add3A_283 = arith.addf %get3A_258, %get3A_263 : vector<16xf32>
        %add3A_284 = arith.addf %add3A_283, %get3A_268 : vector<16xf32>
        %sub3A_285 = arith.subf %mul3A_282, %add3A_284 : vector<16xf32>
        %mul3A_286 = arith.mulf %convert_element_type3A_274, %sub3A_285 : vector<16xf32>
        %gt3A_287 = arith.constant 0.000000e+00 : f32
        %gt3A_288 = vector.broadcast %gt3A_287 : f32 to vector<16xf32>
        %gt3A_289 = arith.cmpf ogt, %mul3A_286, %gt3A_288 : vector<16xf32>
        %jit3A_290 = arith.constant 0.000000e+00 : f32
        %broadcast_in_dim3A_291 = vector.broadcast %jit3A_290 : f32 to vector<16xf32>
        %select_n3A_292 = arith.select %gt3A_289, %get3A_279, %broadcast_in_dim3A_291 : vector<16xi1>, vector<16xf32>
        %add3A_293 = arith.addf %add3A_247, %select_n3A_292 : vector<16xf32>
        %mul3A_294 = arith.constant 4 : i32
        %mul3A_295 = arith.muli %scan3A_154, %mul3A_294 : i32
        %add3A_296 = arith.constant 3 : i32
        %add3A_297 = arith.addi %mul3A_295, %add3A_296 : i32
        %mul3A_298 = arith.constant 16 : i32
        %mul3A_299 = arith.muli %add3A_297, %mul3A_298 : i32
        %get3A_300 = arith.constant 6 : i32
        %get3A_301 = arith.index_cast %get3A_300 : i32 to index
        %get3A_302 = arith.index_cast %mul3A_299 : i32 to index
        %get3A_303 = tpu.vector_load %arg6[%get3A_301, %get3A_302] {strides = array<i32>} : memref<8x512xf32, #tpu.memory_space<vmem>>, vector<1x16xf32>,
        %get3A_304 = vector.shape_cast %get3A_303 : vector<1x16xf32> to vector<16xf32>
        %get3A_305 = arith.constant 6 : i32
        %get3A_306 = arith.index_cast %get3A_305 : i32 to index
        %get3A_307 = arith.index_cast %mul3A_299 : i32 to index
        %get3A_308 = tpu.vector_load %arg7[%get3A_306, %get3A_307] {strides = array<i32>} : memref<8x512xf32, #tpu.memory_space<vmem>>, vector<1x16xf32>,
        %get3A_309 = vector.shape_cast %get3A_308 : vector<1x16xf32> to vector<16xf32>
        %get3A_310 = arith.constant 6 : i32
        %get3A_311 = arith.index_cast %get3A_310 : i32 to index
        %get3A_312 = arith.index_cast %mul3A_299 : i32 to index
        %get3A_313 = tpu.vector_load %arg8[%get3A_311, %get3A_312] {strides = array<i32>} : memref<8x512xf32, #tpu.memory_space<vmem>>, vector<1x16xf32>,
        %get3A_314 = vector.shape_cast %get3A_313 : vector<1x16xf32> to vector<16xf32>
        %get3A_315 = arith.constant 6 : i32
        %get3A_316 = arith.index_cast %get3A_315 : i32 to index
        %get3A_317 = arith.index_cast %mul3A_299 : i32 to index
        %get3A_318 = tpu.vector_load %arg10[%get3A_316, %get3A_317] {strides = array<i32>} : memref<8x512xi32, #tpu.memory_space<vmem>>, vector<1x16xi32>,
        %get3A_319 = vector.shape_cast %get3A_318 : vector<1x16xi32> to vector<16xi32>
        %convert_element_type3A_320 = arith.sitofp %get3A_319 : vector<16xi32> to vector<16xf32>
        %get3A_321 = arith.constant 6 : i32
        %get3A_322 = arith.index_cast %get3A_321 : i32 to index
        %get3A_323 = arith.index_cast %mul3A_299 : i32 to index
        %get3A_324 = tpu.vector_load %arg9[%get3A_322, %get3A_323] {strides = array<i32>} : memref<8x512xf32, #tpu.memory_space<vmem>>, vector<1x16xf32>,
        %get3A_325 = vector.shape_cast %get3A_324 : vector<1x16xf32> to vector<16xf32>
        %mul3A_326 = arith.constant 3.000000e+00 : f32
        %mul3A_327 = vector.broadcast %mul3A_326 : f32 to vector<16xf32>
        %mul3A_328 = arith.mulf %mul3A_327, %convert_element_type3A_320 : vector<16xf32>
        %add3A_329 = arith.addf %get3A_304, %get3A_309 : vector<16xf32>
        %add3A_330 = arith.addf %add3A_329, %get3A_314 : vector<16xf32>
        %sub3A_331 = arith.subf %mul3A_328, %add3A_330 : vector<16xf32>
        %mul3A_332 = arith.mulf %convert_element_type3A_320, %sub3A_331 : vector<16xf32>
        %gt3A_333 = arith.constant 0.000000e+00 : f32
        %gt3A_334 = vector.broadcast %gt3A_333 : f32 to vector<16xf32>
        %gt3A_335 = arith.cmpf ogt, %mul3A_332, %gt3A_334 : vector<16xf32>
        %jit3A_336 = arith.constant 0.000000e+00 : f32
        %broadcast_in_dim3A_337 = vector.broadcast %jit3A_336 : f32 to vector<16xf32>
        %select_n3A_338 = arith.select %gt3A_335, %get3A_325, %broadcast_in_dim3A_337 : vector<16xi1>, vector<16xf32>
        %add3A_339 = arith.addf %add3A_293, %select_n3A_338 : vector<16xf32>
        scf.yield %add3A_339 : vector<16xf32>
      }
      %scan3A_137 = arith.constant 8 : i32
      %scan3A_138 = arith.constant 0 : i32
      %scan3A_139 = arith.constant 8 : i32
      %scan3A_140 = arith.addi %scan3A_138, %scan3A_139 : i32
      %scan3A_141 = arith.constant 1 : i32
      %scan3A_142 = scf.for %scan3A_154 = %scan3A_138 to %scan3A_140 step %scan3A_141 iter_args(%scan3A_155 = %scan3A_136) -> (vector<16xf32>)  : i32 {
        %mul3A_156 = arith.constant 4 : i32
        %mul3A_157 = arith.muli %scan3A_154, %mul3A_156 : i32
        %add3A_158 = arith.constant 0 : i32
        %add3A_159 = arith.addi %mul3A_157, %add3A_158 : i32
        %mul3A_160 = arith.constant 16 : i32
        %mul3A_161 = arith.muli %add3A_159, %mul3A_160 : i32
        %get3A_162 = arith.constant 7 : i32
        %get3A_163 = arith.index_cast %get3A_162 : i32 to index
        %get3A_164 = arith.index_cast %mul3A_161 : i32 to index
        %get3A_165 = tpu.vector_load %arg6[%get3A_163, %get3A_164] {strides = array<i32>} : memref<8x512xf32, #tpu.memory_space<vmem>>, vector<1x16xf32>,
        %get3A_166 = vector.shape_cast %get3A_165 : vector<1x16xf32> to vector<16xf32>
        %get3A_167 = arith.constant 7 : i32
        %get3A_168 = arith.index_cast %get3A_167 : i32 to index
        %get3A_169 = arith.index_cast %mul3A_161 : i32 to index
        %get3A_170 = tpu.vector_load %arg7[%get3A_168, %get3A_169] {strides = array<i32>} : memref<8x512xf32, #tpu.memory_space<vmem>>, vector<1x16xf32>,
        %get3A_171 = vector.shape_cast %get3A_170 : vector<1x16xf32> to vector<16xf32>
        %get3A_172 = arith.constant 7 : i32
        %get3A_173 = arith.index_cast %get3A_172 : i32 to index
        %get3A_174 = arith.index_cast %mul3A_161 : i32 to index
        %get3A_175 = tpu.vector_load %arg8[%get3A_173, %get3A_174] {strides = array<i32>} : memref<8x512xf32, #tpu.memory_space<vmem>>, vector<1x16xf32>,
        %get3A_176 = vector.shape_cast %get3A_175 : vector<1x16xf32> to vector<16xf32>
        %get3A_177 = arith.constant 7 : i32
        %get3A_178 = arith.index_cast %get3A_177 : i32 to index
        %get3A_179 = arith.index_cast %mul3A_161 : i32 to index
        %get3A_180 = tpu.vector_load %arg10[%get3A_178, %get3A_179] {strides = array<i32>} : memref<8x512xi32, #tpu.memory_space<vmem>>, vector<1x16xi32>,
        %get3A_181 = vector.shape_cast %get3A_180 : vector<1x16xi32> to vector<16xi32>
        %convert_element_type3A_182 = arith.sitofp %get3A_181 : vector<16xi32> to vector<16xf32>
        %get3A_183 = arith.constant 7 : i32
        %get3A_184 = arith.index_cast %get3A_183 : i32 to index
        %get3A_185 = arith.index_cast %mul3A_161 : i32 to index
        %get3A_186 = tpu.vector_load %arg9[%get3A_184, %get3A_185] {strides = array<i32>} : memref<8x512xf32, #tpu.memory_space<vmem>>, vector<1x16xf32>,
        %get3A_187 = vector.shape_cast %get3A_186 : vector<1x16xf32> to vector<16xf32>
        %mul3A_188 = arith.constant 3.000000e+00 : f32
        %mul3A_189 = vector.broadcast %mul3A_188 : f32 to vector<16xf32>
        %mul3A_190 = arith.mulf %mul3A_189, %convert_element_type3A_182 : vector<16xf32>
        %add3A_191 = arith.addf %get3A_166, %get3A_171 : vector<16xf32>
        %add3A_192 = arith.addf %add3A_191, %get3A_176 : vector<16xf32>
        %sub3A_193 = arith.subf %mul3A_190, %add3A_192 : vector<16xf32>
        %mul3A_194 = arith.mulf %convert_element_type3A_182, %sub3A_193 : vector<16xf32>
        %gt3A_195 = arith.constant 0.000000e+00 : f32
        %gt3A_196 = vector.broadcast %gt3A_195 : f32 to vector<16xf32>
        %gt3A_197 = arith.cmpf ogt, %mul3A_194, %gt3A_196 : vector<16xf32>
        %jit3A_198 = arith.constant 0.000000e+00 : f32
        %broadcast_in_dim3A_199 = vector.broadcast %jit3A_198 : f32 to vector<16xf32>
        %select_n3A_200 = arith.select %gt3A_197, %get3A_187, %broadcast_in_dim3A_199 : vector<16xi1>, vector<16xf32>
        %add3A_201 = arith.addf %scan3A_155, %select_n3A_200 : vector<16xf32>
        %mul3A_202 = arith.constant 4 : i32
        %mul3A_203 = arith.muli %scan3A_154, %mul3A_202 : i32
        %add3A_204 = arith.constant 1 : i32
        %add3A_205 = arith.addi %mul3A_203, %add3A_204 : i32
        %mul3A_206 = arith.constant 16 : i32
        %mul3A_207 = arith.muli %add3A_205, %mul3A_206 : i32
        %get3A_208 = arith.constant 7 : i32
        %get3A_209 = arith.index_cast %get3A_208 : i32 to index
        %get3A_210 = arith.index_cast %mul3A_207 : i32 to index
        %get3A_211 = tpu.vector_load %arg6[%get3A_209, %get3A_210] {strides = array<i32>} : memref<8x512xf32, #tpu.memory_space<vmem>>, vector<1x16xf32>,
        %get3A_212 = vector.shape_cast %get3A_211 : vector<1x16xf32> to vector<16xf32>
        %get3A_213 = arith.constant 7 : i32
        %get3A_214 = arith.index_cast %get3A_213 : i32 to index
        %get3A_215 = arith.index_cast %mul3A_207 : i32 to index
        %get3A_216 = tpu.vector_load %arg7[%get3A_214, %get3A_215] {strides = array<i32>} : memref<8x512xf32, #tpu.memory_space<vmem>>, vector<1x16xf32>,
        %get3A_217 = vector.shape_cast %get3A_216 : vector<1x16xf32> to vector<16xf32>
        %get3A_218 = arith.constant 7 : i32
        %get3A_219 = arith.index_cast %get3A_218 : i32 to index
        %get3A_220 = arith.index_cast %mul3A_207 : i32 to index
        %get3A_221 = tpu.vector_load %arg8[%get3A_219, %get3A_220] {strides = array<i32>} : memref<8x512xf32, #tpu.memory_space<vmem>>, vector<1x16xf32>,
        %get3A_222 = vector.shape_cast %get3A_221 : vector<1x16xf32> to vector<16xf32>
        %get3A_223 = arith.constant 7 : i32
        %get3A_224 = arith.index_cast %get3A_223 : i32 to index
        %get3A_225 = arith.index_cast %mul3A_207 : i32 to index
        %get3A_226 = tpu.vector_load %arg10[%get3A_224, %get3A_225] {strides = array<i32>} : memref<8x512xi32, #tpu.memory_space<vmem>>, vector<1x16xi32>,
        %get3A_227 = vector.shape_cast %get3A_226 : vector<1x16xi32> to vector<16xi32>
        %convert_element_type3A_228 = arith.sitofp %get3A_227 : vector<16xi32> to vector<16xf32>
        %get3A_229 = arith.constant 7 : i32
        %get3A_230 = arith.index_cast %get3A_229 : i32 to index
        %get3A_231 = arith.index_cast %mul3A_207 : i32 to index
        %get3A_232 = tpu.vector_load %arg9[%get3A_230, %get3A_231] {strides = array<i32>} : memref<8x512xf32, #tpu.memory_space<vmem>>, vector<1x16xf32>,
        %get3A_233 = vector.shape_cast %get3A_232 : vector<1x16xf32> to vector<16xf32>
        %mul3A_234 = arith.constant 3.000000e+00 : f32
        %mul3A_235 = vector.broadcast %mul3A_234 : f32 to vector<16xf32>
        %mul3A_236 = arith.mulf %mul3A_235, %convert_element_type3A_228 : vector<16xf32>
        %add3A_237 = arith.addf %get3A_212, %get3A_217 : vector<16xf32>
        %add3A_238 = arith.addf %add3A_237, %get3A_222 : vector<16xf32>
        %sub3A_239 = arith.subf %mul3A_236, %add3A_238 : vector<16xf32>
        %mul3A_240 = arith.mulf %convert_element_type3A_228, %sub3A_239 : vector<16xf32>
        %gt3A_241 = arith.constant 0.000000e+00 : f32
        %gt3A_242 = vector.broadcast %gt3A_241 : f32 to vector<16xf32>
        %gt3A_243 = arith.cmpf ogt, %mul3A_240, %gt3A_242 : vector<16xf32>
        %jit3A_244 = arith.constant 0.000000e+00 : f32
        %broadcast_in_dim3A_245 = vector.broadcast %jit3A_244 : f32 to vector<16xf32>
        %select_n3A_246 = arith.select %gt3A_243, %get3A_233, %broadcast_in_dim3A_245 : vector<16xi1>, vector<16xf32>
        %add3A_247 = arith.addf %add3A_201, %select_n3A_246 : vector<16xf32>
        %mul3A_248 = arith.constant 4 : i32
        %mul3A_249 = arith.muli %scan3A_154, %mul3A_248 : i32
        %add3A_250 = arith.constant 2 : i32
        %add3A_251 = arith.addi %mul3A_249, %add3A_250 : i32
        %mul3A_252 = arith.constant 16 : i32
        %mul3A_253 = arith.muli %add3A_251, %mul3A_252 : i32
        %get3A_254 = arith.constant 7 : i32
        %get3A_255 = arith.index_cast %get3A_254 : i32 to index
        %get3A_256 = arith.index_cast %mul3A_253 : i32 to index
        %get3A_257 = tpu.vector_load %arg6[%get3A_255, %get3A_256] {strides = array<i32>} : memref<8x512xf32, #tpu.memory_space<vmem>>, vector<1x16xf32>,
        %get3A_258 = vector.shape_cast %get3A_257 : vector<1x16xf32> to vector<16xf32>
        %get3A_259 = arith.constant 7 : i32
        %get3A_260 = arith.index_cast %get3A_259 : i32 to index
        %get3A_261 = arith.index_cast %mul3A_253 : i32 to index
        %get3A_262 = tpu.vector_load %arg7[%get3A_260, %get3A_261] {strides = array<i32>} : memref<8x512xf32, #tpu.memory_space<vmem>>, vector<1x16xf32>,
        %get3A_263 = vector.shape_cast %get3A_262 : vector<1x16xf32> to vector<16xf32>
        %get3A_264 = arith.constant 7 : i32
        %get3A_265 = arith.index_cast %get3A_264 : i32 to index
        %get3A_266 = arith.index_cast %mul3A_253 : i32 to index
        %get3A_267 = tpu.vector_load %arg8[%get3A_265, %get3A_266] {strides = array<i32>} : memref<8x512xf32, #tpu.memory_space<vmem>>, vector<1x16xf32>,
        %get3A_268 = vector.shape_cast %get3A_267 : vector<1x16xf32> to vector<16xf32>
        %get3A_269 = arith.constant 7 : i32
        %get3A_270 = arith.index_cast %get3A_269 : i32 to index
        %get3A_271 = arith.index_cast %mul3A_253 : i32 to index
        %get3A_272 = tpu.vector_load %arg10[%get3A_270, %get3A_271] {strides = array<i32>} : memref<8x512xi32, #tpu.memory_space<vmem>>, vector<1x16xi32>,
        %get3A_273 = vector.shape_cast %get3A_272 : vector<1x16xi32> to vector<16xi32>
        %convert_element_type3A_274 = arith.sitofp %get3A_273 : vector<16xi32> to vector<16xf32>
        %get3A_275 = arith.constant 7 : i32
        %get3A_276 = arith.index_cast %get3A_275 : i32 to index
        %get3A_277 = arith.index_cast %mul3A_253 : i32 to index
        %get3A_278 = tpu.vector_load %arg9[%get3A_276, %get3A_277] {strides = array<i32>} : memref<8x512xf32, #tpu.memory_space<vmem>>, vector<1x16xf32>,
        %get3A_279 = vector.shape_cast %get3A_278 : vector<1x16xf32> to vector<16xf32>
        %mul3A_280 = arith.constant 3.000000e+00 : f32
        %mul3A_281 = vector.broadcast %mul3A_280 : f32 to vector<16xf32>
        %mul3A_282 = arith.mulf %mul3A_281, %convert_element_type3A_274 : vector<16xf32>
        %add3A_283 = arith.addf %get3A_258, %get3A_263 : vector<16xf32>
        %add3A_284 = arith.addf %add3A_283, %get3A_268 : vector<16xf32>
        %sub3A_285 = arith.subf %mul3A_282, %add3A_284 : vector<16xf32>
        %mul3A_286 = arith.mulf %convert_element_type3A_274, %sub3A_285 : vector<16xf32>
        %gt3A_287 = arith.constant 0.000000e+00 : f32
        %gt3A_288 = vector.broadcast %gt3A_287 : f32 to vector<16xf32>
        %gt3A_289 = arith.cmpf ogt, %mul3A_286, %gt3A_288 : vector<16xf32>
        %jit3A_290 = arith.constant 0.000000e+00 : f32
        %broadcast_in_dim3A_291 = vector.broadcast %jit3A_290 : f32 to vector<16xf32>
        %select_n3A_292 = arith.select %gt3A_289, %get3A_279, %broadcast_in_dim3A_291 : vector<16xi1>, vector<16xf32>
        %add3A_293 = arith.addf %add3A_247, %select_n3A_292 : vector<16xf32>
        %mul3A_294 = arith.constant 4 : i32
        %mul3A_295 = arith.muli %scan3A_154, %mul3A_294 : i32
        %add3A_296 = arith.constant 3 : i32
        %add3A_297 = arith.addi %mul3A_295, %add3A_296 : i32
        %mul3A_298 = arith.constant 16 : i32
        %mul3A_299 = arith.muli %add3A_297, %mul3A_298 : i32
        %get3A_300 = arith.constant 7 : i32
        %get3A_301 = arith.index_cast %get3A_300 : i32 to index
        %get3A_302 = arith.index_cast %mul3A_299 : i32 to index
        %get3A_303 = tpu.vector_load %arg6[%get3A_301, %get3A_302] {strides = array<i32>} : memref<8x512xf32, #tpu.memory_space<vmem>>, vector<1x16xf32>,
        %get3A_304 = vector.shape_cast %get3A_303 : vector<1x16xf32> to vector<16xf32>
        %get3A_305 = arith.constant 7 : i32
        %get3A_306 = arith.index_cast %get3A_305 : i32 to index
        %get3A_307 = arith.index_cast %mul3A_299 : i32 to index
        %get3A_308 = tpu.vector_load %arg7[%get3A_306, %get3A_307] {strides = array<i32>} : memref<8x512xf32, #tpu.memory_space<vmem>>, vector<1x16xf32>,
        %get3A_309 = vector.shape_cast %get3A_308 : vector<1x16xf32> to vector<16xf32>
        %get3A_310 = arith.constant 7 : i32
        %get3A_311 = arith.index_cast %get3A_310 : i32 to index
        %get3A_312 = arith.index_cast %mul3A_299 : i32 to index
        %get3A_313 = tpu.vector_load %arg8[%get3A_311, %get3A_312] {strides = array<i32>} : memref<8x512xf32, #tpu.memory_space<vmem>>, vector<1x16xf32>,
        %get3A_314 = vector.shape_cast %get3A_313 : vector<1x16xf32> to vector<16xf32>
        %get3A_315 = arith.constant 7 : i32
        %get3A_316 = arith.index_cast %get3A_315 : i32 to index
        %get3A_317 = arith.index_cast %mul3A_299 : i32 to index
        %get3A_318 = tpu.vector_load %arg10[%get3A_316, %get3A_317] {strides = array<i32>} : memref<8x512xi32, #tpu.memory_space<vmem>>, vector<1x16xi32>,
        %get3A_319 = vector.shape_cast %get3A_318 : vector<1x16xi32> to vector<16xi32>
        %convert_element_type3A_320 = arith.sitofp %get3A_319 : vector<16xi32> to vector<16xf32>
        %get3A_321 = arith.constant 7 : i32
        %get3A_322 = arith.index_cast %get3A_321 : i32 to index
        %get3A_323 = arith.index_cast %mul3A_299 : i32 to index
        %get3A_324 = tpu.vector_load %arg9[%get3A_322, %get3A_323] {strides = array<i32>} : memref<8x512xf32, #tpu.memory_space<vmem>>, vector<1x16xf32>,
        %get3A_325 = vector.shape_cast %get3A_324 : vector<1x16xf32> to vector<16xf32>
        %mul3A_326 = arith.constant 3.000000e+00 : f32
        %mul3A_327 = vector.broadcast %mul3A_326 : f32 to vector<16xf32>
        %mul3A_328 = arith.mulf %mul3A_327, %convert_element_type3A_320 : vector<16xf32>
        %add3A_329 = arith.addf %get3A_304, %get3A_309 : vector<16xf32>
        %add3A_330 = arith.addf %add3A_329, %get3A_314 : vector<16xf32>
        %sub3A_331 = arith.subf %mul3A_328, %add3A_330 : vector<16xf32>
        %mul3A_332 = arith.mulf %convert_element_type3A_320, %sub3A_331 : vector<16xf32>
        %gt3A_333 = arith.constant 0.000000e+00 : f32
        %gt3A_334 = vector.broadcast %gt3A_333 : f32 to vector<16xf32>
        %gt3A_335 = arith.cmpf ogt, %mul3A_332, %gt3A_334 : vector<16xf32>
        %jit3A_336 = arith.constant 0.000000e+00 : f32
        %broadcast_in_dim3A_337 = vector.broadcast %jit3A_336 : f32 to vector<16xf32>
        %select_n3A_338 = arith.select %gt3A_335, %get3A_325, %broadcast_in_dim3A_337 : vector<16xi1>, vector<16xf32>
        %add3A_339 = arith.addf %add3A_293, %select_n3A_338 : vector<16xf32>
        scf.yield %add3A_339 : vector<16xf32>
      }
      %scan3A_143 = arith.constant 8 : i32
      %get3A = arith.constant 0 : index
      %get3A_144 = tpu.vector_load %arg12[%get3A] {strides = array<i32>} : memref<16xf32, #tpu.memory_space<vmem>>, vector<16xf32>,
      %get3A_145 = vector.shape_cast %get3A_144 : vector<16xf32> to vector<16xf32>
      %mul3A_146 = arith.constant 0.1953125 : f32
      %mul3A_147 = vector.broadcast %mul3A_146 : f32 to vector<16xf32>
      %mul3A_148 = arith.mulf %scan3A_142, %mul3A_147 : vector<16xf32>
      %add3A_149 = arith.addf %get3A_145, %mul3A_148 : vector<16xf32>
      %swap3A_150 = arith.constant 0 : index
      %swap3A_151 = tpu.vector_load %arg12[%swap3A_150] {strides = array<i32>} : memref<16xf32, #tpu.memory_space<vmem>>, vector<16xf32>,
      %swap3A_152 = vector.shape_cast %swap3A_151 : vector<16xf32> to vector<16xf32>
      %swap3A_153 = vector.shape_cast %add3A_149 : vector<16xf32> to vector<16xf32>
      tpu.vector_store %arg12[%swap3A_150], %swap3A_153 {strides = array<i32>} : memref<16xf32, #tpu.memory_space<vmem>>, vector<16xf32>,
    } else {
    }
    "tpu.region"() ({
      %run_scoped3A = tpu.sem_alloc : memref<!tpu.dma_semaphore, #tpu.memory_space<semaphore_mem>>
      %dma_start3A = arith.constant 0 : i32
      %dma_start3A_63 = tpu.memref_slice %arg5[%add3A, %dma_start3A] : memref<32x16xf32, #tpu.memory_space<hbm>> -> memref<1x16xf32, #tpu.memory_space<hbm>>
      %dma_start3A_64 = tpu.memref_squeeze %dma_start3A_63 : memref<1x16xf32, #tpu.memory_space<hbm>> -> memref<16xf32, #tpu.memory_space<hbm>>
      %dma_start3A_65 = arith.constant 0 : i32
      %dma_start3A_66 = tpu.memref_slice %arg5[%add3A, %dma_start3A_65] : memref<32x16xf32, #tpu.memory_space<hbm>> -> memref<1x16xf32, #tpu.memory_space<hbm>>
      %dma_start3A_67 = tpu.memref_squeeze %dma_start3A_66 : memref<1x16xf32, #tpu.memory_space<hbm>> -> memref<16xf32, #tpu.memory_space<hbm>>
      tpu.enqueue_dma source(%arg12 : memref<16xf32, #tpu.memory_space<vmem>>) target(%dma_start3A_67 : memref<16xf32, #tpu.memory_space<hbm>>) target_semaphore(%run_scoped3A : memref<!tpu.dma_semaphore, #tpu.memory_space<semaphore_mem>>)
      %dma_wait3A = arith.constant 0 : i32
      %dma_wait3A_68 = tpu.memref_slice %arg5[%add3A, %dma_wait3A] : memref<32x16xf32, #tpu.memory_space<hbm>> -> memref<1x16xf32, #tpu.memory_space<hbm>>
      %dma_wait3A_69 = tpu.memref_squeeze %dma_wait3A_68 : memref<1x16xf32, #tpu.memory_space<hbm>> -> memref<16xf32, #tpu.memory_space<hbm>>
      %dma_wait3A_70 = arith.constant 0 : i32
      %dma_wait3A_71 = tpu.memref_slice %arg5[%add3A, %dma_wait3A_70] : memref<32x16xf32, #tpu.memory_space<hbm>> -> memref<1x16xf32, #tpu.memory_space<hbm>>
      %dma_wait3A_72 = tpu.memref_squeeze %dma_wait3A_71 : memref<1x16xf32, #tpu.memory_space<hbm>> -> memref<16xf32, #tpu.memory_space<hbm>>
      tpu.wait_dma2 semaphore(%run_scoped3A : memref<!tpu.dma_semaphore, #tpu.memory_space<semaphore_mem>>) src(%arg12 : memref<16xf32, #tpu.memory_space<vmem>>) dst(%dma_wait3A_72 : memref<16xf32, #tpu.memory_space<hbm>>)
      tpu.yield
    }) : () -> ()
    return
  }
}

module attributes {stable_mosaic.version = 14 : i64} {
  func.func @_tc_body(%arg0: i32, %arg1: memref<3x576x512xf32, #tpu.memory_space<vmem>>, %arg2: memref<576x512xf32, #tpu.memory_space<vmem>>, %arg3: memref<576x512xi32, #tpu.memory_space<vmem>>, %arg4: memref<1x1xf32, #tpu.memory_space<smem>>) attributes {dimension_semantics = [#tpu.dimension_semantics<arbitrary>], iteration_bounds = array<i64: 5>, scalar_prefetch = 0 : i64, scratch_operands = 0 : i64, tpu.core_type = #tpu.core_type<tc>, window_params = [{transform_indices = @transform_0, window_bounds = array<i64: 3, 576, 512>}, {transform_indices = @transform_1, window_bounds = array<i64: 576, 512>}, {transform_indices = @transform_2, window_bounds = array<i64: 576, 512>}, {transform_indices = @transform_3, window_bounds = array<i64: 1, 1>}]} {
    %eq3A = arith.constant 0 : i32
    %eq3A_0 = arith.cmpi eq, %arg0, %eq3A : i32
    %convert_element_type3A = arith.extui %eq3A_0 : i1 to i32
    %cond3A = arith.constant 0 : i32
    %cond3A_1 = arith.cmpi ne, %convert_element_type3A, %cond3A : i32
    scf.if %cond3A_1 {
      %swap3A_41 = arith.constant 0.000000e+00 : f32
      %swap3A_42 = arith.constant 0 : index
      %swap3A_43 = arith.constant 0 : index
      %swap3A_44 = memref.load %arg4[%swap3A_42, %swap3A_43] : memref<1x1xf32, #tpu.memory_space<smem>>
      memref.store %swap3A_41, %arg4[%swap3A_42, %swap3A_43] : memref<1x1xf32, #tpu.memory_space<smem>>
    } else {
    }
    %get3A = arith.constant 0 : index
    %get3A_2 = arith.constant 0 : index
    %get3A_3 = arith.constant 0 : index
    %get3A_4 = vector.load %arg1[%get3A, %get3A_2, %get3A_3] : memref<3x576x512xf32, #tpu.memory_space<vmem>>, vector<1x576x512xf32>
    %get3A_5 = vector.shape_cast %get3A_4 : vector<1x576x512xf32> to vector<576x512xf32>
    %get3A_6 = arith.constant 1 : index
    %get3A_7 = arith.constant 0 : index
    %get3A_8 = arith.constant 0 : index
    %get3A_9 = vector.load %arg1[%get3A_6, %get3A_7, %get3A_8] : memref<3x576x512xf32, #tpu.memory_space<vmem>>, vector<1x576x512xf32>
    %get3A_10 = vector.shape_cast %get3A_9 : vector<1x576x512xf32> to vector<576x512xf32>
    %add3A = arith.addf %get3A_5, %get3A_10 : vector<576x512xf32>
    %get3A_11 = arith.constant 2 : index
    %get3A_12 = arith.constant 0 : index
    %get3A_13 = arith.constant 0 : index
    %get3A_14 = vector.load %arg1[%get3A_11, %get3A_12, %get3A_13] : memref<3x576x512xf32, #tpu.memory_space<vmem>>, vector<1x576x512xf32>
    %get3A_15 = vector.shape_cast %get3A_14 : vector<1x576x512xf32> to vector<576x512xf32>
    %add3A_16 = arith.addf %add3A, %get3A_15 : vector<576x512xf32>
    %get3A_17 = arith.constant 0 : index
    %get3A_18 = arith.constant 0 : index
    %get3A_19 = vector.load %arg3[%get3A_17, %get3A_18] : memref<576x512xi32, #tpu.memory_space<vmem>>, vector<576x512xi32>
    %convert_element_type3A_20 = arith.sitofp %get3A_19 : vector<576x512xi32> to vector<576x512xf32>
    %mul3A = arith.constant 3.000000e+00 : f32
    %mul3A_21 = vector.broadcast %mul3A : f32 to vector<576x512xf32>
    %mul3A_22 = arith.mulf %mul3A_21, %convert_element_type3A_20 : vector<576x512xf32>
    %sub3A = arith.subf %mul3A_22, %add3A_16 : vector<576x512xf32>
    %mul3A_23 = arith.mulf %convert_element_type3A_20, %sub3A : vector<576x512xf32>
    %gt3A = arith.constant 0.000000e+00 : f32
    %gt3A_24 = vector.broadcast %gt3A : f32 to vector<576x512xf32>
    %gt3A_25 = arith.cmpf ogt, %mul3A_23, %gt3A_24 : vector<576x512xf32>
    %get3A_26 = arith.constant 0 : index
    %get3A_27 = arith.constant 0 : index
    %get3A_28 = vector.load %arg2[%get3A_26, %get3A_27] : memref<576x512xf32, #tpu.memory_space<vmem>>, vector<576x512xf32>
    %jit3A = arith.constant 0.000000e+00 : f32
    %broadcast_in_dim3A = vector.broadcast %jit3A : f32 to vector<576x512xf32>
    %select_n3A = arith.select %gt3A_25, %get3A_28, %broadcast_in_dim3A : vector<576x512xi1>, vector<576x512xf32>
    %get3A_29 = arith.constant 0 : index
    %get3A_30 = arith.constant 0 : index
    %get3A_31 = memref.load %arg4[%get3A_29, %get3A_30] : memref<1x1xf32, #tpu.memory_space<smem>>
    %reduce_sum3A = vector.shape_cast %select_n3A : vector<576x512xf32> to vector<1x576x512xf32>
    %reduce_sum3A_32 = arith.constant dense<0.000000e+00> : vector<1xf32>
    %reduce_sum3A_33 = vector.multi_reduction <add>, %reduce_sum3A, %reduce_sum3A_32 [1, 2] : vector<1x576x512xf32> to vector<1xf32>
    %reduce_sum3A_34 = vector.shape_cast %reduce_sum3A_33 : vector<1xf32> to vector<1x1x1xf32>
    %reduce_sum3A_35 = vector.extract %reduce_sum3A_34[0, 0, 0] : f32 from vector<1x1x1xf32>
    %mul3A_36 = arith.constant 0.1953125 : f32
    %mul3A_37 = arith.mulf %reduce_sum3A_35, %mul3A_36 : f32
    %add3A_38 = arith.addf %get3A_31, %mul3A_37 : f32
    %swap3A = arith.constant 0 : index
    %swap3A_39 = arith.constant 0 : index
    %swap3A_40 = memref.load %arg4[%swap3A, %swap3A_39] : memref<1x1xf32, #tpu.memory_space<smem>>
    memref.store %add3A_38, %arg4[%swap3A, %swap3A_39] : memref<1x1xf32, #tpu.memory_space<smem>>
    return
  }
  func.func @transform_0(%arg0: i32) -> (i32, i32, i32) {
    %c0_i32 = arith.constant 0 : i32
    %c0_i32_0 = arith.constant 0 : i32
    %c0_i32_1 = arith.constant 0 : i32
    return %c0_i32, %arg0, %c0_i32_0 : i32, i32, i32
  }
  func.func @transform_1(%arg0: i32) -> (i32, i32) {
    %c0_i32 = arith.constant 0 : i32
    %c0_i32_0 = arith.constant 0 : i32
    return %arg0, %c0_i32 : i32, i32
  }
  func.func @transform_2(%arg0: i32) -> (i32, i32) {
    %c0_i32 = arith.constant 0 : i32
    %c0_i32_0 = arith.constant 0 : i32
    return %arg0, %c0_i32 : i32, i32
  }
  func.func @transform_3(%arg0: i32) -> (i32, i32) {
    %c0_i32 = arith.constant 0 : i32
    %c0_i32_0 = arith.constant 0 : i32
    %c0_i32_1 = arith.constant 0 : i32
    return %c0_i32, %c0_i32_0 : i32, i32
  }
}

</mosaic_0001>

<sc_bundles>
// kernel: kernel.4.cloned.1.call-start
scs
__scs_entry_jumppad:
0x0: {  	(pc) =	sbr.rel $0x88, $3  }
0x1: {  	(tag) =	ssettag $0x0;
	lr =	simm.s32 $0x1  }
0x2: {  	[smem:$0x3F9E] =	sst lr;
	_ =	strace $0xD0000000  }
0x3: {  	_ = 	snop  }
0x4: {  	_ = 	snop  }
0x5: {  	_ = 	snop  }
0x6: {  	_ = 	snop  }
0x7: {  	_ = 	snop  }
__scs_overlays_trampoline_lowered:
0x8: {  	[smem:$0x3FAD] =	sst s0  }
0x9: {  	[smem:$0x3FAE] =	sst s1  }
0xa: {  	[smem:$0x3FAF] =	sst s2  }
0xb: {  	[smem:$0x3FB0] =	sst s3  }
0xc: {  	[smem:$0x3FB1] =	sst s4  }
0xd: {  	[smem:$0x3FB2] =	sst s5  }
0xe: {  	[smem:$0x3FB3] =	sst s6  }
0xf: {  	[smem:$0x3FB4] =	sst s7  }
0x10: {  	[smem:$0x3FB5] =	sst s8  }
0x11: {  	[smem:$0x3FB6] =	sst s9;
	s0 =	simm.s32 @!p0 $0x0  }
0x12: {  	s1 =	sld [smem:$0x3F9C];
	s0 =	simm.s32 @p0 $0x1  }
0x13: {  	[smem:$0x3FB7] =	sst s0;
	s0 =	simm.s32 @!p1 $0x0  }
0x14: {  	s2 =	sld [smem:$0x3F9B];
	s0 =	simm.s32 @p1 $0x1  }
0x15: {  	[smem:$0x3FB8] =	sst s0;
	s0 =	simm.s32 @!p2 $0x0  }
0x16: {  	s3 =	sld [smem:$0x3FDB];
	s0 =	simm.s32 @p2 $0x1  }
0x17: {  	s4 =	simm.s32 $0x1BF5;
	[smem:$0x3FBA] =	sst s0  }
0x18: {  	s0 =	sld [smem:$0x3F9D];
	_ =	swait.ge [sflag:s4], $0x0  }
0x19: {  	s7 =	sld [smem:$0x3F9E]  }
0x1a: {  	s8 =	sadd.s32 $0xFFFFE003, lr  }
0x1b: {  	s9 =	sadd.s32 $0xFFFFFEF7, lr;
	s5 =	simm.s32 $0xFFFFFFFF;
	p2 =	slt.u32 s8, $0xFFFFF086  }
0x1c: {  	p1 =	slt.u32 s9, $0xF7A;
	s5 =	simm.s32 @!p2 $0x0  }
0x1d: {  	s5 =	simm.s32 @p1 $0x1;
	p0 =	seq.s32 s7, s2  }
0x1e: {  	s7 =	smul.u32 @!p0 $0xF7A, s2;
	p2 =	seq.s32 @!p0 s5, $0x0  }
0x1f: {  	s9 =	smul.u32 $0xF7A, s1;
	s8 =	simm.s32 @!p0 $0x1BF5;
	p2 =	por !p2, p0  }
0x20: {  	[sflag:s8] =	ssyncset.s32 @!p0 $0xFFFFF086;
	s6 =	sadd.s32 @!p0 s3, s7;
	s7 =	simm.s32 @!p0 $0x108  }
0x21: {  	s3 =	sadd.s32 s3, s9;
	s6 =	sadd.s32 @!p0 $0x88, s6;
	s7 =	simm.s32 @p2 $0x1082  }
0x22: {  	[simem:s7], [sflag:s8] =	dma.local @!p0 [hbm:s6], $0xF7A  }
0x23: {  	s9 =	sor.u32 $0xD0000000, s2;
	s6 =	simm.s32 $0x108;
	_ =	swait.ge @!p0 [sflag:s8], $0x0  }
0x24: {  	s3 =	sadd.s32 $0x88, s3;
	s6 =	simm.s32 @!p1 $0x1082;
	[sflag:s4] =	ssyncset.s32 $0xFFFFF086  }
0x25: {  	[simem:s6], [sflag:s4] =	dma.local [hbm:s3], $0xF7A  }
0x26: {  	[smem:$0x3F9E] =	sst s1;
	(tag) =	ssettag s2;
	_ =	strace s9  }
0x27: {  	s1 =	sld [smem:$0x3FAE]  }
0x28: {  	s2 =	sld [smem:$0x3FAF]  }
0x29: {  	s4 =	sld [smem:$0x3FB1]  }
0x2a: {  	p0 =	seq.s32 s5, $0x0;
	s5 =	sld [smem:$0x3FB2]  }
0x2b: {  	s6 =	sld [smem:$0x3FB3]  }
0x2c: {  	s7 =	sld [smem:$0x3FB4]  }
0x2d: {  	s3 =	simm.s32 $0x108;
	s8 =	sld [smem:$0x3FB5]  }
0x2e: {  	s3 =	simm.s32 @!p0 $0x1082;
	s9 =	sld [smem:$0x3FB6]  }
0x2f: {  	lr =	sadd.s32 s0, s3;
	s0 =	sld [smem:$0x3FAD]  }
0x30: {  	s3 =	sld [smem:$0x3FB0]  }
0x31: {  	[smem:$0x3FB9] =	sst s10  }
0x32: {  	s10 =	sld [smem:$0x3FB7];
	_ =	sdelay $0x3  }
0x33: {  	p0 =	seq.s32 s10, $0x1;
	s10 =	sld [smem:$0x3FB9];
	_ =	sdelay $0x3  }
0x34: {  	[smem:$0x3FB9] =	sst s10  }
0x35: {  	s10 =	sld [smem:$0x3FB8];
	_ =	sdelay $0x3  }
0x36: {  	p1 =	seq.s32 s10, $0x1;
	s10 =	sld [smem:$0x3FB9];
	_ =	sdelay $0x3  }
0x37: {  	[smem:$0x3FB9] =	sst s10  }
0x38: {  	s10 =	sld [smem:$0x3FBA]  }
0x39: {  	_ = 	snop;
	(pc) =	sbr.ind lr, $3  }
0x3a: {  	_ = 	snop  }
0x3b: {  	_ = 	snop  }
0x3c: {  	p2 =	seq.s32 s10, $0x1;
	s10 =	sld [smem:$0x3FB9]  }
0x3d: {  	_ =	shalt  }
0x3e: {  	_ =	shalt  }
0x3f: {  	_ =	shalt  }
0x40: {  	_ =	shalt  }
0x41: {  	_ =	shalt  }
0x42: {  	_ =	shalt  }
0x43: {  	_ =	shalt  }
0x44: {  	_ =	shalt  }
0x45: {  	_ =	shalt  }
0x46: {  	_ =	shalt  }
0x47: {  	_ =	shalt  }
0x48: {  	_ =	shalt  }
0x49: {  	_ =	shalt  }
0x4a: {  	_ =	shalt  }
0x4b: {  	_ =	shalt  }
0x4c: {  	_ =	shalt  }
0x4d: {  	_ =	shalt  }
0x4e: {  	_ =	shalt  }
0x4f: {  	_ =	shalt  }
0x50: {  	_ =	shalt  }
0x51: {  	_ =	shalt  }
0x52: {  	_ =	shalt  }
0x53: {  	_ =	shalt  }
0x54: {  	_ =	shalt  }
0x55: {  	_ =	shalt  }
0x56: {  	_ =	shalt  }
0x57: {  	_ =	shalt  }
0x58: {  	_ =	shalt  }
0x59: {  	_ =	shalt  }
0x5a: {  	_ =	shalt  }
0x5b: {  	_ =	shalt  }
0x5c: {  	_ =	shalt  }
0x5d: {  	_ =	shalt  }
0x5e: {  	_ =	shalt  }
0x5f: {  	_ =	shalt  }
0x60: {  	_ =	shalt  }
0x61: {  	_ =	shalt  }
0x62: {  	_ =	shalt  }
0x63: {  	_ =	shalt  }
0x64: {  	_ =	shalt  }
0x65: {  	_ =	shalt  }
0x66: {  	_ =	shalt  }
0x67: {  	_ =	shalt  }
0x68: {  	_ =	shalt  }
0x69: {  	_ =	shalt  }
0x6a: {  	_ =	shalt  }
0x6b: {  	_ =	shalt  }
0x6c: {  	_ =	shalt  }
0x6d: {  	_ =	shalt  }
0x6e: {  	_ =	shalt  }
0x6f: {  	_ =	shalt  }
0x70: {  	_ =	shalt  }
0x71: {  	_ =	shalt  }
0x72: {  	_ =	shalt  }
0x73: {  	_ =	shalt  }
0x74: {  	_ =	shalt  }
0x75: {  	_ =	shalt  }
0x76: {  	_ =	shalt  }
0x77: {  	_ =	shalt  }
0x78: {  	_ =	shalt  }
0x79: {  	_ =	shalt  }
0x7a: {  	_ =	shalt  }
0x7b: {  	_ =	shalt  }
0x7c: {  	_ =	shalt  }
0x7d: {  	_ =	shalt  }
0x7e: {  	_ =	shalt  }
0x7f: {  	_ =	shalt  }
0x80: {  	_ =	shalt  }
0x81: {  	_ =	shalt  }
0x82: {  	_ =	shalt  }
0x83: {  	_ =	shalt  }
0x84: {  	_ =	shalt  }
0x85: {  	_ =	shalt  }
0x86: {  	_ =	shalt  }
0x87: {  	_ =	shalt  }
.Lfunc_end0:
.L_simem_size_0:
called_computation_lowered:
.L_overlay_start_0:
0x88: {  	s2 =	sld [smem:$0x3FD9]  }
0x89: {  	s3 =	sld [smem:$0x3FFE];
	_ =	sdelay $0x1  }
0x8a: {  	s1 =	srdreg.scid  }
0x8b: {  	s0 =	sand.u32 $0x1, s1  }
0x8c: {  	s17 =	sshll.u32 s0, $0xA;
	s2 =	sadd.s32 s3, s2  }
0x8d: {  	s2 =	sadd.s32 s2, s17  }
0x8e: {  	[smem:$0x3FC5] =	sst s2  }
0x8f: {  	_ = 	snop  }
0x90: {  	s2 =	sld [smem:$0x3FC9]  }
0x91: {  	s18 =	sld [smem:$0x3FC8]  }
0x92: {  	s4 =	sld [smem:$0x3FC7];
	(tm) =	ssettm $0x1  }
0x93: {  	s5 =	sld [smem:$0x3FFB];
	_ =	sdelay $0x3  }
0x94: {  	_ =	strace s5  }
0x95: {  	s5 =	sld [smem:$0x3FFC];
	_ =	sdelay $0x3  }
0x96: {  	_ =	strace s5  }
0x97: {  	s5 =	sld [smem:$0x3FFD];
	_ =	sdelay $0x3  }
0x98: {  	_ =	strace s5  }
0x99: {  	_ =	strace $0x8FFFFFFF  }
0x9a: {  	s19 =	sld [smem:$0x3FDB];
	_ =	sdelay $0x1  }
0x9b: {  	s6 =	simm.s32 $_scs_section_size  }
0x9c: {  	s7 =	simm.s32 $_size__tile_overlayer_lowered;
	s8 =	simm.s32 $_tile_overlayer_lowered  }
0x9d: {  	s22 =	simm.s32 $0x1BFF;
	s21 =	sshll.u32 s8, $0x1;
	s5 =	sadd.s32 s6, s19  }
0x9e: {  	s9 =	simm.s32 $0x0;
	s20 =	sshll.u32 s7, $0x1;
	s7 =	sadd.s32 s21, s5  }
0x9f: {  	[timem:s9], [sflag:s22] =	dma.local [hbm:s7], s20  }
0xa0: {  	_ =	swait.ge [sflag:s22], s20  }
0xa1: {  	s6 =	ssub.s32 $0x0, s20;
	[sflag:s22] =	ssyncset.done $0x0  }
0xa2: {  	[sflag:s22] =	ssyncadd.s32 s6;
	_ =	sdelay $0x1  }
0xa3: {  	s23 =	simm.s32 $0x1B8B  }
0xa4: {  	_ =	swait.ge [sflag:s23], $0x1  }
0xa5: {  	[sflag:s23] =	ssyncset.done $0x0  }
0xa6: {  	s25 =	simm.s32 $0x1B8E;
	s24 =	sld [smem:$0x3FFE];
	[sflag:s23] =	ssyncadd.s32 $0xFFFFFFFF  }
0xa7: {  	s26 =	simm.s32 $execute0_lowered;
	[smem:$0x3FD2] =	sst s25  }
0xa8: {  	s7 =	sshll.u32 s26, $0x1;
	_ =	strace $0x80000046;
	[dreg:$0x1] =	wrdreg $0xFFFFFFFF  }
0xa9: {  	s28 =	simm.s32 $_size_execute0_lowered;
	s5 =	sadd.s32 s5, s7;
	[dreg:$0x0] =	wrdreg $0x0  }
0xaa: {  	s7 =	sshll.u32 s28, $0x1;
	[dreg:$0x2] =	wrdreg s5  }
0xab: {  	[dreg:$0x3] =	wrdreg s7  }
0xac: {  	[dreg:$0x4] =	wrdreg $0xC0  }
0xad: {  	_ =	task [dreg:s9], $0x5FFFF  }
0xae: {  	[dreg:$0x1] =	wrdreg $0xFFFFFFFF  }
0xaf: {  	[dreg:$0x0] =	wrdreg $0x60  }
0xb0: {  	[dreg:$0x2] =	wrdreg s2  }
0xb1: {  	[dreg:$0x3] =	wrdreg s18  }
0xb2: {  	[dreg:$0x4] =	wrdreg s4  }
0xb3: {  	[dreg:$0x5] =	wrdreg s24  }
0xb4: {  	[dreg:$0x6] =	wrdreg $0x9  }
0xb5: {  	_ =	task.clear_ibuf [dreg:s9], $0x7FFFF;
	_ =	strace $0x90000046  }
0xb6: {  	s29 =	simm.s32 $0x9;
	_ =	strace $0x80000048  }
0xb7: {  	_ =	swait.ge [sflag:s29], $0x1  }
0xb8: {  	[sflag:s29] =	ssyncadd.s32 $0xFFFFFFFF  }
0xb9: {  	_ =	strace $0x90000048  }
0xba: {  	_ =	sfence  }
0xbb: {  	s30 =	sld [smem:$0x0];
	_ =	sdelay $0x2  }
0xbc: {  	s31 =	sshll.u32 s1, $0xD;
	s1 =	sshrl.u32 s1, $0x2  }
0xbd: {  	s3 =	sand.u32 $0x4000, s31;
	s1 =	sadd.s32 s1, s30  }
0xbe: {  	s0 =	sor.u32 s3, s0;
	s1 =	sshll.u32 s1, $0x11  }
0xbf: {  	s0 =	sor.u32 s1, s0  }
0xc0: {  	s0 =	sadd.s32 $0x8F2B, s0  }
0xc1: {  	[sflag:s0] =	ssyncadd.remote.s32 $0x1  }
0xc2: {  	_ =	sfence.sel $0xFFFF  }
0xc3: {  	[dreg:$0x0] =	wrdreg $0xFFFFFFFF;
	(pc) =	sbr.abs _section_cstart, $3  }
0xc4: {  	[dreg:$0x1] =	wrdreg $0xFFFFFFFF  }
0xc5: {  	_ =	task.clear_ibuf [dreg:s9], $0x2FFFF;
	_ =	strace $0x9FFFFFFF  }
0xc6: {  	(tm) =	ssettm $0x7FFFFFFF  }
0xc7: {  	_ =	shalt  }
tec
execute0_lowered:
.L_overlay_start_1:
0x0: {  	(tag) =	ssettag $0x1  }
0x1: {  	s4 =	rddreg [dreg:$0x0]  }
0x2: {  	s6 =	rddreg [dreg:$0x1]  }
0x3: {  	s7 =	rddreg [dreg:$0x2];
	s1 =	srdreg.scid  }
0x4: {  	s0 =	stileid.u32;
	s3 =	rddreg [dreg:$0x3]  }
0x5: {  	s2 =	simm.s32 $0x0;
	s14 =	simm.s32 $0x1;
	s15 =	simm.s32 $0x5000  }
0x6: {  	s16 =	simm.s32 $0x2;
	s5 =	sand.u32 $0x1, s1;
	s8 =	sshll.u32 s0, $0x1  }
0x7: {  	s17 =	simm.s32 $0x0;
	s1 =	rddreg [dreg:$0x4];
	s8 =	sor.u32 s5, s8  }
0x8: {  	[smem:$0x7FF] =	sst s2;
	s5 =	ssub.s32 $0x2, s5;
	s9 =	smul.u32 $0xF, s8  }
0x9: {  	_ =	strace $0x80000047;
	s8 =	sshll.u32 s8, $0x4;
	s28 =	sshrl.u32 s5, $0x1  }
0xa: {  	s8 =	sadd.s32 s8, s3;
	s12 =	ssub.s32 s5, s28;
	s10 =	sshrl.u32 s9, $0x5  }
0xb: {  	s29 =	sadd.s32 $0xF, s9;
	s8 =	sadd.s32 $0x400, s8;
	s9 =	smax.u32 s12, $0x1  }
.Ltmp0:
0xc: {  	s12 =	simm.s32 $0x3000;
	s11 =	sshll.u32 s10, $0x9;
	(pc) =	sbr.rel .LBB2_1-.Ltmp0, $4  }
0xd: {  	s13 =	sshrl.u32 s29, $0x5;
	s30 =	sadd.s32 $0x2D000, s11;
	s31 =	sadd.s32 s4, s11  }
0xe: {  	p0 =	sle.u32 s13, s10;
	s10 =	simm.s32 $0x1000;
	s11 =	simm.s32 $0x2000  }
0xf: {  	s13 =	simm.s32 $0x4000;
	s3 =	sadd.s32 s4, s30;
	s4 =	sadd.s32 $0x5BE00, s31  }
0x10: {  	s5 =	sadd.s32 $0x8AC00, s31;
	s6 =	sadd.s32 s6, s30;
	s7 =	sadd.s32 s7, s30  }
.LBB2_18:
0x11: {  	v10 =	vld [tilespmem:s21+$0x4000]  }
0x12: {  	v11 =	vld [tilespmem:s20+$0x4000]  }
0x13: {  	v12 =	vld [tilespmem:s20+$0x1000]  }
0x14: {  	v13 =	vld [tilespmem:s19+$0x4000]  }
0x15: {  	v14 =	vld [tilespmem:s20+$0x2000]  }
0x16: {  	v8 =	vadd.f32 v9, v8;
	v54 =	vld [tilespmem:s18+$0x4000]  }
0x17: {  	v15 =	vld [tilespmem:s19+$0x2000];
	v10 =	vcvt.s32.f32 v10  }
0x18: {  	v5 =	vadd.f32 v5, v8  }
0x19: {  	v56 =	vld [tilespmem:s18+$0x2000];
	v11 =	vcvt.s32.f32 v11;
	v6 =	vadd.f32 v12, v6;
	v55 =	vmul.f32 $3.000000000e+00, v10  }
0x1a: {  	v2 =	vnsel vm0, $0x0, v2;
	v3 =	vadd.f32 v4, v3;
	v13 =	vcvt.s32.f32 v13  }
0x1b: {  	v57 =	vld [tilespmem:s21+$0x3000];
	v58 =	vmul.f32 $3.000000000e+00, v11;
	v6 =	vadd.f32 v14, v6;
	v5 =	vsub.f32 v55, v5  }
0x1c: {  	v0 =	vadd.f32 v1, v0;
	v9 =	vcvt.s32.f32 v54;
	v3 =	vadd.f32 v15, v3  }
0x1d: {  	v60 =	vld [tilespmem:s20+$0x3000];
	v59 =	vmul.f32 $3.000000000e+00, v13;
	v6 =	vsub.f32 v58, v6;
	v1 =	vmul.f32 v10, v5  }
0x1e: {  	v2 =	vadd.f32 v2, v7;
	v0 =	vadd.f32 v56, v0;
	v61 =	vmul.f32 $3.000000000e+00, v9  }
0x1f: {  	v62 =	vld [tilespmem:s19+$0x3000];
	v3 =	vsub.f32 v59, v3;
	vm12 =	vgt.f32 v1, $0.0e+00;
	v1 =	vmul.f32 v11, v6  }
0x20: {  	v0 =	vsub.f32 v61, v0;
	v4 =	vnsel vm12, $0x0, v57  }
0x21: {  	v63 =	vld [tilespmem:s18+$0x3000];
	v2 =	vadd.f32 v4, v2;
	vm13 =	vgt.f32 v1, $0.0e+00;
	v1 =	vmul.f32 v13, v3  }
0x22: {  	v3 =	vnsel vm13, $0x0, v60  }
0x23: {  	v0 =	vmul.f32 v9, v0;
	v2 =	vadd.f32 v3, v2;
	vm14 =	vgt.f32 v1, $0.0e+00  }
0x24: {  	v1 =	vnsel vm14, $0x0, v62  }
0x25: {  	vm15 =	vgt.f32 v0, $0.0e+00;
	v1 =	vadd.f32 v1, v2  }
0x26: {  	v0 =	vnsel vm15, $0x0, v63  }
0x27: {  	v0 =	vadd.f32 v0, v1;
	_ =	sdelay $0x1  }
0x28: {  	v0 =	vmul.f32 $1.953125000e-01, v0;
	_ =	sdelay $0x1  }
0x29: {  	v0 =	vadd.f32 $0.0e+00, v0  }
.LBB2_19:
0x2a: {  	s17 =	sadd.s32 $0x1, s17  }
0x2b: {  	p1 =	sne.s32 s17, s9  }
.Ltmp1:
0x2c: {  	[tilespmem:$0x5000] =	vst v0;
	(pc) =	sbr.rel @!p1 .LBB2_20-.Ltmp1, $4  }
0x2d: {  	[hbm4b:s8+s2] =	stream.linear.scatter [tilespmem:s15], [sflag:$0x2], $0x80, $0x38;
	[tilespmem:$0x5080] =	vst v63  }
0x2e: {  	_ =	swait.ge [sflag:s16], $0x80  }
0x2f: {  	[sflag:s16] =	ssyncset.done $0x0  }
0x30: {  	[sflag:s16] =	ssyncadd.s32 $0xFFFFFF80  }
.LBB2_1:
.Ltmp2:
0x31: {  	(pc) =	sbr.rel @p0 .LBB2_19-.Ltmp2, $2  }
0x32: {  	_ =	sdelay $0x2  }
0x33: {  	v0 =	vimm.f32 $0.0e+00  }
0x34: {  	s18 =	simm.s32 $0x0  }
0x35: {  	[tilespmem:s18], [sflag:$0x1] =	stream.linear.gather [hbm4b:s3+s18], $0x1000, $0x38;
	[tilespmem:$0x5080] =	vst v63  }
0x36: {  	_ = 	snop  }
0x37: {  	[tilespmem:s10], [sflag:$0x1] =	stream.linear.gather [hbm4b:s4+s18], $0x1000, $0x38;
	[tilespmem:$0x5080] =	vst v63  }
0x38: {  	_ = 	snop  }
0x39: {  	[tilespmem:s11], [sflag:$0x1] =	stream.linear.gather [hbm4b:s5+s18], $0x1000, $0x38;
	[tilespmem:$0x5080] =	vst v63  }
0x3a: {  	_ = 	snop  }
0x3b: {  	[tilespmem:s12], [sflag:$0x1] =	stream.linear.gather [hbm4b:s6+s18], $0x1000, $0x38;
	[tilespmem:$0x5080] =	vst v63  }
0x3c: {  	_ = 	snop  }
0x3d: {  	v5 =	vimm.f32 $0.0e+00;
	[tilespmem:s13], [sflag:$0x1] =	stream.linear.gather [hbm4b:s7+s18], $0x1000, $0x38;
	[tilespmem:$0x5080] =	vst v63  }
0x3e: {  	[tilespmem:$0x5000] =	vst v5  }
0x3f: {  	_ =	swait.ge [sflag:s14], $0x1000  }
0x40: {  	[sflag:s14] =	ssyncset.done $0x0  }
0x41: {  	[sflag:s14] =	ssyncadd.s32 $0xFFFFF000  }
0x42: {  	_ =	swait.ge [sflag:s14], $0x1000  }
0x43: {  	[sflag:s14] =	ssyncset.done $0x0  }
0x44: {  	[sflag:s14] =	ssyncadd.s32 $0xFFFFF000  }
0x45: {  	_ =	swait.ge [sflag:s14], $0x1000  }
0x46: {  	[sflag:s14] =	ssyncset.done $0x0  }
0x47: {  	[sflag:s14] =	ssyncadd.s32 $0xFFFFF000  }
0x48: {  	_ =	swait.ge [sflag:s14], $0x1000  }
0x49: {  	[sflag:s14] =	ssyncset.done $0x0  }
0x4a: {  	[sflag:s14] =	ssyncadd.s32 $0xFFFFF000  }
0x4b: {  	_ =	swait.ge [sflag:s14], $0x1000  }
0x4c: {  	s19 =	sand.u32 $0x40, s18;
	s18 =	sand.u32 $0xC00, s18;
	[sflag:s14] =	ssyncset.done $0x0  }
0x4d: {  	s18 =	sor.u32 s19, s18;
	[sflag:s14] =	ssyncadd.s32 $0xFFFFF000  }
0x4e: {  	v0 =	vld [tilespmem:s18+$0x30]  }
0x4f: {  	v2 =	vld [tilespmem:s18+$0x1030]  }
0x50: {  	v3 =	vld [tilespmem:s18+$0x20]  }
0x51: {  	v4 =	vld [tilespmem:s18+$0x1020]  }
0x52: {  	v1 =	vld [tilespmem:s18+$0x2000]  }
0x53: {  	v6 =	vld [tilespmem:s18+$0x10]  }
0x54: {  	v7 =	vld [tilespmem:s18+$0x0]  }
0x55: {  	v8 =	vld [tilespmem:s18+$0x1000]  }
0x56: {  	v9 =	vld [tilespmem:s18+$0x4000]  }
0x57: {  	v10 =	vld [tilespmem:s18+$0x4010]  }
0x58: {  	v11 =	vld [tilespmem:s18+$0x1010]  }
0x59: {  	v12 =	vld [tilespmem:s18+$0x4020]  }
0x5a: {  	v13 =	vld [tilespmem:s18+$0x2010]  }
0x5b: {  	v14 =	vld [tilespmem:s18+$0x4030];
	v9 =	vcvt.s32.f32 v9;
	v7 =	vadd.f32 v8, v7  }
0x5c: {  	v8 =	vld [tilespmem:s18+$0x2020];
	v10 =	vcvt.s32.f32 v10  }
0x5d: {  	s31 =	simm.s32 $0x40;
	s21 =	simm.s32 $0x200;
	v15 =	vld [tilespmem:s18+$0x2030];
	v6 =	vadd.f32 v11, v6;
	v16 =	vmul.f32 $3.000000000e+00, v9;
	v7 =	vadd.f32 v1, v7  }
0x5e: {  	s20 =	sand.u32 $0xC00, s21;
	s19 =	sand.u32 $0x40, s31;
	v61 =	vld [tilespmem:s18+$0x3020];
	v11 =	vcvt.s32.f32 v12;
	v3 =	vadd.f32 v4, v3  }
0x5f: {  	s20 =	sor.u32 s19, s20;
	v4 =	vld [tilespmem:s18+$0x3000];
	v60 =	vmul.f32 $3.000000000e+00, v10;
	v6 =	vadd.f32 v13, v6;
	v7 =	vsub.f32 v16, v7  }
0x60: {  	v14 =	vcvt.s32.f32 v14;
	v17 =	vadd.f32 v2, v0;
	v0 =	vld [tilespmem:s20+$0x30];
	v62 =	vmul.f32 $3.000000000e+00, v11  }
0x61: {  	v6 =	vsub.f32 v60, v6;
	v3 =	vadd.f32 v8, v3;
	v8 =	vld [tilespmem:s18+$0x3010];
	v7 =	vmul.f32 v9, v7  }
0x62: {  	v2 =	vld [tilespmem:s20+$0x1030];
	v15 =	vadd.f32 v15, v17;
	v9 =	vmul.f32 $3.000000000e+00, v14  }
0x63: {  	v1 =	vld [tilespmem:s18+$0x3030];
	v6 =	vmul.f32 v10, v6;
	v63 =	vsub.f32 v62, v3;
	vm0 =	vgt.f32 v7, $0.0e+00  }
0x64: {  	v3 =	vld [tilespmem:s20+$0x20];
	v9 =	vsub.f32 v9, v15;
	v7 =	vnsel vm0, $0x0, v4  }
0x65: {  	vm14 =	vgt.f32 v6, $0.0e+00;
	v6 =	vld [tilespmem:s20+$0x10];
	v10 =	vmul.f32 v11, v63;
	v7 =	vadd.f32 v7, v5  }
0x66: {  	v4 =	vld [tilespmem:s20+$0x1020];
	v8 =	vnsel vm14, $0x0, v8  }
0x67: {  	v5 =	vld [tilespmem:s20+$0x2000];
	v9 =	vmul.f32 v14, v9;
	vm15 =	vgt.f32 v10, $0.0e+00;
	v8 =	vadd.f32 v8, v7  }
0x68: {  	s22 =	simm.s32 $0x80;
	v7 =	vld [tilespmem:s20+$0x0];
	v10 =	vnsel vm15, $0x0, v61  }
.LBB2_3:
0x69: {  	p1 =	sne.s32 s22, $0x1C0;
	v11 =	vld [tilespmem:s20+$0x1000];
	v8 =	vadd.f32 v10, v8;
	vm0 =	vgt.f32 v9, $0.0e+00  }
0x6a: {  	v9 =	vld [tilespmem:s20+$0x4000];
	v1 =	vnsel vm0, $0x0, v1  }
0x6b: {  	v10 =	vld [tilespmem:s20+$0x4010];
	v8 =	vadd.f32 v1, v8  }
0x6c: {  	v1 =	vld [tilespmem:s20+$0x1010]  }
0x6d: {  	v12 =	vld [tilespmem:s20+$0x4020]  }
0x6e: {  	v13 =	vld [tilespmem:s20+$0x2010]  }
0x6f: {  	v7 =	vadd.f32 v11, v7;
	v9 =	vcvt.s32.f32 v9;
	v11 =	vld [tilespmem:s20+$0x4030]  }
0x70: {  	v10 =	vcvt.s32.f32 v10;
	v14 =	vld [tilespmem:s20+$0x2020]  }
0x71: {  	v5 =	vadd.f32 v5, v7;
	v15 =	vmul.f32 $3.000000000e+00, v9;
	v6 =	vadd.f32 v1, v6;
	v7 =	vld [tilespmem:s20+$0x2030]  }
0x72: {  	v3 =	vadd.f32 v4, v3;
	v12 =	vcvt.s32.f32 v12;
	v1 =	vld [tilespmem:s20+$0x3030]  }
0x73: {  	s21 =	sadd.s32 $0x200, s21;
	v4 =	vld [tilespmem:s20+$0x3000];
	v5 =	vsub.f32 v15, v5;
	v15 =	vmul.f32 $3.000000000e+00, v10;
	v6 =	vadd.f32 v13, v6  }
0x74: {  	s23 =	sand.u32 $0x40, s22;
	v2 =	vadd.f32 v2, v0;
	s24 =	sand.u32 $0xC00, s21;
	v13 =	vld [tilespmem:s20+$0x3020];
	v16 =	vmul.f32 $3.000000000e+00, v12;
	v11 =	vcvt.s32.f32 v11  }
0x75: {  	v5 =	vmul.f32 v9, v5;
	v9 =	vld [tilespmem:s20+$0x3010];
	s20 =	sor.u32 s23, s24;
	v6 =	vsub.f32 v15, v6;
	v3 =	vadd.f32 v14, v3  }
0x76: {  	v0 =	vld [tilespmem:s20+$0x30];
	v14 =	vmul.f32 $3.000000000e+00, v11;
	v7 =	vadd.f32 v7, v2  }
0x77: {  	v2 =	vld [tilespmem:s20+$0x1030];
	vm0 =	vgt.f32 v5, $0.0e+00;
	v5 =	vmul.f32 v10, v6;
	v6 =	vsub.f32 v16, v3  }
.Ltmp3:
0x78: {  	v3 =	vld [tilespmem:s20+$0x20];
	v10 =	vnsel vm0, $0x0, v4;
	v7 =	vsub.f32 v14, v7;
	(pc) =	sbr.rel @p1 .LBB2_3-.Ltmp3, $4  }
0x79: {  	v4 =	vld [tilespmem:s20+$0x1020];
	v8 =	vadd.f32 v10, v8;
	vm0 =	vgt.f32 v5, $0.0e+00;
	v10 =	vmul.f32 v12, v6  }
0x7a: {  	v5 =	vld [tilespmem:s20+$0x2000];
	v9 =	vnsel vm0, $0x0, v9  }
0x7b: {  	v6 =	vld [tilespmem:s20+$0x10];
	v8 =	vadd.f32 v9, v8;
	vm0 =	vgt.f32 v10, $0.0e+00;
	v9 =	vmul.f32 v11, v7  }
0x7c: {  	s22 =	sadd.s32 $0x40, s22;
	v7 =	vld [tilespmem:s20+$0x0];
	v10 =	vnsel vm0, $0x0, v13  }
0x7d: {  	v11 =	vld [tilespmem:s20+$0x1000]  }
0x7e: {  	v12 =	vld [tilespmem:s20+$0x4000]  }
0x7f: {  	v13 =	vld [tilespmem:s20+$0x4010]  }
0x80: {  	v14 =	vld [tilespmem:s20+$0x1010]  }
0x81: {  	v15 =	vld [tilespmem:s20+$0x4020]  }
0x82: {  	v16 =	vld [tilespmem:s20+$0x2010]  }
0x83: {  	v17 =	vld [tilespmem:s20+$0x4030]  }
0x84: {  	v18 =	vld [tilespmem:s20+$0x2020]  }
0x85: {  	v19 =	vld [tilespmem:s20+$0x2030]  }
0x86: {  	v21 =	vld [tilespmem:s20+$0x3000]  }
0x87: {  	v22 =	vld [tilespmem:s20+$0x3020]  }
0x88: {  	v23 =	vld [tilespmem:s20+$0x3010]  }
0x89: {  	v24 =	vld [tilespmem:s18+$0x10B0];
	v12 =	vcvt.s32.f32 v12;
	v7 =	vadd.f32 v11, v7  }
0x8a: {  	v52 =	vld [tilespmem:s18+$0xA0];
	v8 =	vadd.f32 v10, v8;
	vm0 =	vgt.f32 v9, $0.0e+00;
	v0 =	vadd.f32 v2, v0  }
0x8b: {  	v9 =	vld [tilespmem:s18+$0x10A0];
	v3 =	vadd.f32 v4, v3;
	v5 =	vadd.f32 v5, v7;
	v7 =	vmul.f32 $3.000000000e+00, v12  }
0x8c: {  	v10 =	vld [tilespmem:s18+$0x2080];
	v13 =	vcvt.s32.f32 v13;
	v6 =	vadd.f32 v14, v6;
	v15 =	vcvt.s32.f32 v15  }
0x8d: {  	v53 =	vld [tilespmem:s18+$0x4080];
	v1 =	vnsel vm0, $0x0, v1;
	v3 =	vadd.f32 v18, v3;
	v5 =	vsub.f32 v7, v5  }
0x8e: {  	v54 =	vld [tilespmem:s18+$0x4090];
	v6 =	vadd.f32 v16, v6;
	v2 =	vmul.f32 $3.000000000e+00, v15;
	v7 =	vmul.f32 $3.000000000e+00, v13  }
0x8f: {  	v1 =	vadd.f32 v1, v8;
	v8 =	vld [tilespmem:s18+$0x1080];
	v5 =	vmul.f32 v12, v5  }
0x90: {  	v2 =	vsub.f32 v2, v3;
	v6 =	vsub.f32 v7, v6;
	v7 =	vld [tilespmem:s18+$0x80]  }
0x91: {  	v56 =	vld [tilespmem:s18+$0x40A0];
	vm9 =	vgt.f32 v5, $0.0e+00;
	v5 =	vcvt.s32.f32 v17  }
0x92: {  	v57 =	vld [tilespmem:s18+$0x20A0];
	v2 =	vmul.f32 v15, v2;
	v6 =	vmul.f32 v13, v6;
	v3 =	vnsel vm9, $0x0, v21  }
0x93: {  	v4 =	vld [tilespmem:s18+$0x90];
	v0 =	vadd.f32 v19, v0;
	v1 =	vadd.f32 v3, v1;
	v3 =	vmul.f32 $3.000000000e+00, v5  }
0x94: {  	vm11 =	vgt.f32 v2, $0.0e+00;
	vm10 =	vgt.f32 v6, $0.0e+00;
	v6 =	vld [tilespmem:s18+$0x1090]  }
0x95: {  	v2 =	vcvt.s32.f32 v53;
	v7 =	vadd.f32 v8, v7;
	v8 =	vld [tilespmem:s18+$0x40B0];
	v0 =	vsub.f32 v3, v0  }
0x96: {  	v13 =	vcvt.s32.f32 v54;
	v3 =	vld [tilespmem:s18+$0x2090]  }
0x97: {  	v11 =	vld [tilespmem:s18+$0xB0];
	v58 =	vmul.f32 $3.000000000e+00, v2;
	v55 =	vnsel vm10, $0x0, v23;
	v0 =	vmul.f32 v5, v0  }
0x98: {  	v20 =	vld [tilespmem:s20+$0x3030];
	v59 =	vmul.f32 $3.000000000e+00, v13;
	v1 =	vadd.f32 v55, v1;
	v7 =	vadd.f32 v10, v7  }
0x99: {  	v60 =	vld [tilespmem:s18+$0x30A0];
	v5 =	vnsel vm11, $0x0, v22;
	vm12 =	vgt.f32 v0, $0.0e+00;
	v0 =	vadd.f32 v6, v4  }
0x9a: {  	v10 =	vld [tilespmem:s18+$0x20B0];
	v5 =	vadd.f32 v5, v1;
	v6 =	vcvt.s32.f32 v56;
	v4 =	vadd.f32 v9, v52  }
0x9b: {  	s21 =	simm.s32 $0x200;
	v7 =	vsub.f32 v58, v7;
	v9 =	vld [tilespmem:s18+$0x3080];
	v61 =	vcvt.s32.f32 v8;
	v0 =	vadd.f32 v3, v0  }
0x9c: {  	s31 =	sand.u32 $0xC00, s21;
	v1 =	vld [tilespmem:s18+$0x30B0];
	v3 =	vadd.f32 v24, v11;
	v11 =	vmul.f32 $3.000000000e+00, v6;
	v4 =	vadd.f32 v57, v4  }
0x9d: {  	s20 =	sor.u32 s19, s31;
	v8 =	vld [tilespmem:s18+$0x3090];
	v62 =	vnsel vm12, $0x0, v20;
	v7 =	vmul.f32 v2, v7;
	v14 =	vsub.f32 v59, v0  }
0x9e: {  	v2 =	vld [tilespmem:s20+$0x10B0];
	v5 =	vadd.f32 v62, v5;
	v63 =	vmul.f32 $3.000000000e+00, v61;
	v11 =	vsub.f32 v11, v4  }
0x9f: {  	vm13 =	vgt.f32 v7, $0.0e+00;
	v0 =	vld [tilespmem:s20+$0xB0];
	v10 =	vadd.f32 v10, v3;
	v7 =	vmul.f32 v13, v14  }
0xa0: {  	v3 =	vld [tilespmem:s20+$0xA0];
	v9 =	vnsel vm13, $0x0, v9;
	v11 =	vmul.f32 v6, v11  }
0xa1: {  	v4 =	vld [tilespmem:s20+$0x10A0];
	v10 =	vsub.f32 v63, v10;
	v9 =	vadd.f32 v9, v5;
	vm14 =	vgt.f32 v7, $0.0e+00  }
0xa2: {  	v5 =	vld [tilespmem:s20+$0x2080];
	v7 =	vnsel vm14, $0x0, v8  }
0xa3: {  	v6 =	vld [tilespmem:s20+$0x90];
	vm15 =	vgt.f32 v11, $0.0e+00;
	v8 =	vadd.f32 v7, v9;
	v9 =	vmul.f32 v61, v10  }
0xa4: {  	s18 =	simm.s32 $0x80;
	v7 =	vld [tilespmem:s20+$0x80];
	v10 =	vnsel vm15, $0x0, v60  }
.LBB2_5:
0xa5: {  	p1 =	sne.s32 s18, $0x1C0;
	v11 =	vld [tilespmem:s20+$0x1080];
	v8 =	vadd.f32 v10, v8;
	vm0 =	vgt.f32 v9, $0.0e+00  }
0xa6: {  	v9 =	vld [tilespmem:s20+$0x4080];
	v1 =	vnsel vm0, $0x0, v1  }
0xa7: {  	v10 =	vld [tilespmem:s20+$0x4090];
	v8 =	vadd.f32 v1, v8  }
0xa8: {  	v1 =	vld [tilespmem:s20+$0x1090]  }
0xa9: {  	v12 =	vld [tilespmem:s20+$0x40A0]  }
0xaa: {  	v13 =	vld [tilespmem:s20+$0x2090]  }
0xab: {  	v7 =	vadd.f32 v11, v7;
	v9 =	vcvt.s32.f32 v9;
	v11 =	vld [tilespmem:s20+$0x40B0]  }
0xac: {  	v10 =	vcvt.s32.f32 v10;
	v14 =	vld [tilespmem:s20+$0x20A0]  }
0xad: {  	v5 =	vadd.f32 v5, v7;
	v15 =	vmul.f32 $3.000000000e+00, v9;
	v6 =	vadd.f32 v1, v6;
	v7 =	vld [tilespmem:s20+$0x20B0]  }
0xae: {  	v3 =	vadd.f32 v4, v3;
	v12 =	vcvt.s32.f32 v12;
	v1 =	vld [tilespmem:s20+$0x30B0]  }
0xaf: {  	s21 =	sadd.s32 $0x200, s21;
	v4 =	vld [tilespmem:s20+$0x3080];
	v5 =	vsub.f32 v15, v5;
	v15 =	vmul.f32 $3.000000000e+00, v10;
	v6 =	vadd.f32 v13, v6  }
0xb0: {  	s19 =	sand.u32 $0x40, s18;
	v2 =	vadd.f32 v2, v0;
	s22 =	sand.u32 $0xC00, s21;
	v13 =	vld [tilespmem:s20+$0x30A0];
	v16 =	vmul.f32 $3.000000000e+00, v12;
	v11 =	vcvt.s32.f32 v11  }
0xb1: {  	v5 =	vmul.f32 v9, v5;
	v9 =	vld [tilespmem:s20+$0x3090];
	s20 =	sor.u32 s19, s22;
	v6 =	vsub.f32 v15, v6;
	v3 =	vadd.f32 v14, v3  }
0xb2: {  	v0 =	vld [tilespmem:s20+$0xB0];
	v14 =	vmul.f32 $3.000000000e+00, v11;
	v7 =	vadd.f32 v7, v2  }
0xb3: {  	v2 =	vld [tilespmem:s20+$0x10B0];
	vm0 =	vgt.f32 v5, $0.0e+00;
	v5 =	vmul.f32 v10, v6;
	v6 =	vsub.f32 v16, v3  }
.Ltmp4:
0xb4: {  	v3 =	vld [tilespmem:s20+$0xA0];
	v10 =	vnsel vm0, $0x0, v4;
	v7 =	vsub.f32 v14, v7;
	(pc) =	sbr.rel @p1 .LBB2_5-.Ltmp4, $4  }
0xb5: {  	v4 =	vld [tilespmem:s20+$0x10A0];
	v8 =	vadd.f32 v10, v8;
	vm0 =	vgt.f32 v5, $0.0e+00;
	v10 =	vmul.f32 v12, v6  }
0xb6: {  	v5 =	vld [tilespmem:s20+$0x2080];
	v9 =	vnsel vm0, $0x0, v9  }
0xb7: {  	v6 =	vld [tilespmem:s20+$0x90];
	v8 =	vadd.f32 v9, v8;
	vm0 =	vgt.f32 v10, $0.0e+00;
	v9 =	vmul.f32 v11, v7  }
0xb8: {  	s18 =	sadd.s32 $0x40, s18;
	v7 =	vld [tilespmem:s20+$0x80];
	v10 =	vnsel vm0, $0x0, v13  }
0xb9: {  	v11 =	vld [tilespmem:s20+$0x1080]  }
0xba: {  	v12 =	vld [tilespmem:s20+$0x4080]  }
0xbb: {  	v13 =	vld [tilespmem:s20+$0x4090]  }
0xbc: {  	v14 =	vld [tilespmem:s20+$0x1090]  }
0xbd: {  	v15 =	vld [tilespmem:s20+$0x40A0]  }
0xbe: {  	v16 =	vld [tilespmem:s20+$0x2090]  }
0xbf: {  	v17 =	vld [tilespmem:s20+$0x40B0]  }
0xc0: {  	v18 =	vld [tilespmem:s20+$0x20A0]  }
0xc1: {  	v19 =	vld [tilespmem:s20+$0x20B0]  }
0xc2: {  	v21 =	vld [tilespmem:s20+$0x3080];
	s19 =	simm.s32 $0x0  }
0xc3: {  	v22 =	vld [tilespmem:s20+$0x30A0];
	s18 =	sand.u32 $0x40, s19;
	s21 =	sand.u32 $0xC00, s19  }
0xc4: {  	v23 =	vld [tilespmem:s20+$0x3090];
	s22 =	sor.u32 s18, s21  }
0xc5: {  	v24 =	vld [tilespmem:s22+$0x1130]  }
0xc6: {  	vm0 =	vgt.f32 v9, $0.0e+00;
	v52 =	vld [tilespmem:s22+$0x120];
	v12 =	vcvt.s32.f32 v12;
	v7 =	vadd.f32 v11, v7  }
0xc7: {  	v8 =	vadd.f32 v10, v8;
	v1 =	vnsel vm0, $0x0, v1;
	v9 =	vld [tilespmem:s22+$0x1120];
	v13 =	vcvt.s32.f32 v13  }
0xc8: {  	v10 =	vld [tilespmem:s22+$0x2100];
	v6 =	vadd.f32 v14, v6;
	v5 =	vadd.f32 v5, v7;
	v7 =	vmul.f32 $3.000000000e+00, v12  }
0xc9: {  	v3 =	vadd.f32 v4, v3;
	v1 =	vadd.f32 v1, v8;
	v4 =	vld [tilespmem:s22+$0x110];
	v15 =	vcvt.s32.f32 v15  }
0xca: {  	v8 =	vld [tilespmem:s22+$0x1100];
	v6 =	vadd.f32 v16, v6;
	v5 =	vsub.f32 v7, v5;
	v7 =	vmul.f32 $3.000000000e+00, v13  }
0xcb: {  	v0 =	vadd.f32 v2, v0;
	v53 =	vld [tilespmem:s22+$0x4100];
	v3 =	vadd.f32 v18, v3;
	v2 =	vmul.f32 $3.000000000e+00, v15  }
0xcc: {  	v54 =	vld [tilespmem:s22+$0x4110];
	v5 =	vmul.f32 v12, v5;
	v6 =	vsub.f32 v7, v6  }
0xcd: {  	v2 =	vsub.f32 v2, v3;
	v7 =	vld [tilespmem:s22+$0x100]  }
0xce: {  	v56 =	vld [tilespmem:s22+$0x4120];
	vm9 =	vgt.f32 v5, $0.0e+00;
	v5 =	vcvt.s32.f32 v17;
	v6 =	vmul.f32 v13, v6  }
0xcf: {  	v57 =	vld [tilespmem:s22+$0x2120];
	v0 =	vadd.f32 v19, v0;
	v2 =	vmul.f32 v15, v2;
	v3 =	vnsel vm9, $0x0, v21  }
0xd0: {  	v1 =	vadd.f32 v3, v1;
	v3 =	vmul.f32 $3.000000000e+00, v5;
	vm10 =	vgt.f32 v6, $0.0e+00;
	v6 =	vld [tilespmem:s22+$0x1110]  }
0xd1: {  	v11 =	vld [tilespmem:s22+$0x130];
	v9 =	vadd.f32 v9, v52;
	vm11 =	vgt.f32 v2, $0.0e+00  }
0xd2: {  	v55 =	vnsel vm10, $0x0, v23;
	v7 =	vadd.f32 v8, v7;
	v0 =	vsub.f32 v3, v0;
	v3 =	vld [tilespmem:s22+$0x2110]  }
0xd3: {  	v2 =	vcvt.s32.f32 v53;
	v13 =	vcvt.s32.f32 v54;
	v8 =	vld [tilespmem:s22+$0x4130];
	v1 =	vadd.f32 v55, v1  }
0xd4: {  	v20 =	vld [tilespmem:s20+$0x30B0];
	v7 =	vadd.f32 v10, v7;
	v0 =	vmul.f32 v5, v0;
	v5 =	vnsel vm11, $0x0, v22  }
0xd5: {  	v58 =	vld [tilespmem:s22+$0x3100];
	v5 =	vadd.f32 v5, v1;
	v1 =	vmul.f32 $3.000000000e+00, v2;
	v4 =	vadd.f32 v6, v4  }
0xd6: {  	v9 =	vadd.f32 v57, v9;
	v10 =	vld [tilespmem:s22+$0x2130];
	v6 =	vcvt.s32.f32 v56;
	vm12 =	vgt.f32 v0, $0.0e+00  }
0xd7: {  	s18 =	simm.s32 $0x40;
	s21 =	simm.s32 $0x200;
	v59 =	vld [tilespmem:s22+$0x3120];
	v1 =	vsub.f32 v1, v7;
	v7 =	vmul.f32 $3.000000000e+00, v13;
	v3 =	vadd.f32 v3, v4  }
0xd8: {  	s31 =	sand.u32 $0x40, s18;
	s23 =	sand.u32 $0xC00, s21;
	v60 =	vld [tilespmem:s22+$0x3110];
	v8 =	vcvt.s32.f32 v8;
	v4 =	vadd.f32 v24, v11;
	v11 =	vmul.f32 $3.000000000e+00, v6  }
0xd9: {  	s20 =	sor.u32 s31, s23;
	v0 =	vld [tilespmem:s22+$0x3130];
	v61 =	vnsel vm12, $0x0, v20;
	v62 =	vmul.f32 v2, v1;
	v3 =	vsub.f32 v7, v3  }
0xda: {  	v5 =	vadd.f32 v61, v5;
	v1 =	vld [tilespmem:s20+$0x130];
	v7 =	vmul.f32 $3.000000000e+00, v8;
	v9 =	vsub.f32 v11, v9  }
0xdb: {  	v2 =	vld [tilespmem:s20+$0x1130];
	v10 =	vadd.f32 v10, v4;
	vm13 =	vgt.f32 v62, $0.0e+00;
	v11 =	vmul.f32 v13, v3  }
0xdc: {  	v4 =	vld [tilespmem:s20+$0x1120];
	v9 =	vmul.f32 v6, v9;
	v63 =	vnsel vm13, $0x0, v58  }
0xdd: {  	v3 =	vld [tilespmem:s20+$0x120];
	v7 =	vsub.f32 v7, v10;
	v10 =	vadd.f32 v63, v5;
	vm14 =	vgt.f32 v11, $0.0e+00  }
0xde: {  	v6 =	vld [tilespmem:s20+$0x2100];
	v11 =	vnsel vm14, $0x0, v60  }
0xdf: {  	v5 =	vld [tilespmem:s20+$0x110];
	vm15 =	vgt.f32 v9, $0.0e+00;
	v8 =	vmul.f32 v8, v7;
	v9 =	vadd.f32 v11, v10  }
0xe0: {  	s22 =	simm.s32 $0x80;
	v7 =	vld [tilespmem:s20+$0x100];
	v10 =	vnsel vm15, $0x0, v59  }
.LBB2_7:
0xe1: {  	p1 =	sne.s32 s22, $0x1C0;
	v11 =	vld [tilespmem:s20+$0x1100];
	v9 =	vadd.f32 v10, v9;
	vm0 =	vgt.f32 v8, $0.0e+00  }
0xe2: {  	v8 =	vld [tilespmem:s20+$0x4100];
	v0 =	vnsel vm0, $0x0, v0  }
0xe3: {  	v10 =	vld [tilespmem:s20+$0x4110];
	v9 =	vadd.f32 v0, v9  }
0xe4: {  	v0 =	vld [tilespmem:s20+$0x1110]  }
0xe5: {  	v12 =	vld [tilespmem:s20+$0x4120]  }
0xe6: {  	v13 =	vld [tilespmem:s20+$0x2110]  }
0xe7: {  	v7 =	vadd.f32 v11, v7;
	v8 =	vcvt.s32.f32 v8;
	v11 =	vld [tilespmem:s20+$0x4130]  }
0xe8: {  	v10 =	vcvt.s32.f32 v10;
	v14 =	vld [tilespmem:s20+$0x2120]  }
0xe9: {  	v6 =	vadd.f32 v6, v7;
	v15 =	vmul.f32 $3.000000000e+00, v8;
	v5 =	vadd.f32 v0, v5;
	v7 =	vld [tilespmem:s20+$0x2130]  }
0xea: {  	v3 =	vadd.f32 v4, v3;
	v12 =	vcvt.s32.f32 v12;
	v0 =	vld [tilespmem:s20+$0x3130]  }
0xeb: {  	s21 =	sadd.s32 $0x200, s21;
	v4 =	vld [tilespmem:s20+$0x3100];
	v6 =	vsub.f32 v15, v6;
	v15 =	vmul.f32 $3.000000000e+00, v10;
	v5 =	vadd.f32 v13, v5  }
0xec: {  	s23 =	sand.u32 $0x40, s22;
	v2 =	vadd.f32 v2, v1;
	s24 =	sand.u32 $0xC00, s21;
	v13 =	vld [tilespmem:s20+$0x3120];
	v16 =	vmul.f32 $3.000000000e+00, v12;
	v11 =	vcvt.s32.f32 v11  }
0xed: {  	v6 =	vmul.f32 v8, v6;
	v8 =	vld [tilespmem:s20+$0x3110];
	s20 =	sor.u32 s23, s24;
	v5 =	vsub.f32 v15, v5;
	v3 =	vadd.f32 v14, v3  }
0xee: {  	v1 =	vld [tilespmem:s20+$0x130];
	v14 =	vmul.f32 $3.000000000e+00, v11;
	v7 =	vadd.f32 v7, v2  }
0xef: {  	v2 =	vld [tilespmem:s20+$0x1130];
	vm0 =	vgt.f32 v6, $0.0e+00;
	v5 =	vmul.f32 v10, v5;
	v6 =	vsub.f32 v16, v3  }
.Ltmp5:
0xf0: {  	v3 =	vld [tilespmem:s20+$0x120];
	v10 =	vnsel vm0, $0x0, v4;
	v7 =	vsub.f32 v14, v7;
	(pc) =	sbr.rel @p1 .LBB2_7-.Ltmp5, $4  }
0xf1: {  	v4 =	vld [tilespmem:s20+$0x1120];
	v9 =	vadd.f32 v10, v9;
	vm0 =	vgt.f32 v5, $0.0e+00;
	v10 =	vmul.f32 v12, v6  }
0xf2: {  	v6 =	vld [tilespmem:s20+$0x2100];
	v8 =	vnsel vm0, $0x0, v8  }
0xf3: {  	v5 =	vld [tilespmem:s20+$0x110];
	v9 =	vadd.f32 v8, v9;
	vm0 =	vgt.f32 v10, $0.0e+00;
	v8 =	vmul.f32 v11, v7  }
0xf4: {  	s22 =	sadd.s32 $0x40, s22;
	v7 =	vld [tilespmem:s20+$0x100];
	v10 =	vnsel vm0, $0x0, v13  }
0xf5: {  	v11 =	vld [tilespmem:s20+$0x1100]  }
0xf6: {  	v12 =	vld [tilespmem:s20+$0x4100]  }
0xf7: {  	v13 =	vld [tilespmem:s20+$0x4110]  }
0xf8: {  	v14 =	vld [tilespmem:s20+$0x1110]  }
0xf9: {  	v15 =	vld [tilespmem:s20+$0x4120]  }
0xfa: {  	v16 =	vld [tilespmem:s20+$0x2110]  }
0xfb: {  	v17 =	vld [tilespmem:s20+$0x4130]  }
0xfc: {  	v18 =	vld [tilespmem:s20+$0x2120]  }
0xfd: {  	v19 =	vld [tilespmem:s20+$0x2130];
	s19 =	sand.u32 $0xFFFFFC00, s19  }
0xfe: {  	v21 =	vld [tilespmem:s20+$0x3100];
	s21 =	sadd.s32 $0x0, s19  }
0xff: {  	v22 =	vld [tilespmem:s20+$0x3120];
	s29 =	sor.u32 $0x1B0, s21  }
0x100: {  	s19 =	sor.u32 $0x1A0, s21;
	v23 =	vld [tilespmem:s29+$0x0]  }
0x101: {  	v9 =	vadd.f32 v10, v9;
	vm0 =	vgt.f32 v8, $0.0e+00;
	s22 =	sor.u32 $0x180, s21;
	v51 =	vld [tilespmem:s19+$0x0]  }
0x102: {  	v1 =	vadd.f32 v2, v1;
	s21 =	sor.u32 $0x190, s21;
	v2 =	vld [tilespmem:s22+$0x2000];
	v12 =	vcvt.s32.f32 v12;
	v7 =	vadd.f32 v11, v7  }
0x103: {  	v3 =	vadd.f32 v4, v3;
	v0 =	vnsel vm0, $0x0, v0;
	v54 =	vld [tilespmem:s21+$0x0]  }
0x104: {  	v0 =	vadd.f32 v0, v9;
	v56 =	vld [tilespmem:s22+$0x0];
	v10 =	vmul.f32 $3.000000000e+00, v12;
	v6 =	vadd.f32 v6, v7  }
0x105: {  	v57 =	vld [tilespmem:s22+$0x1000];
	v8 =	vcvt.s32.f32 v13;
	v5 =	vadd.f32 v14, v5;
	v53 =	vcvt.s32.f32 v17  }
0x106: {  	v58 =	vld [tilespmem:s29+$0x4000];
	v4 =	vcvt.s32.f32 v15;
	v1 =	vadd.f32 v19, v1;
	v6 =	vsub.f32 v10, v6  }
0x107: {  	v11 =	vld [tilespmem:s20+$0x3110];
	v5 =	vadd.f32 v16, v5;
	v52 =	vmul.f32 $3.000000000e+00, v8;
	v9 =	vmul.f32 $3.000000000e+00, v53  }
0x108: {  	v3 =	vadd.f32 v18, v3;
	v7 =	vld [tilespmem:s29+$0x1000];
	v55 =	vmul.f32 $3.000000000e+00, v4;
	v6 =	vmul.f32 v12, v6  }
0x109: {  	v5 =	vsub.f32 v52, v5;
	v1 =	vsub.f32 v9, v1;
	v9 =	vld [tilespmem:s21+$0x4000]  }
0x10a: {  	v3 =	vsub.f32 v55, v3;
	vm0 =	vgt.f32 v6, $0.0e+00;
	v6 =	vld [tilespmem:s22+$0x4000]  }
0x10b: {  	v10 =	vld [tilespmem:s19+$0x1000];
	v5 =	vmul.f32 v8, v5  }
0x10c: {  	v3 =	vmul.f32 v4, v3;
	v4 =	vld [tilespmem:s21+$0x1000];
	v8 =	vnsel vm0, $0x0, v21  }
0x10d: {  	v14 =	vcvt.s32.f32 v58;
	vm0 =	vgt.f32 v5, $0.0e+00;
	v0 =	vadd.f32 v8, v0;
	v8 =	vld [tilespmem:s19+$0x4000]  }
0x10e: {  	v1 =	vmul.f32 v53, v1;
	v5 =	vnsel vm0, $0x0, v11;
	vm0 =	vgt.f32 v3, $0.0e+00;
	v3 =	vld [tilespmem:s21+$0x2000]  }
0x10f: {  	v20 =	vld [tilespmem:s20+$0x3130];
	v9 =	vcvt.s32.f32 v9;
	v11 =	vadd.f32 v57, v56;
	v6 =	vcvt.s32.f32 v6  }
0x110: {  	v0 =	vadd.f32 v5, v0;
	v5 =	vnsel vm0, $0x0, v22;
	vm0 =	vgt.f32 v1, $0.0e+00;
	v1 =	vld [tilespmem:s19+$0x2000]  }
0x111: {  	v59 =	vld [tilespmem:s29+$0x2000];
	v4 =	vadd.f32 v4, v54;
	v2 =	vadd.f32 v2, v11;
	v11 =	vmul.f32 $3.000000000e+00, v6  }
0x112: {  	s23 =	simm.s32 $0x200;
	v61 =	vld [tilespmem:s22+$0x3000];
	v7 =	vadd.f32 v7, v23;
	v10 =	vadd.f32 v10, v51;
	v8 =	vcvt.s32.f32 v8  }
0x113: {  	s30 =	sand.u32 $0xFFFFFC00, s23;
	v63 =	vld [tilespmem:s21+$0x3000];
	v3 =	vadd.f32 v3, v4;
	v2 =	vsub.f32 v11, v2;
	v11 =	vmul.f32 $3.000000000e+00, v9  }
0x114: {  	s31 =	sadd.s32 $0x40, s30;
	v60 =	vnsel vm0, $0x0, v20;
	v5 =	vadd.f32 v5, v0;
	v0 =	vld [tilespmem:s29+$0x3000];
	v62 =	vmul.f32 $3.000000000e+00, v8  }
0x115: {  	v4 =	vld [tilespmem:s19+$0x3000];
	s19 =	sor.u32 $0x1B0, s31;
	v10 =	vadd.f32 v1, v10;
	v6 =	vmul.f32 v6, v2;
	v3 =	vsub.f32 v11, v3  }
0x116: {  	v7 =	vadd.f32 v59, v7;
	v1 =	vld [tilespmem:s19+$0x0];
	v11 =	vadd.f32 v60, v5;
	v5 =	vmul.f32 $3.000000000e+00, v14  }
0x117: {  	s20 =	sor.u32 $0x1A0, s31;
	v2 =	vld [tilespmem:s19+$0x1000];
	vm0 =	vgt.f32 v6, $0.0e+00;
	v6 =	vmul.f32 v9, v3;
	v9 =	vsub.f32 v62, v10  }
0x118: {  	v3 =	vld [tilespmem:s20+$0x0];
	v12 =	vsub.f32 v5, v7;
	v10 =	vnsel vm0, $0x0, v61  }
0x119: {  	s22 =	sor.u32 $0x190, s31;
	v5 =	vld [tilespmem:s20+$0x1000];
	v10 =	vadd.f32 v10, v11;
	vm0 =	vgt.f32 v6, $0.0e+00;
	v8 =	vmul.f32 v8, v9  }
0x11a: {  	s23 =	sor.u32 $0x180, s31;
	v7 =	vld [tilespmem:s22+$0x0];
	v9 =	vnsel vm0, $0x0, v63  }
0x11b: {  	s21 =	simm.s32 $0x400;
	v6 =	vld [tilespmem:s23+$0x2000];
	v9 =	vadd.f32 v9, v10;
	vm0 =	vgt.f32 v8, $0.0e+00;
	v8 =	vmul.f32 v14, v12  }
.LBB2_9:
0x11c: {  	p2 =	sne.s32 s21, $0xE00;
	v10 =	vld [tilespmem:s23+$0x0];
	v4 =	vnsel vm0, $0x0, v4  }
0x11d: {  	v11 =	vld [tilespmem:s23+$0x1000];
	v4 =	vadd.f32 v4, v9;
	vm0 =	vgt.f32 v8, $0.0e+00  }
0x11e: {  	v8 =	vld [tilespmem:s23+$0x4000];
	v0 =	vnsel vm0, $0x0, v0  }
0x11f: {  	p1 =	por $0x0, $0x0;
	v9 =	vld [tilespmem:s22+$0x4000];
	v12 =	vadd.f32 v0, v4  }
0x120: {  	v0 =	vld [tilespmem:s22+$0x1000]  }
0x121: {  	v4 =	vld [tilespmem:s20+$0x4000]  }
0x122: {  	v13 =	vld [tilespmem:s22+$0x2000]  }
0x123: {  	v10 =	vadd.f32 v11, v10;
	v8 =	vcvt.s32.f32 v8;
	v11 =	vld [tilespmem:s19+$0x4000]  }
0x124: {  	v9 =	vcvt.s32.f32 v9;
	v14 =	vld [tilespmem:s20+$0x2000]  }
0x125: {  	v6 =	vadd.f32 v6, v10;
	v15 =	vmul.f32 $3.000000000e+00, v8;
	v7 =	vadd.f32 v0, v7;
	v10 =	vld [tilespmem:s19+$0x2000]  }
0x126: {  	v3 =	vadd.f32 v5, v3;
	v16 =	vcvt.s32.f32 v4;
	v0 =	vld [tilespmem:s19+$0x3000]  }
0x127: {  	s18 =	sadd.s32 $0x40, s18;
	s19 =	sand.u32 $0xFFFFFC00, s21;
	v5 =	vld [tilespmem:s23+$0x3000];
	v6 =	vsub.f32 v15, v6;
	v15 =	vmul.f32 $3.000000000e+00, v9;
	v7 =	vadd.f32 v13, v7  }
0x128: {  	v2 =	vadd.f32 v2, v1;
	s24 =	sadd.s32 s19, s18;
	v4 =	vld [tilespmem:s20+$0x3000];
	v13 =	vmul.f32 $3.000000000e+00, v16;
	v11 =	vcvt.s32.f32 v11  }
0x129: {  	s19 =	sor.u32 $0x1B0, s24;
	v6 =	vmul.f32 v8, v6;
	v8 =	vld [tilespmem:s22+$0x3000];
	v7 =	vsub.f32 v15, v7;
	v3 =	vadd.f32 v14, v3  }
0x12a: {  	v1 =	vld [tilespmem:s19+$0x0];
	v14 =	vmul.f32 $3.000000000e+00, v11;
	v10 =	vadd.f32 v10, v2  }
.Ltmp6:
0x12b: {  	s20 =	sor.u32 $0x1A0, s24;
	v2 =	vld [tilespmem:s19+$0x1000];
	vm0 =	vgt.f32 v6, $0.0e+00;
	v6 =	vmul.f32 v9, v7;
	v7 =	vsub.f32 v13, v3;
	(pc) =	sbr.rel @p2 .LBB2_9-.Ltmp6, $4  }
0x12c: {  	v3 =	vld [tilespmem:s20+$0x0];
	v9 =	vnsel vm0, $0x0, v5;
	v10 =	vsub.f32 v14, v10  }
0x12d: {  	s23 =	sor.u32 $0x180, s24;
	v5 =	vld [tilespmem:s20+$0x1000];
	v9 =	vadd.f32 v9, v12;
	vm0 =	vgt.f32 v6, $0.0e+00;
	v12 =	vmul.f32 v16, v7  }
0x12e: {  	s22 =	sor.u32 $0x190, s24;
	v6 =	vld [tilespmem:s23+$0x2000];
	v8 =	vnsel vm0, $0x0, v8  }
0x12f: {  	s21 =	sadd.s32 $0x200, s21;
	v7 =	vld [tilespmem:s22+$0x0];
	v9 =	vadd.f32 v8, v9;
	vm0 =	vgt.f32 v12, $0.0e+00;
	v8 =	vmul.f32 v11, v10  }
0x130: {  	v10 =	vld [tilespmem:s23+$0x0]  }
0x131: {  	v11 =	vld [tilespmem:s23+$0x1000]  }
0x132: {  	v12 =	vld [tilespmem:s23+$0x4000]  }
0x133: {  	v13 =	vld [tilespmem:s22+$0x4000]  }
0x134: {  	v14 =	vld [tilespmem:s22+$0x1000]  }
0x135: {  	v15 =	vld [tilespmem:s20+$0x4000]  }
0x136: {  	v16 =	vld [tilespmem:s22+$0x2000]  }
0x137: {  	v17 =	vld [tilespmem:s19+$0x4000]  }
0x138: {  	v18 =	vld [tilespmem:s20+$0x2000]  }
0x139: {  	v19 =	vld [tilespmem:s19+$0x2000];
	s18 =	simm.s32 $0x1  }
0x13a: {  	v20 =	vld [tilespmem:s19+$0x3000];
	s18 =	simm.s32 @!p1 $0x0  }
0x13b: {  	v21 =	vld [tilespmem:s23+$0x3000];
	s18 =	sshll.u32 s18, $0x6  }
0x13c: {  	v22 =	vld [tilespmem:s20+$0x3000];
	s18 =	sadd.s32 $0x0, s18  }
0x13d: {  	v23 =	vld [tilespmem:s22+$0x3000];
	s28 =	sor.u32 $0x230, s18  }
0x13e: {  	v4 =	vnsel vm0, $0x0, v4;
	v10 =	vadd.f32 v11, v10;
	v11 =	vld [tilespmem:s28+$0x0]  }
0x13f: {  	v4 =	vadd.f32 v4, v9;
	vm9 =	vgt.f32 v8, $0.0e+00;
	s29 =	sor.u32 $0x220, s18;
	v24 =	vld [tilespmem:s28+$0x1000]  }
0x140: {  	v1 =	vadd.f32 v2, v1;
	v3 =	vadd.f32 v5, v3;
	v0 =	vnsel vm9, $0x0, v0;
	s30 =	sor.u32 $0x210, s18;
	v50 =	vld [tilespmem:s29+$0x1000]  }
0x141: {  	v0 =	vadd.f32 v0, v4;
	s21 =	sor.u32 $0x200, s18;
	v12 =	vcvt.s32.f32 v12;
	v8 =	vcvt.s32.f32 v13;
	v2 =	vld [tilespmem:s30+$0x0]  }
0x142: {  	v7 =	vadd.f32 v14, v7;
	v5 =	vcvt.s32.f32 v15;
	v52 =	vcvt.s32.f32 v17;
	v53 =	vld [tilespmem:s21+$0x0]  }
0x143: {  	v3 =	vadd.f32 v18, v3;
	v56 =	vld [tilespmem:s21+$0x4000];
	v9 =	vmul.f32 $3.000000000e+00, v12;
	v6 =	vadd.f32 v6, v10  }
0x144: {  	v55 =	vld [tilespmem:s21+$0x1000];
	v1 =	vadd.f32 v19, v1;
	v7 =	vadd.f32 v16, v7;
	v54 =	vmul.f32 $3.000000000e+00, v5  }
0x145: {  	v10 =	vld [tilespmem:s29+$0x0];
	v51 =	vmul.f32 $3.000000000e+00, v8;
	v4 =	vmul.f32 $3.000000000e+00, v52;
	v6 =	vsub.f32 v9, v6  }
0x146: {  	v9 =	vld [tilespmem:s21+$0x2000];
	v3 =	vsub.f32 v54, v3  }
0x147: {  	v7 =	vsub.f32 v51, v7;
	v1 =	vsub.f32 v4, v1;
	v4 =	vld [tilespmem:s30+$0x1000];
	v6 =	vmul.f32 v12, v6  }
0x148: {  	v57 =	vcvt.s32.f32 v56;
	v3 =	vmul.f32 v5, v3;
	v5 =	vld [tilespmem:s29+$0x4000]  }
0x149: {  	v1 =	vmul.f32 v52, v1;
	vm10 =	vgt.f32 v6, $0.0e+00;
	v6 =	vmul.f32 v8, v7;
	v7 =	vld [tilespmem:s30+$0x4000]  }
0x14a: {  	v58 =	vld [tilespmem:s29+$0x2000];
	v12 =	vadd.f32 v55, v53;
	vm12 =	vgt.f32 v3, $0.0e+00;
	v8 =	vnsel vm10, $0x0, v21  }
0x14b: {  	vm13 =	vgt.f32 v1, $0.0e+00;
	v1 =	vmul.f32 $3.000000000e+00, v57;
	v0 =	vadd.f32 v8, v0;
	v8 =	vld [tilespmem:s30+$0x2000]  }
0x14c: {  	p2 =	por !p1, !p1;
	s23 =	simm.s32 $0x1;
	v3 =	vld [tilespmem:s28+$0x4000];
	v2 =	vadd.f32 v4, v2;
	v4 =	vadd.f32 v9, v12;
	vm11 =	vgt.f32 v6, $0.0e+00  }
0x14d: {  	s23 =	simm.s32 @!p2 $0x0;
	v9 =	vadd.f32 v50, v10;
	v61 =	vnsel vm13, $0x0, v20;
	v6 =	vnsel vm11, $0x0, v23  }
0x14e: {  	s31 =	sshll.u32 s23, $0x6;
	v60 =	vld [tilespmem:s28+$0x2000];
	v62 =	vcvt.s32.f32 v5;
	v1 =	vsub.f32 v1, v4;
	v7 =	vcvt.s32.f32 v7  }
0x14f: {  	s23 =	sadd.s32 $0x200, s31;
	v10 =	vld [tilespmem:s21+$0x3000];
	v9 =	vadd.f32 v58, v9;
	v0 =	vadd.f32 v6, v0;
	v6 =	vnsel vm12, $0x0, v22  }
0x150: {  	s19 =	sor.u32 $0x230, s23;
	v4 =	vld [tilespmem:s29+$0x3000];
	v14 =	vmul.f32 v57, v1;
	v2 =	vadd.f32 v8, v2;
	v8 =	vmul.f32 $3.000000000e+00, v7  }
0x151: {  	v1 =	vld [tilespmem:s19+$0x0];
	v59 =	vadd.f32 v6, v0;
	v6 =	vcvt.s32.f32 v3;
	v3 =	vadd.f32 v24, v11  }
0x152: {  	v11 =	vld [tilespmem:s30+$0x3000];
	vm14 =	vgt.f32 v14, $0.0e+00;
	v5 =	vsub.f32 v8, v2;
	v8 =	vmul.f32 $3.000000000e+00, v62  }
0x153: {  	s20 =	sor.u32 $0x220, s23;
	v0 =	vld [tilespmem:s28+$0x3000];
	v63 =	vmul.f32 $3.000000000e+00, v6;
	v17 =	vadd.f32 v60, v3;
	v12 =	vadd.f32 v61, v59  }
0x154: {  	v3 =	vld [tilespmem:s20+$0x0];
	v10 =	vnsel vm14, $0x0, v10;
	v7 =	vmul.f32 v7, v5;
	v9 =	vsub.f32 v8, v9  }
0x155: {  	v2 =	vld [tilespmem:s19+$0x1000];
	v10 =	vadd.f32 v10, v12  }
0x156: {  	s24 =	sor.u32 $0x200, s23;
	v8 =	vsub.f32 v63, v17;
	v5 =	vld [tilespmem:s20+$0x1000];
	vm15 =	vgt.f32 v7, $0.0e+00;
	v9 =	vmul.f32 v62, v9  }
0x157: {  	s22 =	simm.s32 $0x80;
	s23 =	sor.u32 $0x210, s23;
	s21 =	simm.s32 $0x200;
	v7 =	vld [tilespmem:s24+$0x2000];
	v11 =	vnsel vm15, $0x0, v11  }
.LBB2_11:
0x158: {  	p3 =	sne.s32 s22, $0x1C0;
	v12 =	vld [tilespmem:s23+$0x0];
	v10 =	vadd.f32 v11, v10;
	vm0 =	vgt.f32 v9, $0.0e+00;
	v6 =	vmul.f32 v6, v8  }
0x159: {  	v8 =	vld [tilespmem:s24+$0x0];
	v4 =	vnsel vm0, $0x0, v4  }
0x15a: {  	v9 =	vld [tilespmem:s24+$0x1000];
	v4 =	vadd.f32 v4, v10;
	vm0 =	vgt.f32 v6, $0.0e+00  }
0x15b: {  	v6 =	vld [tilespmem:s24+$0x4000];
	v0 =	vnsel vm0, $0x0, v0  }
0x15c: {  	v10 =	vld [tilespmem:s23+$0x4000];
	v11 =	vadd.f32 v0, v4  }
0x15d: {  	v0 =	vld [tilespmem:s23+$0x1000]  }
0x15e: {  	v4 =	vld [tilespmem:s20+$0x4000]  }
0x15f: {  	v13 =	vld [tilespmem:s23+$0x2000]  }
0x160: {  	v14 =	vcvt.s32.f32 v6;
	v6 =	vadd.f32 v9, v8;
	v8 =	vld [tilespmem:s19+$0x4000]  }
0x161: {  	v9 =	vcvt.s32.f32 v10;
	v10 =	vld [tilespmem:s20+$0x2000]  }
0x162: {  	p2 =	por !p2, !p2;
	s25 =	simm.s32 $0x1;
	v15 =	vmul.f32 $3.000000000e+00, v14;
	v6 =	vadd.f32 v7, v6;
	v7 =	vadd.f32 v0, v12;
	v12 =	vld [tilespmem:s19+$0x2000]  }
0x163: {  	s25 =	simm.s32 @!p2 $0x0;
	v3 =	vadd.f32 v5, v3;
	v16 =	vcvt.s32.f32 v4;
	v0 =	vld [tilespmem:s19+$0x3000]  }
0x164: {  	s21 =	sadd.s32 $0x200, s21;
	s19 =	sshll.u32 s25, $0x6;
	v17 =	vmul.f32 $3.000000000e+00, v9;
	v5 =	vld [tilespmem:s24+$0x3000];
	v15 =	vsub.f32 v15, v6;
	v7 =	vadd.f32 v13, v7  }
0x165: {  	v2 =	vadd.f32 v2, v1;
	s25 =	sadd.s32 s19, s21;
	v4 =	vld [tilespmem:s20+$0x3000];
	v13 =	vmul.f32 $3.000000000e+00, v16;
	v6 =	vcvt.s32.f32 v8  }
0x166: {  	s19 =	sor.u32 $0x230, s25;
	v8 =	vmul.f32 v14, v15;
	v14 =	vld [tilespmem:s23+$0x3000];
	v7 =	vsub.f32 v17, v7;
	v3 =	vadd.f32 v10, v3  }
.Ltmp7:
0x167: {  	v1 =	vld [tilespmem:s19+$0x0];
	v10 =	vmul.f32 $3.000000000e+00, v6;
	v12 =	vadd.f32 v12, v2;
	(pc) =	sbr.rel @p3 .LBB2_11-.Ltmp7, $4  }
0x168: {  	s20 =	sor.u32 $0x220, s25;
	v2 =	vld [tilespmem:s19+$0x1000];
	vm0 =	vgt.f32 v8, $0.0e+00;
	v7 =	vmul.f32 v9, v7;
	v9 =	vsub.f32 v13, v3  }
0x169: {  	v3 =	vld [tilespmem:s20+$0x0];
	v13 =	vnsel vm0, $0x0, v5;
	v8 =	vsub.f32 v10, v12  }
0x16a: {  	s24 =	sor.u32 $0x200, s25;
	v5 =	vld [tilespmem:s20+$0x1000];
	v10 =	vadd.f32 v13, v11;
	vm0 =	vgt.f32 v7, $0.0e+00;
	v9 =	vmul.f32 v16, v9  }
0x16b: {  	s22 =	sadd.s32 $0x40, s22;
	s23 =	sor.u32 $0x210, s25;
	v7 =	vld [tilespmem:s24+$0x2000];
	v11 =	vnsel vm0, $0x0, v14  }
0x16c: {  	v12 =	vld [tilespmem:s23+$0x0]  }
0x16d: {  	v13 =	vld [tilespmem:s24+$0x0]  }
0x16e: {  	v14 =	vld [tilespmem:s24+$0x1000]  }
0x16f: {  	v15 =	vld [tilespmem:s24+$0x4000]  }
0x170: {  	v16 =	vld [tilespmem:s23+$0x4000]  }
0x171: {  	v17 =	vld [tilespmem:s23+$0x1000]  }
0x172: {  	v18 =	vld [tilespmem:s20+$0x4000]  }
0x173: {  	v19 =	vld [tilespmem:s23+$0x2000]  }
0x174: {  	v20 =	vld [tilespmem:s19+$0x4000]  }
0x175: {  	v21 =	vld [tilespmem:s20+$0x2000]  }
0x176: {  	v22 =	vld [tilespmem:s19+$0x2000]  }
0x177: {  	v23 =	vld [tilespmem:s19+$0x3000]  }
0x178: {  	v24 =	vld [tilespmem:s24+$0x3000]  }
0x179: {  	v25 =	vld [tilespmem:s20+$0x3000]  }
0x17a: {  	v10 =	vadd.f32 v11, v10;
	v11 =	vld [tilespmem:s23+$0x3000];
	s29 =	sor.u32 $0x2B0, s18;
	vm0 =	vgt.f32 v9, $0.0e+00;
	v6 =	vmul.f32 v6, v8  }
0x17b: {  	v47 =	vld [tilespmem:s29+$0x0];
	v4 =	vnsel vm0, $0x0, v4;
	v1 =	vadd.f32 v2, v1  }
0x17c: {  	s30 =	sor.u32 $0x2A0, s18;
	v8 =	vld [tilespmem:s29+$0x1000];
	v4 =	vadd.f32 v4, v10;
	vm9 =	vgt.f32 v6, $0.0e+00;
	v3 =	vadd.f32 v5, v3  }
0x17d: {  	v48 =	vld [tilespmem:s30+$0x0];
	v0 =	vnsel vm9, $0x0, v0;
	v9 =	vcvt.s32.f32 v15;
	v13 =	vadd.f32 v14, v13  }
0x17e: {  	s22 =	sor.u32 $0x290, s18;
	v49 =	vld [tilespmem:s30+$0x1000];
	v0 =	vadd.f32 v0, v4;
	v6 =	vcvt.s32.f32 v16;
	v12 =	vadd.f32 v17, v12  }
0x17f: {  	s21 =	sor.u32 $0x280, s18;
	v2 =	vld [tilespmem:s22+$0x0];
	v5 =	vcvt.s32.f32 v18;
	v10 =	vmul.f32 $3.000000000e+00, v9;
	v7 =	vadd.f32 v7, v13  }
0x180: {  	v53 =	vld [tilespmem:s21+$0x4000];
	v50 =	vcvt.s32.f32 v20;
	v12 =	vadd.f32 v19, v12;
	v16 =	vmul.f32 $3.000000000e+00, v6  }
0x181: {  	v52 =	vld [tilespmem:s21+$0x1000];
	v3 =	vadd.f32 v21, v3;
	v51 =	vmul.f32 $3.000000000e+00, v5;
	v7 =	vsub.f32 v10, v7  }
0x182: {  	v1 =	vadd.f32 v22, v1;
	v4 =	vmul.f32 $3.000000000e+00, v50;
	v10 =	vld [tilespmem:s21+$0x2000];
	v12 =	vsub.f32 v16, v12  }
0x183: {  	v3 =	vsub.f32 v51, v3;
	v7 =	vmul.f32 v9, v7;
	v9 =	vld [tilespmem:s21+$0x0]  }
0x184: {  	v1 =	vsub.f32 v4, v1;
	v4 =	vld [tilespmem:s22+$0x1000];
	v6 =	vmul.f32 v6, v12  }
0x185: {  	v55 =	vcvt.s32.f32 v53;
	v3 =	vmul.f32 v5, v3;
	vm10 =	vgt.f32 v7, $0.0e+00;
	v7 =	vld [tilespmem:s22+$0x4000]  }
0x186: {  	v5 =	vld [tilespmem:s30+$0x4000];
	v1 =	vmul.f32 v50, v1;
	vm11 =	vgt.f32 v6, $0.0e+00;
	v54 =	vnsel vm10, $0x0, v24  }
0x187: {  	vm12 =	vgt.f32 v3, $0.0e+00;
	v6 =	vnsel vm11, $0x0, v11;
	v11 =	vld [tilespmem:s22+$0x2000];
	v0 =	vadd.f32 v54, v0  }
0x188: {  	v3 =	vld [tilespmem:s29+$0x4000];
	vm13 =	vgt.f32 v1, $0.0e+00;
	v1 =	vmul.f32 $3.000000000e+00, v55;
	v9 =	vadd.f32 v52, v9  }
0x189: {  	v56 =	vld [tilespmem:s30+$0x2000];
	v2 =	vadd.f32 v4, v2;
	v59 =	vnsel vm13, $0x0, v23;
	v0 =	vadd.f32 v6, v0  }
0x18a: {  	p1 =	por !p1, !p1;
	s18 =	simm.s32 $0x1;
	v58 =	vld [tilespmem:s29+$0x2000];
	v6 =	vnsel vm12, $0x0, v25;
	v7 =	vcvt.s32.f32 v7;
	v4 =	vadd.f32 v10, v9  }
0x18b: {  	s18 =	simm.s32 @!p1 $0x0;
	v61 =	vld [tilespmem:s22+$0x3000];
	v60 =	vcvt.s32.f32 v5;
	v9 =	vadd.f32 v49, v48;
	v57 =	vadd.f32 v6, v0  }
0x18c: {  	s18 =	sshll.u32 s18, $0x6;
	v10 =	vld [tilespmem:s21+$0x3000];
	v2 =	vadd.f32 v11, v2;
	v11 =	vmul.f32 $3.000000000e+00, v7;
	v1 =	vsub.f32 v1, v4  }
0x18d: {  	s31 =	sadd.s32 $0x200, s18;
	v0 =	vld [tilespmem:s29+$0x3000];
	v6 =	vcvt.s32.f32 v3;
	v3 =	vadd.f32 v8, v47;
	v8 =	vmul.f32 $3.000000000e+00, v60  }
0x18e: {  	s19 =	sor.u32 $0x2A0, s31;
	v4 =	vld [tilespmem:s30+$0x3000];
	v9 =	vadd.f32 v56, v9;
	v5 =	vsub.f32 v11, v2;
	v11 =	vmul.f32 v55, v1  }
0x18f: {  	s18 =	sor.u32 $0x2B0, s31;
	v62 =	vmul.f32 $3.000000000e+00, v6;
	v63 =	vadd.f32 v58, v3;
	v13 =	vadd.f32 v59, v57;
	v3 =	vld [tilespmem:s19+$0x0]  }
0x190: {  	v1 =	vld [tilespmem:s18+$0x0];
	v9 =	vsub.f32 v8, v9;
	v7 =	vmul.f32 v7, v5;
	vm14 =	vgt.f32 v11, $0.0e+00  }
0x191: {  	v2 =	vld [tilespmem:s18+$0x1000];
	v8 =	vsub.f32 v62, v63;
	v10 =	vnsel vm14, $0x0, v10  }
0x192: {  	s23 =	sor.u32 $0x280, s31;
	v5 =	vld [tilespmem:s19+$0x1000];
	v9 =	vmul.f32 v60, v9;
	vm15 =	vgt.f32 v7, $0.0e+00;
	v10 =	vadd.f32 v10, v13  }
0x193: {  	s20 =	simm.s32 $0x200;
	s22 =	sor.u32 $0x290, s31;
	s21 =	simm.s32 $0x80;
	v7 =	vld [tilespmem:s23+$0x2000];
	v11 =	vnsel vm15, $0x0, v61  }
.LBB2_13:
0x194: {  	p2 =	sne.s32 s21, $0x1C0;
	v12 =	vld [tilespmem:s22+$0x0];
	v10 =	vadd.f32 v11, v10;
	vm0 =	vgt.f32 v9, $0.0e+00;
	v6 =	vmul.f32 v6, v8  }
0x195: {  	v8 =	vld [tilespmem:s23+$0x0];
	v4 =	vnsel vm0, $0x0, v4  }
0x196: {  	v9 =	vld [tilespmem:s23+$0x1000];
	v4 =	vadd.f32 v4, v10;
	vm0 =	vgt.f32 v6, $0.0e+00  }
0x197: {  	v6 =	vld [tilespmem:s23+$0x4000];
	v0 =	vnsel vm0, $0x0, v0  }
0x198: {  	v10 =	vld [tilespmem:s22+$0x4000];
	v11 =	vadd.f32 v0, v4  }
0x199: {  	v0 =	vld [tilespmem:s22+$0x1000]  }
0x19a: {  	v4 =	vld [tilespmem:s19+$0x4000]  }
0x19b: {  	v13 =	vld [tilespmem:s22+$0x2000]  }
0x19c: {  	v14 =	vcvt.s32.f32 v6;
	v6 =	vadd.f32 v9, v8;
	v8 =	vld [tilespmem:s18+$0x4000]  }
0x19d: {  	v9 =	vcvt.s32.f32 v10;
	v10 =	vld [tilespmem:s19+$0x2000]  }
0x19e: {  	p1 =	por !p1, !p1;
	s24 =	simm.s32 $0x1;
	v15 =	vmul.f32 $3.000000000e+00, v14;
	v6 =	vadd.f32 v7, v6;
	v7 =	vadd.f32 v0, v12;
	v12 =	vld [tilespmem:s18+$0x2000]  }
0x19f: {  	s24 =	simm.s32 @!p1 $0x0;
	v3 =	vadd.f32 v5, v3;
	v16 =	vcvt.s32.f32 v4;
	v0 =	vld [tilespmem:s18+$0x3000]  }
0x1a0: {  	s20 =	sadd.s32 $0x200, s20;
	s18 =	sshll.u32 s24, $0x6;
	v17 =	vmul.f32 $3.000000000e+00, v9;
	v5 =	vld [tilespmem:s23+$0x3000];
	v15 =	vsub.f32 v15, v6;
	v7 =	vadd.f32 v13, v7  }
0x1a1: {  	v2 =	vadd.f32 v2, v1;
	s24 =	sadd.s32 s18, s20;
	v4 =	vld [tilespmem:s19+$0x3000];
	v13 =	vmul.f32 $3.000000000e+00, v16;
	v6 =	vcvt.s32.f32 v8  }
0x1a2: {  	s18 =	sor.u32 $0x2B0, s24;
	v8 =	vmul.f32 v14, v15;
	v14 =	vld [tilespmem:s22+$0x3000];
	v7 =	vsub.f32 v17, v7;
	v3 =	vadd.f32 v10, v3  }
.Ltmp8:
0x1a3: {  	v1 =	vld [tilespmem:s18+$0x0];
	v10 =	vmul.f32 $3.000000000e+00, v6;
	v12 =	vadd.f32 v12, v2;
	(pc) =	sbr.rel @p2 .LBB2_13-.Ltmp8, $4  }
0x1a4: {  	s19 =	sor.u32 $0x2A0, s24;
	v2 =	vld [tilespmem:s18+$0x1000];
	vm0 =	vgt.f32 v8, $0.0e+00;
	v7 =	vmul.f32 v9, v7;
	v9 =	vsub.f32 v13, v3  }
0x1a5: {  	v3 =	vld [tilespmem:s19+$0x0];
	v13 =	vnsel vm0, $0x0, v5;
	v8 =	vsub.f32 v10, v12  }
0x1a6: {  	s23 =	sor.u32 $0x280, s24;
	v5 =	vld [tilespmem:s19+$0x1000];
	v10 =	vadd.f32 v13, v11;
	vm0 =	vgt.f32 v7, $0.0e+00;
	v9 =	vmul.f32 v16, v9  }
0x1a7: {  	s21 =	sadd.s32 $0x40, s21;
	s22 =	sor.u32 $0x290, s24;
	v7 =	vld [tilespmem:s23+$0x2000];
	v11 =	vnsel vm0, $0x0, v14  }
0x1a8: {  	v12 =	vld [tilespmem:s22+$0x0]  }
0x1a9: {  	v13 =	vld [tilespmem:s23+$0x0]  }
0x1aa: {  	v14 =	vld [tilespmem:s23+$0x1000]  }
0x1ab: {  	v15 =	vld [tilespmem:s23+$0x4000]  }
0x1ac: {  	v16 =	vld [tilespmem:s22+$0x4000]  }
0x1ad: {  	v17 =	vld [tilespmem:s22+$0x1000]  }
0x1ae: {  	v18 =	vld [tilespmem:s19+$0x4000]  }
0x1af: {  	v19 =	vld [tilespmem:s22+$0x2000]  }
0x1b0: {  	v20 =	vld [tilespmem:s18+$0x4000]  }
0x1b1: {  	v21 =	vld [tilespmem:s19+$0x2000]  }
0x1b2: {  	v22 =	vld [tilespmem:s18+$0x2000];
	p1 =	por $0x0, $0x0;
	s20 =	simm.s32 $0x1  }
0x1b3: {  	v23 =	vld [tilespmem:s18+$0x3000];
	s20 =	simm.s32 @!p1 $0x0  }
0x1b4: {  	v24 =	vld [tilespmem:s23+$0x3000];
	s29 =	sshll.u32 s20, $0x6  }
0x1b5: {  	v25 =	vld [tilespmem:s19+$0x3000];
	s20 =	sadd.s32 $0x0, s29  }
0x1b6: {  	v10 =	vadd.f32 v11, v10;
	v11 =	vld [tilespmem:s22+$0x3000];
	vm0 =	vgt.f32 v9, $0.0e+00;
	v6 =	vmul.f32 v6, v8;
	s30 =	sor.u32 $0x330, s20  }
0x1b7: {  	v4 =	vnsel vm0, $0x0, v4;
	v1 =	vadd.f32 v2, v1;
	v47 =	vld [tilespmem:s30+$0x0]  }
0x1b8: {  	v4 =	vadd.f32 v4, v10;
	vm9 =	vgt.f32 v6, $0.0e+00;
	v3 =	vadd.f32 v5, v3;
	s18 =	sor.u32 $0x320, s20;
	v8 =	vld [tilespmem:s30+$0x1000]  }
0x1b9: {  	v0 =	vnsel vm9, $0x0, v0;
	v9 =	vcvt.s32.f32 v15;
	v13 =	vadd.f32 v14, v13;
	v48 =	vld [tilespmem:s18+$0x0]  }
0x1ba: {  	s21 =	sor.u32 $0x300, s20;
	s20 =	sor.u32 $0x310, s20;
	v0 =	vadd.f32 v0, v4;
	v6 =	vcvt.s32.f32 v16;
	v12 =	vadd.f32 v17, v12;
	v49 =	vld [tilespmem:s18+$0x1000]  }
0x1bb: {  	v5 =	vcvt.s32.f32 v18;
	v2 =	vld [tilespmem:s20+$0x0];
	v10 =	vmul.f32 $3.000000000e+00, v9;
	v7 =	vadd.f32 v7, v13  }
0x1bc: {  	v50 =	vcvt.s32.f32 v20;
	v53 =	vld [tilespmem:s21+$0x4000];
	v12 =	vadd.f32 v19, v12;
	v16 =	vmul.f32 $3.000000000e+00, v6  }
0x1bd: {  	v3 =	vadd.f32 v21, v3;
	v52 =	vld [tilespmem:s21+$0x1000];
	v51 =	vmul.f32 $3.000000000e+00, v5;
	v7 =	vsub.f32 v10, v7  }
0x1be: {  	v1 =	vadd.f32 v22, v1;
	v4 =	vmul.f32 $3.000000000e+00, v50;
	v10 =	vld [tilespmem:s21+$0x2000];
	v12 =	vsub.f32 v16, v12  }
0x1bf: {  	v3 =	vsub.f32 v51, v3;
	v7 =	vmul.f32 v9, v7;
	v9 =	vld [tilespmem:s21+$0x0]  }
0x1c0: {  	v1 =	vsub.f32 v4, v1;
	v4 =	vld [tilespmem:s20+$0x1000];
	v6 =	vmul.f32 v6, v12  }
0x1c1: {  	v55 =	vcvt.s32.f32 v53;
	v3 =	vmul.f32 v5, v3;
	vm10 =	vgt.f32 v7, $0.0e+00;
	v7 =	vld [tilespmem:s20+$0x4000]  }
0x1c2: {  	v5 =	vld [tilespmem:s18+$0x4000];
	v1 =	vmul.f32 v50, v1;
	vm11 =	vgt.f32 v6, $0.0e+00;
	v54 =	vnsel vm10, $0x0, v24  }
0x1c3: {  	vm12 =	vgt.f32 v3, $0.0e+00;
	v6 =	vnsel vm11, $0x0, v11;
	v11 =	vld [tilespmem:s20+$0x2000];
	v0 =	vadd.f32 v54, v0  }
0x1c4: {  	v3 =	vld [tilespmem:s30+$0x4000];
	vm13 =	vgt.f32 v1, $0.0e+00;
	v1 =	vmul.f32 $3.000000000e+00, v55;
	v9 =	vadd.f32 v52, v9  }
0x1c5: {  	v56 =	vld [tilespmem:s18+$0x2000];
	v2 =	vadd.f32 v4, v2;
	v59 =	vnsel vm13, $0x0, v23;
	v0 =	vadd.f32 v6, v0  }
0x1c6: {  	s22 =	simm.s32 $0x1;
	p1 =	por !p1, !p1;
	v58 =	vld [tilespmem:s30+$0x2000];
	v6 =	vnsel vm12, $0x0, v25;
	v7 =	vcvt.s32.f32 v7;
	v4 =	vadd.f32 v10, v9  }
0x1c7: {  	s22 =	simm.s32 @!p1 $0x0;
	v61 =	vld [tilespmem:s20+$0x3000];
	v60 =	vcvt.s32.f32 v5;
	v9 =	vadd.f32 v49, v48;
	v57 =	vadd.f32 v6, v0  }
0x1c8: {  	s31 =	sshll.u32 s22, $0x6;
	v10 =	vld [tilespmem:s21+$0x3000];
	v2 =	vadd.f32 v11, v2;
	v11 =	vmul.f32 $3.000000000e+00, v7;
	v1 =	vsub.f32 v1, v4  }
0x1c9: {  	s22 =	sadd.s32 $0x200, s31;
	v0 =	vld [tilespmem:s30+$0x3000];
	v6 =	vcvt.s32.f32 v3;
	v3 =	vadd.f32 v8, v47;
	v8 =	vmul.f32 $3.000000000e+00, v60  }
0x1ca: {  	s20 =	sor.u32 $0x320, s22;
	v4 =	vld [tilespmem:s18+$0x3000];
	v9 =	vadd.f32 v56, v9;
	v5 =	vsub.f32 v11, v2;
	v11 =	vmul.f32 v55, v1  }
0x1cb: {  	s19 =	sor.u32 $0x330, s22;
	v62 =	vmul.f32 $3.000000000e+00, v6;
	v63 =	vadd.f32 v58, v3;
	v13 =	vadd.f32 v59, v57;
	v3 =	vld [tilespmem:s20+$0x0]  }
0x1cc: {  	v1 =	vld [tilespmem:s19+$0x0];
	v7 =	vmul.f32 v7, v5;
	vm14 =	vgt.f32 v11, $0.0e+00;
	v11 =	vsub.f32 v8, v9  }
0x1cd: {  	v2 =	vld [tilespmem:s19+$0x1000];
	v8 =	vsub.f32 v62, v63;
	v9 =	vnsel vm14, $0x0, v10  }
0x1ce: {  	s24 =	sor.u32 $0x300, s22;
	s23 =	sor.u32 $0x310, s22;
	v5 =	vld [tilespmem:s20+$0x1000];
	vm15 =	vgt.f32 v7, $0.0e+00;
	v9 =	vadd.f32 v9, v13;
	v10 =	vmul.f32 v60, v11  }
0x1cf: {  	s22 =	simm.s32 $0x80;
	s21 =	simm.s32 $0x200;
	s18 =	simm.s32 $0x0;
	v7 =	vld [tilespmem:s24+$0x2000];
	v11 =	vnsel vm15, $0x0, v61  }
.LBB2_15:
0x1d0: {  	p2 =	sne.s32 s22, $0x1C0;
	v12 =	vld [tilespmem:s23+$0x0];
	v9 =	vadd.f32 v11, v9;
	vm0 =	vgt.f32 v10, $0.0e+00;
	v6 =	vmul.f32 v6, v8  }
0x1d1: {  	v8 =	vld [tilespmem:s24+$0x0];
	v4 =	vnsel vm0, $0x0, v4  }
0x1d2: {  	v10 =	vld [tilespmem:s24+$0x1000];
	v4 =	vadd.f32 v4, v9;
	vm0 =	vgt.f32 v6, $0.0e+00  }
0x1d3: {  	v6 =	vld [tilespmem:s24+$0x4000];
	v0 =	vnsel vm0, $0x0, v0  }
0x1d4: {  	v9 =	vld [tilespmem:s23+$0x4000];
	v11 =	vadd.f32 v0, v4  }
0x1d5: {  	v0 =	vld [tilespmem:s23+$0x1000]  }
0x1d6: {  	v4 =	vld [tilespmem:s20+$0x4000]  }
0x1d7: {  	v13 =	vld [tilespmem:s23+$0x2000]  }
0x1d8: {  	v14 =	vcvt.s32.f32 v6;
	v6 =	vadd.f32 v10, v8;
	v8 =	vld [tilespmem:s19+$0x4000]  }
0x1d9: {  	v9 =	vcvt.s32.f32 v9;
	v10 =	vld [tilespmem:s20+$0x2000]  }
0x1da: {  	p1 =	por !p1, !p1;
	s25 =	simm.s32 $0x1;
	v15 =	vmul.f32 $3.000000000e+00, v14;
	v6 =	vadd.f32 v7, v6;
	v7 =	vadd.f32 v0, v12;
	v12 =	vld [tilespmem:s19+$0x2000]  }
0x1db: {  	s25 =	simm.s32 @!p1 $0x0;
	v3 =	vadd.f32 v5, v3;
	v16 =	vcvt.s32.f32 v4;
	v0 =	vld [tilespmem:s19+$0x3000]  }
0x1dc: {  	s21 =	sadd.s32 $0x200, s21;
	s19 =	sshll.u32 s25, $0x6;
	v17 =	vmul.f32 $3.000000000e+00, v9;
	v5 =	vld [tilespmem:s24+$0x3000];
	v15 =	vsub.f32 v15, v6;
	v7 =	vadd.f32 v13, v7  }
0x1dd: {  	v2 =	vadd.f32 v2, v1;
	s25 =	sadd.s32 s19, s21;
	v4 =	vld [tilespmem:s20+$0x3000];
	v13 =	vmul.f32 $3.000000000e+00, v16;
	v6 =	vcvt.s32.f32 v8  }
0x1de: {  	s19 =	sor.u32 $0x330, s25;
	v8 =	vmul.f32 v14, v15;
	v14 =	vld [tilespmem:s23+$0x3000];
	v7 =	vsub.f32 v17, v7;
	v3 =	vadd.f32 v10, v3  }
.Ltmp9:
0x1df: {  	v1 =	vld [tilespmem:s19+$0x0];
	v10 =	vmul.f32 $3.000000000e+00, v6;
	v12 =	vadd.f32 v12, v2;
	(pc) =	sbr.rel @p2 .LBB2_15-.Ltmp9, $4  }
0x1e0: {  	s20 =	sor.u32 $0x320, s25;
	v2 =	vld [tilespmem:s19+$0x1000];
	vm0 =	vgt.f32 v8, $0.0e+00;
	v7 =	vmul.f32 v9, v7;
	v13 =	vsub.f32 v13, v3  }
0x1e1: {  	v3 =	vld [tilespmem:s20+$0x0];
	v9 =	vnsel vm0, $0x0, v5;
	v8 =	vsub.f32 v10, v12  }
0x1e2: {  	s24 =	sor.u32 $0x300, s25;
	v5 =	vld [tilespmem:s20+$0x1000];
	v9 =	vadd.f32 v9, v11;
	vm0 =	vgt.f32 v7, $0.0e+00;
	v10 =	vmul.f32 v16, v13  }
0x1e3: {  	s22 =	sadd.s32 $0x40, s22;
	s23 =	sor.u32 $0x310, s25;
	v7 =	vld [tilespmem:s24+$0x2000];
	v11 =	vnsel vm0, $0x0, v14  }
0x1e4: {  	v12 =	vld [tilespmem:s23+$0x0]  }
0x1e5: {  	v13 =	vld [tilespmem:s24+$0x0]  }
0x1e6: {  	v14 =	vld [tilespmem:s24+$0x1000]  }
0x1e7: {  	v15 =	vld [tilespmem:s24+$0x4000]  }
0x1e8: {  	v16 =	vld [tilespmem:s23+$0x4000]  }
0x1e9: {  	v17 =	vld [tilespmem:s23+$0x1000]  }
0x1ea: {  	v18 =	vld [tilespmem:s20+$0x4000]  }
0x1eb: {  	v19 =	vld [tilespmem:s23+$0x2000]  }
0x1ec: {  	v20 =	vld [tilespmem:s19+$0x4000]  }
0x1ed: {  	v21 =	vld [tilespmem:s20+$0x2000]  }
0x1ee: {  	v22 =	vld [tilespmem:s19+$0x2000]  }
0x1ef: {  	v23 =	vld [tilespmem:s19+$0x3000]  }
0x1f0: {  	v24 =	vld [tilespmem:s24+$0x3000];
	v9 =	vadd.f32 v11, v9;
	vm0 =	vgt.f32 v10, $0.0e+00;
	v6 =	vmul.f32 v6, v8  }
0x1f1: {  	v11 =	vld [tilespmem:s20+$0x3000];
	v4 =	vnsel vm0, $0x0, v4;
	v1 =	vadd.f32 v2, v1  }
0x1f2: {  	v50 =	vld [tilespmem:s23+$0x3000];
	s29 =	sor.u32 $0x3B0, s18;
	v4 =	vadd.f32 v4, v9;
	vm0 =	vgt.f32 v6, $0.0e+00;
	v3 =	vadd.f32 v5, v3  }
0x1f3: {  	s30 =	sor.u32 $0x3A0, s18;
	v8 =	vld [tilespmem:s29+$0x0];
	v0 =	vnsel vm0, $0x0, v0;
	v10 =	vcvt.s32.f32 v15;
	v13 =	vadd.f32 v14, v13  }
0x1f4: {  	s21 =	sor.u32 $0x380, s18;
	v52 =	vld [tilespmem:s30+$0x0];
	v0 =	vadd.f32 v0, v4;
	v6 =	vcvt.s32.f32 v16;
	v12 =	vadd.f32 v17, v12  }
0x1f5: {  	v2 =	vld [tilespmem:s21+$0x2000];
	v53 =	vcvt.s32.f32 v20;
	v9 =	vmul.f32 $3.000000000e+00, v10;
	v7 =	vadd.f32 v7, v13  }
0x1f6: {  	v55 =	vld [tilespmem:s21+$0x0];
	v5 =	vcvt.s32.f32 v18;
	v1 =	vadd.f32 v22, v1;
	v12 =	vadd.f32 v19, v12  }
0x1f7: {  	v56 =	vld [tilespmem:s21+$0x1000];
	v16 =	vmul.f32 $3.000000000e+00, v6;
	v4 =	vmul.f32 $3.000000000e+00, v53;
	v7 =	vsub.f32 v9, v7  }
0x1f8: {  	s22 =	sor.u32 $0x390, s18;
	v58 =	vld [tilespmem:s30+$0x4000];
	v3 =	vadd.f32 v21, v3;
	v54 =	vmul.f32 $3.000000000e+00, v5  }
0x1f9: {  	v12 =	vsub.f32 v16, v12;
	v1 =	vsub.f32 v4, v1;
	v4 =	vld [tilespmem:s22+$0x4000];
	v7 =	vmul.f32 v10, v7  }
0x1fa: {  	v3 =	vsub.f32 v54, v3;
	v10 =	vld [tilespmem:s22+$0x0]  }
0x1fb: {  	v6 =	vmul.f32 v6, v12;
	vm0 =	vgt.f32 v7, $0.0e+00;
	v7 =	vld [tilespmem:s21+$0x4000]  }
0x1fc: {  	v3 =	vmul.f32 v5, v3;
	v5 =	vld [tilespmem:s22+$0x1000];
	v57 =	vnsel vm0, $0x0, v24  }
0x1fd: {  	v59 =	vld [tilespmem:s29+$0x4000];
	vm0 =	vgt.f32 v6, $0.0e+00;
	v0 =	vadd.f32 v57, v0  }
0x1fe: {  	v9 =	vld [tilespmem:s30+$0x1000];
	v6 =	vnsel vm0, $0x0, v50  }
0x1ff: {  	v1 =	vmul.f32 v53, v1;
	vm0 =	vgt.f32 v3, $0.0e+00;
	v3 =	vld [tilespmem:s22+$0x2000];
	v0 =	vadd.f32 v6, v0  }
0x200: {  	v51 =	vld [tilespmem:s29+$0x1000];
	v6 =	vnsel vm0, $0x0, v11;
	v11 =	vadd.f32 v56, v55;
	v7 =	vcvt.s32.f32 v7  }
0x201: {  	v4 =	vcvt.s32.f32 v4;
	v5 =	vadd.f32 v5, v10;
	vm0 =	vgt.f32 v1, $0.0e+00;
	v1 =	vld [tilespmem:s30+$0x2000]  }
0x202: {  	v10 =	vld [tilespmem:s29+$0x2000];
	v0 =	vadd.f32 v6, v0;
	v6 =	vadd.f32 v2, v11;
	v11 =	vmul.f32 $3.000000000e+00, v7  }
0x203: {  	v61 =	vld [tilespmem:s21+$0x3000];
	v63 =	vcvt.s32.f32 v59;
	v12 =	vcvt.s32.f32 v58;
	v9 =	vadd.f32 v9, v52  }
0x204: {  	v62 =	vld [tilespmem:s30+$0x3000];
	v3 =	vadd.f32 v3, v5;
	v6 =	vsub.f32 v11, v6;
	v11 =	vmul.f32 $3.000000000e+00, v4  }
0x205: {  	s31 =	simm.s32 $0x240;
	v60 =	vnsel vm0, $0x0, v23;
	v2 =	vld [tilespmem:s29+$0x3000];
	v5 =	vadd.f32 v51, v8;
	v8 =	vmul.f32 $3.000000000e+00, v12  }
0x206: {  	s18 =	sor.u32 $0x3B0, s31;
	v9 =	vadd.f32 v1, v9;
	v6 =	vmul.f32 v7, v6;
	v7 =	vld [tilespmem:s22+$0x3000];
	v3 =	vsub.f32 v11, v3  }
0x207: {  	v14 =	vmul.f32 $3.000000000e+00, v63;
	v5 =	vadd.f32 v10, v5;
	v1 =	vld [tilespmem:s18+$0x1000];
	v11 =	vadd.f32 v60, v0  }
0x208: {  	s21 =	sor.u32 $0x380, s31;
	v0 =	vld [tilespmem:s18+$0x0];
	v8 =	vsub.f32 v8, v9;
	vm0 =	vgt.f32 v6, $0.0e+00;
	v6 =	vmul.f32 v4, v3  }
0x209: {  	s19 =	sor.u32 $0x3A0, s31;
	v10 =	vsub.f32 v14, v5;
	v5 =	vld [tilespmem:s21+$0x2000];
	v9 =	vnsel vm0, $0x0, v61  }
0x20a: {  	v3 =	vld [tilespmem:s19+$0x0];
	v8 =	vmul.f32 v12, v8;
	v9 =	vadd.f32 v9, v11;
	vm0 =	vgt.f32 v6, $0.0e+00  }
0x20b: {  	s20 =	sor.u32 $0x390, s31;
	v4 =	vld [tilespmem:s19+$0x1000];
	v7 =	vnsel vm0, $0x0, v7  }
0x20c: {  	v10 =	vmul.f32 v63, v10;
	v6 =	vld [tilespmem:s20+$0x0];
	vm0 =	vgt.f32 v8, $0.0e+00;
	v7 =	vadd.f32 v7, v9  }
0x20d: {  	v8 =	vld [tilespmem:s21+$0x0];
	v11 =	vnsel vm0, $0x0, v62  }
0x20e: {  	s22 =	simm.s32 $0x480;
	v9 =	vld [tilespmem:s21+$0x1000];
	vm0 =	vgt.f32 v10, $0.0e+00;
	v7 =	vadd.f32 v11, v7  }
.LBB2_17:
0x20f: {  	p1 =	sne.s32 s22, $0xFC0;
	v10 =	vld [tilespmem:s21+$0x4000];
	v2 =	vnsel vm0, $0x0, v2  }
0x210: {  	v11 =	vld [tilespmem:s20+$0x4000];
	v7 =	vadd.f32 v2, v7  }
0x211: {  	v2 =	vld [tilespmem:s20+$0x1000]  }
0x212: {  	v12 =	vld [tilespmem:s19+$0x4000]  }
0x213: {  	v13 =	vld [tilespmem:s20+$0x2000]  }
0x214: {  	v8 =	vadd.f32 v9, v8;
	v10 =	vcvt.s32.f32 v10;
	v9 =	vld [tilespmem:s18+$0x4000]  }
0x215: {  	v11 =	vcvt.s32.f32 v11;
	v14 =	vld [tilespmem:s19+$0x2000]  }
0x216: {  	v5 =	vadd.f32 v5, v8;
	v15 =	vmul.f32 $3.000000000e+00, v10;
	v6 =	vadd.f32 v2, v6;
	v8 =	vld [tilespmem:s18+$0x2000]  }
0x217: {  	v3 =	vadd.f32 v4, v3;
	v12 =	vcvt.s32.f32 v12;
	v2 =	vld [tilespmem:s18+$0x3000]  }
0x218: {  	v4 =	vld [tilespmem:s21+$0x3000];
	v5 =	vsub.f32 v15, v5;
	v15 =	vmul.f32 $3.000000000e+00, v11;
	v6 =	vadd.f32 v13, v6  }
0x219: {  	v1 =	vadd.f32 v1, v0;
	v13 =	vld [tilespmem:s19+$0x3000];
	v16 =	vmul.f32 $3.000000000e+00, v12;
	v9 =	vcvt.s32.f32 v9  }
0x21a: {  	s18 =	sor.u32 $0x3B0, s22;
	v5 =	vmul.f32 v10, v5;
	v10 =	vld [tilespmem:s20+$0x3000];
	v6 =	vsub.f32 v15, v6;
	v3 =	vadd.f32 v14, v3  }
0x21b: {  	v0 =	vld [tilespmem:s18+$0x0];
	v14 =	vmul.f32 $3.000000000e+00, v9;
	v8 =	vadd.f32 v8, v1  }
0x21c: {  	s19 =	sor.u32 $0x3A0, s22;
	v1 =	vld [tilespmem:s18+$0x1000];
	vm0 =	vgt.f32 v5, $0.0e+00;
	v5 =	vmul.f32 v11, v6;
	v6 =	vsub.f32 v16, v3  }
0x21d: {  	v3 =	vld [tilespmem:s19+$0x0];
	v11 =	vnsel vm0, $0x0, v4;
	v8 =	vsub.f32 v14, v8  }
.Ltmp10:
0x21e: {  	s21 =	sor.u32 $0x380, s22;
	v4 =	vld [tilespmem:s19+$0x1000];
	v7 =	vadd.f32 v11, v7;
	vm0 =	vgt.f32 v5, $0.0e+00;
	v11 =	vmul.f32 v12, v6;
	(pc) =	sbr.rel @p1 .LBB2_17-.Ltmp10, $4  }
0x21f: {  	s20 =	sor.u32 $0x390, s22;
	v5 =	vld [tilespmem:s21+$0x2000];
	v10 =	vnsel vm0, $0x0, v10  }
0x220: {  	v6 =	vld [tilespmem:s20+$0x0];
	v7 =	vadd.f32 v10, v7;
	vm0 =	vgt.f32 v11, $0.0e+00;
	v10 =	vmul.f32 v9, v8  }
0x221: {  	v8 =	vld [tilespmem:s21+$0x0];
	v11 =	vnsel vm0, $0x0, v13  }
0x222: {  	s22 =	sadd.s32 $0x240, s22;
	v9 =	vld [tilespmem:s21+$0x1000];
	v7 =	vadd.f32 v11, v7;
	vm0 =	vgt.f32 v10, $0.0e+00  }
.Ltmp11:
0x223: {  	_ = 	snop;
	(pc) =	sbr.rel .LBB2_18-.Ltmp11, $1  }
0x224: {  	_ =	sdelay $0x3  }
.LBB2_20:
0x225: {  	_ =	sfence.sel $0x180000  }
0x226: {  	[bflag:$0x0] =	sbarrier.arrive $0xFFFF  }
0x227: {  	p0 =	sne.s32 s0, $0x0;
	_ =	strace $0x90000047  }
0x228: {  	s0 =	sadd.s32 @!p0 $0x100000, s1;
	[bflag:$0x2] =	sbarrier.arrive $0xFFFF  }
0x229: {  	[sflag:s0] =	ssyncadd.tile.s32 @!p0 $0x1;
	_ =	shalt  }
.Lfunc_end2:
_tile_overlayer_lowered:
.L_overlay_start_2:
0x22a: {  	(tag) =	ssettag $0x2  }
0x22b: {  	s0 =	rddreg [dreg:$0x0];
	s2 =	stileid.u32  }
0x22c: {  	s1 =	rddreg [dreg:$0x1];
	p0 =	sne.s32 s2, $0x0  }
0x22d: {  	s3 =	rddreg [dreg:$0x2];
	[bflag:$0x3] =	sbarrier.arrive $0xFFFF;
	s2 =	simm.s32 @!p0 $0x1C02  }
0x22e: {  	[timem:s3], [sflag:s2] =	dma.local @!p0 [hbm:s0], s1  }
0x22f: {  	s0 =	simm.s32 @!p0 $0x2  }
0x230: {  	_ =	swait.ge @!p0 [sflag:s0], s1  }
0x231: {  	s1 =	ssub.s32 @!p0 $0x0, s1;
	[sflag:s0] =	ssyncset.done @!p0 $0x0  }
0x232: {  	[sflag:s0] =	ssyncadd.s32 @!p0 s1  }
0x233: {  	[bflag:$0x3] =	sbarrier.arrive $0xFFFF  }
0x234: {  	_ =	shalt  }

</sc_bundles>
